<compile_context>
chip_gen: v7x
topology: tpu7x:2x2x1
jax: 0.10.2.dev20260603
libtpu: 0.0.44.dev20260713+nightly
codegen_flags: <defaults>
</compile_context>

<pallas_src>
import functools

import jax
import jax.numpy as jnp
from jax import lax
from jax.experimental import pallas as pl
from jax.experimental.pallas import tpu as pltpu
from jax.experimental.pallas import tpu_sc as plsc

EMB_DIM = 128
N_EDGES = 320000
T_ROWS = 64
NUM_CORES = 2
NUM_SUBCORES = 16
NUM_WORKERS = NUM_CORES * NUM_SUBCORES
LANES = 16
CHUNK = 80
NSETS = 8
PREF = 4

BPW = N_EDGES // NUM_WORKERS
NCHUNKS = BPW // CHUNK
NBODY = -(-(NCHUNKS + PREF) // NSETS) * NSETS


def _table_body(w0_ref, w1_ref, w2_ref, t_ref):
    t_ref[...] = jnp.zeros((T_ROWS, EMB_DIM), jnp.float32)
    for i in range(5):
        for j in range(6):
            for k in range(2):
                r = (i * 6 + j) * 2 + k
                t_ref[pl.ds(r, 1), :] = (
                    w0_ref[pl.ds(i, 1), :]
                    + w1_ref[pl.ds(j, 1), :]
                    + w2_ref[pl.ds(k, 1), :]
                )


def _build_table(W0, W1, W2):
    return pl.pallas_call(
        _table_body,
        out_shape=jax.ShapeDtypeStruct((T_ROWS, EMB_DIM), jnp.float32),
    )(W0, W1, W2)


def _sc_lookup(a0, a1, a2, table):
    mesh = plsc.VectorSubcoreMesh(core_axis_name="c", subcore_axis_name="s")

    @functools.partial(
        pl.kernel,
        mesh=mesh,
        out_type=jax.ShapeDtypeStruct((N_EDGES, EMB_DIM), jnp.float32),
        scratch_types=[
            pltpu.VMEM((BPW,), jnp.int32),
            pltpu.VMEM((BPW,), jnp.int32),
            pltpu.VMEM((BPW,), jnp.int32),
            pltpu.VMEM((BPW,), jnp.int32),
            pltpu.VMEM_SHARED((T_ROWS, EMB_DIM), jnp.float32),
        ]
        + [pltpu.VMEM((CHUNK, EMB_DIM), jnp.float32) for _ in range(NSETS)]
        + [pltpu.SemaphoreType.DMA for _ in range(2 * NSETS)],
    )
    def body(a0_hbm, a1_hbm, a2_hbm, t_hbm, out_hbm, c0_v, c1_v, c2_v,
             codes_v, t_sh, *rest):
        bufs = rest[:NSETS]
        gsems = rest[NSETS:2 * NSETS]
        ssems = rest[2 * NSETS:]
        wid = lax.axis_index("s") * NUM_CORES + lax.axis_index("c")
        base = wid * BPW

        @pl.when(lax.axis_index("s") == 0)
        def _():
            pltpu.sync_copy(t_hbm, t_sh)

        cp0 = pltpu.async_copy(a0_hbm.at[pl.ds(base, BPW)], c0_v, gsems[0])
        cp1 = pltpu.async_copy(a1_hbm.at[pl.ds(base, BPW)], c1_v, gsems[1])
        cp2 = pltpu.async_copy(a2_hbm.at[pl.ds(base, BPW)], c2_v, gsems[2])
        cp0.wait()
        cp1.wait()
        cp2.wait()

        def compute_codes(i):
            for u in range(CHUNK // LANES):
                o = pl.multiple_of(i * CHUNK + u * LANES, LANES)
                codes_v[pl.ds(o, LANES)] = (
                    c0_v[pl.ds(o, LANES)] * 12
                    + c1_v[pl.ds(o, LANES)] * 2
                    + c2_v[pl.ds(o, LANES)]
                )

        plsc.subcore_barrier()

        def fire_gather(i, p):
            off = pl.multiple_of(i * CHUNK, CHUNK)
            idx = codes_v.at[pl.ds(off, CHUNK)]
            pltpu.async_copy(t_sh.at[idx], bufs[p], gsems[p])

        def fire_scatter(i, p):
            off = pl.multiple_of(i * CHUNK, CHUNK)
            pltpu.async_copy(bufs[p], out_hbm.at[pl.ds(base + off, CHUNK)],
                             ssems[p])

        def drain_gather(p):
            pltpu.make_async_copy(out_hbm.at[pl.ds(0, CHUNK)], bufs[p],
                                  gsems[p]).wait()

        def drain_scatter(p):
            pltpu.make_async_copy(bufs[p], out_hbm.at[pl.ds(0, CHUNK)],
                                  ssems[p]).wait()

        for c in range(PREF):
            compute_codes(c)
            fire_gather(c, c)

        def super_body(s, _):
            for p in range(NSETS):
                g = s * NSETS + p
                sp = (p + PREF) % NSETS

                @pl.when((g >= PREF) & (g < NCHUNKS + PREF))
                def _():
                    drain_scatter(sp)

                @pl.when(g + PREF < NCHUNKS)
                def _():
                    compute_codes(g + PREF)
                    fire_gather(g + PREF, sp)

                @pl.when(g < NCHUNKS)
                def _():
                    drain_gather(p)
                    fire_scatter(g, p)

            return 0

        lax.fori_loop(0, NBODY // NSETS, super_body, 0)

    return body(a0, a1, a2, table)


def kernel(edge_attr, W0, W1, W2):
    table = _build_table(W0, W1, W2)
    a0 = edge_attr[:, 0]
    a1 = edge_attr[:, 1]
    a2 = edge_attr[:, 2]
    return _sc_lookup(a0, a1, a2, table)

# --- scband reference (transcript-rebuilt; emitter-appended) ---
"""Pipeline reference for scband-bond-encoder-3874060501560 (READ-ONLY COPY).

The authoritative reference and input builder live on the scoring server;
editing this copy changes nothing except your own understanding.
"""

import jax, jax.numpy as jnp
import numpy as np
from math import sqrt

BOND_DIMS = [5, 6, 2]  # get_bond_feature_dims() from OGB
EMB_DIM = 128
N_EDGES = 320000

def _xavier_uniform(key, fan_in, fan_out):
    a = sqrt(6.0 / (fan_in + fan_out))
    return jax.random.uniform(key, (fan_in, fan_out), dtype=jnp.float32, minval=-a, maxval=a)

def setup_inputs(seed: int = 0) -> dict:
    key = jax.random.key(seed)
    k_idx, k0, k1, k2 = jax.random.split(key, 4)
    edge_attr = jax.random.randint(k_idx, (N_EDGES, 3), 0, 2, dtype=jnp.int32)
    W0 = _xavier_uniform(k0, BOND_DIMS[0], EMB_DIM)
    W1 = _xavier_uniform(k1, BOND_DIMS[1], EMB_DIM)
    W2 = _xavier_uniform(k2, BOND_DIMS[2], EMB_DIM)
    return {"edge_attr": edge_attr, "W0": W0, "W1": W1, "W2": W2}

def reference(edge_attr, W0, W1, W2):
    # bond_embedding = sum_i emb_i(edge_attr[:, i])
    bond_embedding = jnp.take(W0, edge_attr[:, 0], axis=0)
    bond_embedding = bond_embedding + jnp.take(W1, edge_attr[:, 1], axis=0)
    bond_embedding = bond_embedding + jnp.take(W2, edge_attr[:, 2], axis=0)
    return bond_embedding

if __name__ == "__main__":
    import jax
    _d = setup_inputs()
    print(jax.jit(kernel)(*tuple(_d.values())))

</pallas_src>

<mosaic_0001>
#map = affine_map<(d0, d1) -> (0)>
#map1 = affine_map<(d0, d1) -> (0, 0)>
module attributes {stable_mosaic.version = 14 : i64} {
  func.func @body(%arg0: i32, %arg1: i32, %arg2: memref<320000xi32, #tpu.memory_space<hbm>>, %arg3: memref<320000xi32, #tpu.memory_space<hbm>>, %arg4: memref<320000xi32, #tpu.memory_space<hbm>>, %arg5: memref<64x128xf32, #tpu.memory_space<hbm>>, %arg6: memref<320000x128xf32, #tpu.memory_space<hbm>>, %arg7: memref<10000xi32, #tpu.memory_space<vmem>>, %arg8: memref<10000xi32, #tpu.memory_space<vmem>>, %arg9: memref<10000xi32, #tpu.memory_space<vmem>>, %arg10: memref<10000xi32, #tpu.memory_space<vmem>>, %arg11: memref<64x128xf32, #tpu.memory_space<vmem_shared>>, %arg12: memref<80x128xf32, #tpu.memory_space<vmem>>, %arg13: memref<80x128xf32, #tpu.memory_space<vmem>>, %arg14: memref<80x128xf32, #tpu.memory_space<vmem>>, %arg15: memref<80x128xf32, #tpu.memory_space<vmem>>, %arg16: memref<80x128xf32, #tpu.memory_space<vmem>>, %arg17: memref<80x128xf32, #tpu.memory_space<vmem>>, %arg18: memref<80x128xf32, #tpu.memory_space<vmem>>, %arg19: memref<80x128xf32, #tpu.memory_space<vmem>>, %arg20: memref<!tpu.dma_semaphore, #tpu.memory_space<semaphore_mem>>, %arg21: memref<!tpu.dma_semaphore, #tpu.memory_space<semaphore_mem>>, %arg22: memref<!tpu.dma_semaphore, #tpu.memory_space<semaphore_mem>>, %arg23: memref<!tpu.dma_semaphore, #tpu.memory_space<semaphore_mem>>, %arg24: memref<!tpu.dma_semaphore, #tpu.memory_space<semaphore_mem>>, %arg25: memref<!tpu.dma_semaphore, #tpu.memory_space<semaphore_mem>>, %arg26: memref<!tpu.dma_semaphore, #tpu.memory_space<semaphore_mem>>, %arg27: memref<!tpu.dma_semaphore, #tpu.memory_space<semaphore_mem>>, %arg28: memref<!tpu.dma_semaphore, #tpu.memory_space<semaphore_mem>>, %arg29: memref<!tpu.dma_semaphore, #tpu.memory_space<semaphore_mem>>, %arg30: memref<!tpu.dma_semaphore, #tpu.memory_space<semaphore_mem>>, %arg31: memref<!tpu.dma_semaphore, #tpu.memory_space<semaphore_mem>>, %arg32: memref<!tpu.dma_semaphore, #tpu.memory_space<semaphore_mem>>, %arg33: memref<!tpu.dma_semaphore, #tpu.memory_space<semaphore_mem>>, %arg34: memref<!tpu.dma_semaphore, #tpu.memory_space<semaphore_mem>>, %arg35: memref<!tpu.dma_semaphore, #tpu.memory_space<semaphore_mem>>) attributes {dimension_semantics = [#tpu.dimension_semantics<core_parallel>, #tpu.dimension_semantics<subcore_parallel>], iteration_bounds = array<i64: 2, 16>, scalar_prefetch = 0 : i64, scratch_operands = 29 : i64, tpu.core_type = #tpu.core_type<sc_vector_subcore>, window_params = [{transform_indices = #map}, {transform_indices = #map}, {transform_indices = #map}, {transform_indices = #map1}, {transform_indices = #map1}]} {
    %mul3A = arith.constant 2 : i32
    %mul3A_0 = arith.muli %arg1, %mul3A : i32
    %add3A = arith.addi %mul3A_0, %arg0 : i32
    %mul3A_1 = arith.constant 10000 : i32
    %mul3A_2 = arith.muli %add3A, %mul3A_1 : i32
    %eq3A = arith.constant 0 : i32
    %eq3A_3 = arith.cmpi eq, %arg1, %eq3A : i32
    %convert_element_type3A = arith.extui %eq3A_3 : i1 to i32
    %cond3A = arith.constant 0 : i32
    %cond3A_4 = arith.cmpi ne, %convert_element_type3A, %cond3A : i32
    scf.if %cond3A_4 {
      "tpu.region"() ({
        %run_scoped3A = tpu.sem_alloc : memref<!tpu.dma_semaphore, #tpu.memory_space<semaphore_mem>>
        tpu.enqueue_dma source(%arg5 : memref<64x128xf32, #tpu.memory_space<hbm>>) target(%arg11 : memref<64x128xf32, #tpu.memory_space<vmem_shared>>) target_semaphore(%run_scoped3A : memref<!tpu.dma_semaphore, #tpu.memory_space<semaphore_mem>>)
        tpu.wait_dma2 semaphore(%run_scoped3A : memref<!tpu.dma_semaphore, #tpu.memory_space<semaphore_mem>>) src(%arg5 : memref<64x128xf32, #tpu.memory_space<hbm>>) dst(%arg11 : memref<64x128xf32, #tpu.memory_space<vmem_shared>>)
        tpu.yield
      }) : () -> ()
    } else {
    }
    %dma_start3A = tpu.memref_slice %arg2[%mul3A_2] : memref<320000xi32, #tpu.memory_space<hbm>> -> memref<10000xi32, #tpu.memory_space<hbm>>
    %dma_start3A_5 = tpu.memref_slice %arg2[%mul3A_2] : memref<320000xi32, #tpu.memory_space<hbm>> -> memref<10000xi32, #tpu.memory_space<hbm>>
    tpu.enqueue_dma source(%dma_start3A_5 : memref<10000xi32, #tpu.memory_space<hbm>>) target(%arg7 : memref<10000xi32, #tpu.memory_space<vmem>>) target_semaphore(%arg20 : memref<!tpu.dma_semaphore, #tpu.memory_space<semaphore_mem>>)
    %dma_start3A_6 = tpu.memref_slice %arg3[%mul3A_2] : memref<320000xi32, #tpu.memory_space<hbm>> -> memref<10000xi32, #tpu.memory_space<hbm>>
    %dma_start3A_7 = tpu.memref_slice %arg3[%mul3A_2] : memref<320000xi32, #tpu.memory_space<hbm>> -> memref<10000xi32, #tpu.memory_space<hbm>>
    tpu.enqueue_dma source(%dma_start3A_7 : memref<10000xi32, #tpu.memory_space<hbm>>) target(%arg8 : memref<10000xi32, #tpu.memory_space<vmem>>) target_semaphore(%arg21 : memref<!tpu.dma_semaphore, #tpu.memory_space<semaphore_mem>>)
    %dma_start3A_8 = tpu.memref_slice %arg4[%mul3A_2] : memref<320000xi32, #tpu.memory_space<hbm>> -> memref<10000xi32, #tpu.memory_space<hbm>>
    %dma_start3A_9 = tpu.memref_slice %arg4[%mul3A_2] : memref<320000xi32, #tpu.memory_space<hbm>> -> memref<10000xi32, #tpu.memory_space<hbm>>
    tpu.enqueue_dma source(%dma_start3A_9 : memref<10000xi32, #tpu.memory_space<hbm>>) target(%arg9 : memref<10000xi32, #tpu.memory_space<vmem>>) target_semaphore(%arg22 : memref<!tpu.dma_semaphore, #tpu.memory_space<semaphore_mem>>)
    %dma_wait3A = tpu.memref_slice %arg2[%mul3A_2] : memref<320000xi32, #tpu.memory_space<hbm>> -> memref<10000xi32, #tpu.memory_space<hbm>>
    %dma_wait3A_10 = tpu.memref_slice %arg2[%mul3A_2] : memref<320000xi32, #tpu.memory_space<hbm>> -> memref<10000xi32, #tpu.memory_space<hbm>>
    tpu.wait_dma2 semaphore(%arg20 : memref<!tpu.dma_semaphore, #tpu.memory_space<semaphore_mem>>) src(%dma_wait3A_10 : memref<10000xi32, #tpu.memory_space<hbm>>) dst(%arg7 : memref<10000xi32, #tpu.memory_space<vmem>>)
    %dma_wait3A_11 = tpu.memref_slice %arg3[%mul3A_2] : memref<320000xi32, #tpu.memory_space<hbm>> -> memref<10000xi32, #tpu.memory_space<hbm>>
    %dma_wait3A_12 = tpu.memref_slice %arg3[%mul3A_2] : memref<320000xi32, #tpu.memory_space<hbm>> -> memref<10000xi32, #tpu.memory_space<hbm>>
    tpu.wait_dma2 semaphore(%arg21 : memref<!tpu.dma_semaphore, #tpu.memory_space<semaphore_mem>>) src(%dma_wait3A_12 : memref<10000xi32, #tpu.memory_space<hbm>>) dst(%arg8 : memref<10000xi32, #tpu.memory_space<vmem>>)
    %dma_wait3A_13 = tpu.memref_slice %arg4[%mul3A_2] : memref<320000xi32, #tpu.memory_space<hbm>> -> memref<10000xi32, #tpu.memory_space<hbm>>
    %dma_wait3A_14 = tpu.memref_slice %arg4[%mul3A_2] : memref<320000xi32, #tpu.memory_space<hbm>> -> memref<10000xi32, #tpu.memory_space<hbm>>
    tpu.wait_dma2 semaphore(%arg22 : memref<!tpu.dma_semaphore, #tpu.memory_space<semaphore_mem>>) src(%dma_wait3A_14 : memref<10000xi32, #tpu.memory_space<hbm>>) dst(%arg9 : memref<10000xi32, #tpu.memory_space<vmem>>)
    %barrier3A = arith.constant 0 : index
    tpu.barrier barrier_id(%barrier3A)
    %multiple_of3A = arith.constant 0 : i32
    %multiple_of3A_15 = tpu.assume_multiple %multiple_of3A, 16 : i32
    %get3A = arith.index_cast %multiple_of3A_15 : i32 to index
    %get3A_16 = tpu.vector_load %arg7[%get3A] {strides = array<i32>} : memref<10000xi32, #tpu.memory_space<vmem>>, vector<16xi32>,
    %get3A_17 = vector.shape_cast %get3A_16 : vector<16xi32> to vector<16xi32>
    %mul3A_18 = arith.constant 12 : i32
    %mul3A_19 = vector.broadcast %mul3A_18 : i32 to vector<16xi32>
    %mul3A_20 = arith.muli %get3A_17, %mul3A_19 : vector<16xi32>
    %get3A_21 = arith.index_cast %multiple_of3A_15 : i32 to index
    %get3A_22 = tpu.vector_load %arg8[%get3A_21] {strides = array<i32>} : memref<10000xi32, #tpu.memory_space<vmem>>, vector<16xi32>,
    %get3A_23 = vector.shape_cast %get3A_22 : vector<16xi32> to vector<16xi32>
    %mul3A_24 = arith.constant 2 : i32
    %mul3A_25 = vector.broadcast %mul3A_24 : i32 to vector<16xi32>
    %mul3A_26 = arith.muli %get3A_23, %mul3A_25 : vector<16xi32>
    %add3A_27 = arith.addi %mul3A_20, %mul3A_26 : vector<16xi32>
    %get3A_28 = arith.index_cast %multiple_of3A_15 : i32 to index
    %get3A_29 = tpu.vector_load %arg9[%get3A_28] {strides = array<i32>} : memref<10000xi32, #tpu.memory_space<vmem>>, vector<16xi32>,
    %get3A_30 = vector.shape_cast %get3A_29 : vector<16xi32> to vector<16xi32>
    %add3A_31 = arith.addi %add3A_27, %get3A_30 : vector<16xi32>
    %swap3A = arith.index_cast %multiple_of3A_15 : i32 to index
    %swap3A_32 = tpu.vector_load %arg10[%swap3A] {strides = array<i32>} : memref<10000xi32, #tpu.memory_space<vmem>>, vector<16xi32>,
    %swap3A_33 = vector.shape_cast %swap3A_32 : vector<16xi32> to vector<16xi32>
    %swap3A_34 = vector.shape_cast %add3A_31 : vector<16xi32> to vector<16xi32>
    tpu.vector_store %arg10[%swap3A], %swap3A_34 {strides = array<i32>} : memref<10000xi32, #tpu.memory_space<vmem>>, vector<16xi32>,
    %multiple_of3A_35 = arith.constant 16 : i32
    %multiple_of3A_36 = tpu.assume_multiple %multiple_of3A_35, 16 : i32
    %get3A_37 = arith.index_cast %multiple_of3A_36 : i32 to index
    %get3A_38 = tpu.vector_load %arg7[%get3A_37] {strides = array<i32>} : memref<10000xi32, #tpu.memory_space<vmem>>, vector<16xi32>,
    %get3A_39 = vector.shape_cast %get3A_38 : vector<16xi32> to vector<16xi32>
    %mul3A_40 = arith.constant 12 : i32
    %mul3A_41 = vector.broadcast %mul3A_40 : i32 to vector<16xi32>
    %mul3A_42 = arith.muli %get3A_39, %mul3A_41 : vector<16xi32>
    %get3A_43 = arith.index_cast %multiple_of3A_36 : i32 to index
    %get3A_44 = tpu.vector_load %arg8[%get3A_43] {strides = array<i32>} : memref<10000xi32, #tpu.memory_space<vmem>>, vector<16xi32>,
    %get3A_45 = vector.shape_cast %get3A_44 : vector<16xi32> to vector<16xi32>
    %mul3A_46 = arith.constant 2 : i32
    %mul3A_47 = vector.broadcast %mul3A_46 : i32 to vector<16xi32>
    %mul3A_48 = arith.muli %get3A_45, %mul3A_47 : vector<16xi32>
    %add3A_49 = arith.addi %mul3A_42, %mul3A_48 : vector<16xi32>
    %get3A_50 = arith.index_cast %multiple_of3A_36 : i32 to index
    %get3A_51 = tpu.vector_load %arg9[%get3A_50] {strides = array<i32>} : memref<10000xi32, #tpu.memory_space<vmem>>, vector<16xi32>,
    %get3A_52 = vector.shape_cast %get3A_51 : vector<16xi32> to vector<16xi32>
    %add3A_53 = arith.addi %add3A_49, %get3A_52 : vector<16xi32>
    %swap3A_54 = arith.index_cast %multiple_of3A_36 : i32 to index
    %swap3A_55 = tpu.vector_load %arg10[%swap3A_54] {strides = array<i32>} : memref<10000xi32, #tpu.memory_space<vmem>>, vector<16xi32>,
    %swap3A_56 = vector.shape_cast %swap3A_55 : vector<16xi32> to vector<16xi32>
    %swap3A_57 = vector.shape_cast %add3A_53 : vector<16xi32> to vector<16xi32>
    tpu.vector_store %arg10[%swap3A_54], %swap3A_57 {strides = array<i32>} : memref<10000xi32, #tpu.memory_space<vmem>>, vector<16xi32>,
    %multiple_of3A_58 = arith.constant 32 : i32
    %multiple_of3A_59 = tpu.assume_multiple %multiple_of3A_58, 16 : i32
    %get3A_60 = arith.index_cast %multiple_of3A_59 : i32 to index
    %get3A_61 = tpu.vector_load %arg7[%get3A_60] {strides = array<i32>} : memref<10000xi32, #tpu.memory_space<vmem>>, vector<16xi32>,
    %get3A_62 = vector.shape_cast %get3A_61 : vector<16xi32> to vector<16xi32>
    %mul3A_63 = arith.constant 12 : i32
    %mul3A_64 = vector.broadcast %mul3A_63 : i32 to vector<16xi32>
    %mul3A_65 = arith.muli %get3A_62, %mul3A_64 : vector<16xi32>
    %get3A_66 = arith.index_cast %multiple_of3A_59 : i32 to index
    %get3A_67 = tpu.vector_load %arg8[%get3A_66] {strides = array<i32>} : memref<10000xi32, #tpu.memory_space<vmem>>, vector<16xi32>,
    %get3A_68 = vector.shape_cast %get3A_67 : vector<16xi32> to vector<16xi32>
    %mul3A_69 = arith.constant 2 : i32
    %mul3A_70 = vector.broadcast %mul3A_69 : i32 to vector<16xi32>
    %mul3A_71 = arith.muli %get3A_68, %mul3A_70 : vector<16xi32>
    %add3A_72 = arith.addi %mul3A_65, %mul3A_71 : vector<16xi32>
    %get3A_73 = arith.index_cast %multiple_of3A_59 : i32 to index
    %get3A_74 = tpu.vector_load %arg9[%get3A_73] {strides = array<i32>} : memref<10000xi32, #tpu.memory_space<vmem>>, vector<16xi32>,
    %get3A_75 = vector.shape_cast %get3A_74 : vector<16xi32> to vector<16xi32>
    %add3A_76 = arith.addi %add3A_72, %get3A_75 : vector<16xi32>
    %swap3A_77 = arith.index_cast %multiple_of3A_59 : i32 to index
    %swap3A_78 = tpu.vector_load %arg10[%swap3A_77] {strides = array<i32>} : memref<10000xi32, #tpu.memory_space<vmem>>, vector<16xi32>,
    %swap3A_79 = vector.shape_cast %swap3A_78 : vector<16xi32> to vector<16xi32>
    %swap3A_80 = vector.shape_cast %add3A_76 : vector<16xi32> to vector<16xi32>
    tpu.vector_store %arg10[%swap3A_77], %swap3A_80 {strides = array<i32>} : memref<10000xi32, #tpu.memory_space<vmem>>, vector<16xi32>,
    %multiple_of3A_81 = arith.constant 48 : i32
    %multiple_of3A_82 = tpu.assume_multiple %multiple_of3A_81, 16 : i32
    %get3A_83 = arith.index_cast %multiple_of3A_82 : i32 to index
    %get3A_84 = tpu.vector_load %arg7[%get3A_83] {strides = array<i32>} : memref<10000xi32, #tpu.memory_space<vmem>>, vector<16xi32>,
    %get3A_85 = vector.shape_cast %get3A_84 : vector<16xi32> to vector<16xi32>
    %mul3A_86 = arith.constant 12 : i32
    %mul3A_87 = vector.broadcast %mul3A_86 : i32 to vector<16xi32>
    %mul3A_88 = arith.muli %get3A_85, %mul3A_87 : vector<16xi32>
    %get3A_89 = arith.index_cast %multiple_of3A_82 : i32 to index
    %get3A_90 = tpu.vector_load %arg8[%get3A_89] {strides = array<i32>} : memref<10000xi32, #tpu.memory_space<vmem>>, vector<16xi32>,
    %get3A_91 = vector.shape_cast %get3A_90 : vector<16xi32> to vector<16xi32>
    %mul3A_92 = arith.constant 2 : i32
    %mul3A_93 = vector.broadcast %mul3A_92 : i32 to vector<16xi32>
    %mul3A_94 = arith.muli %get3A_91, %mul3A_93 : vector<16xi32>
    %add3A_95 = arith.addi %mul3A_88, %mul3A_94 : vector<16xi32>
    %get3A_96 = arith.index_cast %multiple_of3A_82 : i32 to index
    %get3A_97 = tpu.vector_load %arg9[%get3A_96] {strides = array<i32>} : memref<10000xi32, #tpu.memory_space<vmem>>, vector<16xi32>,
    %get3A_98 = vector.shape_cast %get3A_97 : vector<16xi32> to vector<16xi32>
    %add3A_99 = arith.addi %add3A_95, %get3A_98 : vector<16xi32>
    %swap3A_100 = arith.index_cast %multiple_of3A_82 : i32 to index
    %swap3A_101 = tpu.vector_load %arg10[%swap3A_100] {strides = array<i32>} : memref<10000xi32, #tpu.memory_space<vmem>>, vector<16xi32>,
    %swap3A_102 = vector.shape_cast %swap3A_101 : vector<16xi32> to vector<16xi32>
    %swap3A_103 = vector.shape_cast %add3A_99 : vector<16xi32> to vector<16xi32>
    tpu.vector_store %arg10[%swap3A_100], %swap3A_103 {strides = array<i32>} : memref<10000xi32, #tpu.memory_space<vmem>>, vector<16xi32>,
    %multiple_of3A_104 = arith.constant 64 : i32
    %multiple_of3A_105 = tpu.assume_multiple %multiple_of3A_104, 16 : i32
    %get3A_106 = arith.index_cast %multiple_of3A_105 : i32 to index
    %get3A_107 = tpu.vector_load %arg7[%get3A_106] {strides = array<i32>} : memref<10000xi32, #tpu.memory_space<vmem>>, vector<16xi32>,
    %get3A_108 = vector.shape_cast %get3A_107 : vector<16xi32> to vector<16xi32>
    %mul3A_109 = arith.constant 12 : i32
    %mul3A_110 = vector.broadcast %mul3A_109 : i32 to vector<16xi32>
    %mul3A_111 = arith.muli %get3A_108, %mul3A_110 : vector<16xi32>
    %get3A_112 = arith.index_cast %multiple_of3A_105 : i32 to index
    %get3A_113 = tpu.vector_load %arg8[%get3A_112] {strides = array<i32>} : memref<10000xi32, #tpu.memory_space<vmem>>, vector<16xi32>,
    %get3A_114 = vector.shape_cast %get3A_113 : vector<16xi32> to vector<16xi32>
    %mul3A_115 = arith.constant 2 : i32
    %mul3A_116 = vector.broadcast %mul3A_115 : i32 to vector<16xi32>
    %mul3A_117 = arith.muli %get3A_114, %mul3A_116 : vector<16xi32>
    %add3A_118 = arith.addi %mul3A_111, %mul3A_117 : vector<16xi32>
    %get3A_119 = arith.index_cast %multiple_of3A_105 : i32 to index
    %get3A_120 = tpu.vector_load %arg9[%get3A_119] {strides = array<i32>} : memref<10000xi32, #tpu.memory_space<vmem>>, vector<16xi32>,
    %get3A_121 = vector.shape_cast %get3A_120 : vector<16xi32> to vector<16xi32>
    %add3A_122 = arith.addi %add3A_118, %get3A_121 : vector<16xi32>
    %swap3A_123 = arith.index_cast %multiple_of3A_105 : i32 to index
    %swap3A_124 = tpu.vector_load %arg10[%swap3A_123] {strides = array<i32>} : memref<10000xi32, #tpu.memory_space<vmem>>, vector<16xi32>,
    %swap3A_125 = vector.shape_cast %swap3A_124 : vector<16xi32> to vector<16xi32>
    %swap3A_126 = vector.shape_cast %add3A_122 : vector<16xi32> to vector<16xi32>
    tpu.vector_store %arg10[%swap3A_123], %swap3A_126 {strides = array<i32>} : memref<10000xi32, #tpu.memory_space<vmem>>, vector<16xi32>,
    %multiple_of3A_127 = arith.constant 0 : i32
    %multiple_of3A_128 = tpu.assume_multiple %multiple_of3A_127, 80 : i32
    %dma_start3A_129 = tpu.memref_slice %arg10[%multiple_of3A_128] : memref<10000xi32, #tpu.memory_space<vmem>> -> memref<80xi32, #tpu.memory_space<vmem>>
    %dma_start3A_130 = arith.constant 0 : i32
    %dma_start3A_131 = arith.constant 0 : i32
    %dma_start3A_132 = tpu.memref_slice %arg11[%dma_start3A_130, %dma_start3A_131] : memref<64x128xf32, #tpu.memory_space<vmem_shared>> -> memref<64x128xf32, #tpu.memory_space<vmem_shared>>
    tpu.enqueue_indirect_dma source(%dma_start3A_132 : memref<64x128xf32, #tpu.memory_space<vmem_shared>>) target(%arg12 : memref<80x128xf32, #tpu.memory_space<vmem>>) offsets(%dma_start3A_129 : memref<80xi32, #tpu.memory_space<vmem>>) semaphore(%arg20 : memref<!tpu.dma_semaphore, #tpu.memory_space<semaphore_mem>>)
    %multiple_of3A_133 = arith.constant 80 : i32
    %multiple_of3A_134 = tpu.assume_multiple %multiple_of3A_133, 16 : i32
    %get3A_135 = arith.index_cast %multiple_of3A_134 : i32 to index
    %get3A_136 = tpu.vector_load %arg7[%get3A_135] {strides = array<i32>} : memref<10000xi32, #tpu.memory_space<vmem>>, vector<16xi32>,
    %get3A_137 = vector.shape_cast %get3A_136 : vector<16xi32> to vector<16xi32>
    %mul3A_138 = arith.constant 12 : i32
    %mul3A_139 = vector.broadcast %mul3A_138 : i32 to vector<16xi32>
    %mul3A_140 = arith.muli %get3A_137, %mul3A_139 : vector<16xi32>
    %get3A_141 = arith.index_cast %multiple_of3A_134 : i32 to index
    %get3A_142 = tpu.vector_load %arg8[%get3A_141] {strides = array<i32>} : memref<10000xi32, #tpu.memory_space<vmem>>, vector<16xi32>,
    %get3A_143 = vector.shape_cast %get3A_142 : vector<16xi32> to vector<16xi32>
    %mul3A_144 = arith.constant 2 : i32
    %mul3A_145 = vector.broadcast %mul3A_144 : i32 to vector<16xi32>
    %mul3A_146 = arith.muli %get3A_143, %mul3A_145 : vector<16xi32>
    %add3A_147 = arith.addi %mul3A_140, %mul3A_146 : vector<16xi32>
    %get3A_148 = arith.index_cast %multiple_of3A_134 : i32 to index
    %get3A_149 = tpu.vector_load %arg9[%get3A_148] {strides = array<i32>} : memref<10000xi32, #tpu.memory_space<vmem>>, vector<16xi32>,
    %get3A_150 = vector.shape_cast %get3A_149 : vector<16xi32> to vector<16xi32>
    %add3A_151 = arith.addi %add3A_147, %get3A_150 : vector<16xi32>
    %swap3A_152 = arith.index_cast %multiple_of3A_134 : i32 to index
    %swap3A_153 = tpu.vector_load %arg10[%swap3A_152] {strides = array<i32>} : memref<10000xi32, #tpu.memory_space<vmem>>, vector<16xi32>,
    %swap3A_154 = vector.shape_cast %swap3A_153 : vector<16xi32> to vector<16xi32>
    %swap3A_155 = vector.shape_cast %add3A_151 : vector<16xi32> to vector<16xi32>
    tpu.vector_store %arg10[%swap3A_152], %swap3A_155 {strides = array<i32>} : memref<10000xi32, #tpu.memory_space<vmem>>, vector<16xi32>,
    %multiple_of3A_156 = arith.constant 96 : i32
    %multiple_of3A_157 = tpu.assume_multiple %multiple_of3A_156, 16 : i32
    %get3A_158 = arith.index_cast %multiple_of3A_157 : i32 to index
    %get3A_159 = tpu.vector_load %arg7[%get3A_158] {strides = array<i32>} : memref<10000xi32, #tpu.memory_space<vmem>>, vector<16xi32>,
    %get3A_160 = vector.shape_cast %get3A_159 : vector<16xi32> to vector<16xi32>
    %mul3A_161 = arith.constant 12 : i32
    %mul3A_162 = vector.broadcast %mul3A_161 : i32 to vector<16xi32>
    %mul3A_163 = arith.muli %get3A_160, %mul3A_162 : vector<16xi32>
    %get3A_164 = arith.index_cast %multiple_of3A_157 : i32 to index
    %get3A_165 = tpu.vector_load %arg8[%get3A_164] {strides = array<i32>} : memref<10000xi32, #tpu.memory_space<vmem>>, vector<16xi32>,
    %get3A_166 = vector.shape_cast %get3A_165 : vector<16xi32> to vector<16xi32>
    %mul3A_167 = arith.constant 2 : i32
    %mul3A_168 = vector.broadcast %mul3A_167 : i32 to vector<16xi32>
    %mul3A_169 = arith.muli %get3A_166, %mul3A_168 : vector<16xi32>
    %add3A_170 = arith.addi %mul3A_163, %mul3A_169 : vector<16xi32>
    %get3A_171 = arith.index_cast %multiple_of3A_157 : i32 to index
    %get3A_172 = tpu.vector_load %arg9[%get3A_171] {strides = array<i32>} : memref<10000xi32, #tpu.memory_space<vmem>>, vector<16xi32>,
    %get3A_173 = vector.shape_cast %get3A_172 : vector<16xi32> to vector<16xi32>
    %add3A_174 = arith.addi %add3A_170, %get3A_173 : vector<16xi32>
    %swap3A_175 = arith.index_cast %multiple_of3A_157 : i32 to index
    %swap3A_176 = tpu.vector_load %arg10[%swap3A_175] {strides = array<i32>} : memref<10000xi32, #tpu.memory_space<vmem>>, vector<16xi32>,
    %swap3A_177 = vector.shape_cast %swap3A_176 : vector<16xi32> to vector<16xi32>
    %swap3A_178 = vector.shape_cast %add3A_174 : vector<16xi32> to vector<16xi32>
    tpu.vector_store %arg10[%swap3A_175], %swap3A_178 {strides = array<i32>} : memref<10000xi32, #tpu.memory_space<vmem>>, vector<16xi32>,
    %multiple_of3A_179 = arith.constant 112 : i32
    %multiple_of3A_180 = tpu.assume_multiple %multiple_of3A_179, 16 : i32
    %get3A_181 = arith.index_cast %multiple_of3A_180 : i32 to index
    %get3A_182 = tpu.vector_load %arg7[%get3A_181] {strides = array<i32>} : memref<10000xi32, #tpu.memory_space<vmem>>, vector<16xi32>,
    %get3A_183 = vector.shape_cast %get3A_182 : vector<16xi32> to vector<16xi32>
    %mul3A_184 = arith.constant 12 : i32
    %mul3A_185 = vector.broadcast %mul3A_184 : i32 to vector<16xi32>
    %mul3A_186 = arith.muli %get3A_183, %mul3A_185 : vector<16xi32>
    %get3A_187 = arith.index_cast %multiple_of3A_180 : i32 to index
    %get3A_188 = tpu.vector_load %arg8[%get3A_187] {strides = array<i32>} : memref<10000xi32, #tpu.memory_space<vmem>>, vector<16xi32>,
    %get3A_189 = vector.shape_cast %get3A_188 : vector<16xi32> to vector<16xi32>
    %mul3A_190 = arith.constant 2 : i32
    %mul3A_191 = vector.broadcast %mul3A_190 : i32 to vector<16xi32>
    %mul3A_192 = arith.muli %get3A_189, %mul3A_191 : vector<16xi32>
    %add3A_193 = arith.addi %mul3A_186, %mul3A_192 : vector<16xi32>
    %get3A_194 = arith.index_cast %multiple_of3A_180 : i32 to index
    %get3A_195 = tpu.vector_load %arg9[%get3A_194] {strides = array<i32>} : memref<10000xi32, #tpu.memory_space<vmem>>, vector<16xi32>,
    %get3A_196 = vector.shape_cast %get3A_195 : vector<16xi32> to vector<16xi32>
    %add3A_197 = arith.addi %add3A_193, %get3A_196 : vector<16xi32>
    %swap3A_198 = arith.index_cast %multiple_of3A_180 : i32 to index
    %swap3A_199 = tpu.vector_load %arg10[%swap3A_198] {strides = array<i32>} : memref<10000xi32, #tpu.memory_space<vmem>>, vector<16xi32>,
    %swap3A_200 = vector.shape_cast %swap3A_199 : vector<16xi32> to vector<16xi32>
    %swap3A_201 = vector.shape_cast %add3A_197 : vector<16xi32> to vector<16xi32>
    tpu.vector_store %arg10[%swap3A_198], %swap3A_201 {strides = array<i32>} : memref<10000xi32, #tpu.memory_space<vmem>>, vector<16xi32>,
    %multiple_of3A_202 = arith.constant 128 : i32
    %multiple_of3A_203 = tpu.assume_multiple %multiple_of3A_202, 16 : i32
    %get3A_204 = arith.index_cast %multiple_of3A_203 : i32 to index
    %get3A_205 = tpu.vector_load %arg7[%get3A_204] {strides = array<i32>} : memref<10000xi32, #tpu.memory_space<vmem>>, vector<16xi32>,
    %get3A_206 = vector.shape_cast %get3A_205 : vector<16xi32> to vector<16xi32>
    %mul3A_207 = arith.constant 12 : i32
    %mul3A_208 = vector.broadcast %mul3A_207 : i32 to vector<16xi32>
    %mul3A_209 = arith.muli %get3A_206, %mul3A_208 : vector<16xi32>
    %get3A_210 = arith.index_cast %multiple_of3A_203 : i32 to index
    %get3A_211 = tpu.vector_load %arg8[%get3A_210] {strides = array<i32>} : memref<10000xi32, #tpu.memory_space<vmem>>, vector<16xi32>,
    %get3A_212 = vector.shape_cast %get3A_211 : vector<16xi32> to vector<16xi32>
    %mul3A_213 = arith.constant 2 : i32
    %mul3A_214 = vector.broadcast %mul3A_213 : i32 to vector<16xi32>
    %mul3A_215 = arith.muli %get3A_212, %mul3A_214 : vector<16xi32>
    %add3A_216 = arith.addi %mul3A_209, %mul3A_215 : vector<16xi32>
    %get3A_217 = arith.index_cast %multiple_of3A_203 : i32 to index
    %get3A_218 = tpu.vector_load %arg9[%get3A_217] {strides = array<i32>} : memref<10000xi32, #tpu.memory_space<vmem>>, vector<16xi32>,
    %get3A_219 = vector.shape_cast %get3A_218 : vector<16xi32> to vector<16xi32>
    %add3A_220 = arith.addi %add3A_216, %get3A_219 : vector<16xi32>
    %swap3A_221 = arith.index_cast %multiple_of3A_203 : i32 to index
    %swap3A_222 = tpu.vector_load %arg10[%swap3A_221] {strides = array<i32>} : memref<10000xi32, #tpu.memory_space<vmem>>, vector<16xi32>,
    %swap3A_223 = vector.shape_cast %swap3A_222 : vector<16xi32> to vector<16xi32>
    %swap3A_224 = vector.shape_cast %add3A_220 : vector<16xi32> to vector<16xi32>
    tpu.vector_store %arg10[%swap3A_221], %swap3A_224 {strides = array<i32>} : memref<10000xi32, #tpu.memory_space<vmem>>, vector<16xi32>,
    %multiple_of3A_225 = arith.constant 144 : i32
    %multiple_of3A_226 = tpu.assume_multiple %multiple_of3A_225, 16 : i32
    %get3A_227 = arith.index_cast %multiple_of3A_226 : i32 to index
    %get3A_228 = tpu.vector_load %arg7[%get3A_227] {strides = array<i32>} : memref<10000xi32, #tpu.memory_space<vmem>>, vector<16xi32>,
    %get3A_229 = vector.shape_cast %get3A_228 : vector<16xi32> to vector<16xi32>
    %mul3A_230 = arith.constant 12 : i32
    %mul3A_231 = vector.broadcast %mul3A_230 : i32 to vector<16xi32>
    %mul3A_232 = arith.muli %get3A_229, %mul3A_231 : vector<16xi32>
    %get3A_233 = arith.index_cast %multiple_of3A_226 : i32 to index
    %get3A_234 = tpu.vector_load %arg8[%get3A_233] {strides = array<i32>} : memref<10000xi32, #tpu.memory_space<vmem>>, vector<16xi32>,
    %get3A_235 = vector.shape_cast %get3A_234 : vector<16xi32> to vector<16xi32>
    %mul3A_236 = arith.constant 2 : i32
    %mul3A_237 = vector.broadcast %mul3A_236 : i32 to vector<16xi32>
    %mul3A_238 = arith.muli %get3A_235, %mul3A_237 : vector<16xi32>
    %add3A_239 = arith.addi %mul3A_232, %mul3A_238 : vector<16xi32>
    %get3A_240 = arith.index_cast %multiple_of3A_226 : i32 to index
    %get3A_241 = tpu.vector_load %arg9[%get3A_240] {strides = array<i32>} : memref<10000xi32, #tpu.memory_space<vmem>>, vector<16xi32>,
    %get3A_242 = vector.shape_cast %get3A_241 : vector<16xi32> to vector<16xi32>
    %add3A_243 = arith.addi %add3A_239, %get3A_242 : vector<16xi32>
    %swap3A_244 = arith.index_cast %multiple_of3A_226 : i32 to index
    %swap3A_245 = tpu.vector_load %arg10[%swap3A_244] {strides = array<i32>} : memref<10000xi32, #tpu.memory_space<vmem>>, vector<16xi32>,
    %swap3A_246 = vector.shape_cast %swap3A_245 : vector<16xi32> to vector<16xi32>
    %swap3A_247 = vector.shape_cast %add3A_243 : vector<16xi32> to vector<16xi32>
    tpu.vector_store %arg10[%swap3A_244], %swap3A_247 {strides = array<i32>} : memref<10000xi32, #tpu.memory_space<vmem>>, vector<16xi32>,
    %multiple_of3A_248 = arith.constant 80 : i32
    %multiple_of3A_249 = tpu.assume_multiple %multiple_of3A_248, 80 : i32
    %dma_start3A_250 = tpu.memref_slice %arg10[%multiple_of3A_249] : memref<10000xi32, #tpu.memory_space<vmem>> -> memref<80xi32, #tpu.memory_space<vmem>>
    %dma_start3A_251 = arith.constant 0 : i32
    %dma_start3A_252 = arith.constant 0 : i32
    %dma_start3A_253 = tpu.memref_slice %arg11[%dma_start3A_251, %dma_start3A_252] : memref<64x128xf32, #tpu.memory_space<vmem_shared>> -> memref<64x128xf32, #tpu.memory_space<vmem_shared>>
    tpu.enqueue_indirect_dma source(%dma_start3A_253 : memref<64x128xf32, #tpu.memory_space<vmem_shared>>) target(%arg13 : memref<80x128xf32, #tpu.memory_space<vmem>>) offsets(%dma_start3A_250 : memref<80xi32, #tpu.memory_space<vmem>>) semaphore(%arg21 : memref<!tpu.dma_semaphore, #tpu.memory_space<semaphore_mem>>)
    %multiple_of3A_254 = arith.constant 160 : i32
    %multiple_of3A_255 = tpu.assume_multiple %multiple_of3A_254, 16 : i32
    %get3A_256 = arith.index_cast %multiple_of3A_255 : i32 to index
    %get3A_257 = tpu.vector_load %arg7[%get3A_256] {strides = array<i32>} : memref<10000xi32, #tpu.memory_space<vmem>>, vector<16xi32>,
    %get3A_258 = vector.shape_cast %get3A_257 : vector<16xi32> to vector<16xi32>
    %mul3A_259 = arith.constant 12 : i32
    %mul3A_260 = vector.broadcast %mul3A_259 : i32 to vector<16xi32>
    %mul3A_261 = arith.muli %get3A_258, %mul3A_260 : vector<16xi32>
    %get3A_262 = arith.index_cast %multiple_of3A_255 : i32 to index
    %get3A_263 = tpu.vector_load %arg8[%get3A_262] {strides = array<i32>} : memref<10000xi32, #tpu.memory_space<vmem>>, vector<16xi32>,
    %get3A_264 = vector.shape_cast %get3A_263 : vector<16xi32> to vector<16xi32>
    %mul3A_265 = arith.constant 2 : i32
    %mul3A_266 = vector.broadcast %mul3A_265 : i32 to vector<16xi32>
    %mul3A_267 = arith.muli %get3A_264, %mul3A_266 : vector<16xi32>
    %add3A_268 = arith.addi %mul3A_261, %mul3A_267 : vector<16xi32>
    %get3A_269 = arith.index_cast %multiple_of3A_255 : i32 to index
    %get3A_270 = tpu.vector_load %arg9[%get3A_269] {strides = array<i32>} : memref<10000xi32, #tpu.memory_space<vmem>>, vector<16xi32>,
    %get3A_271 = vector.shape_cast %get3A_270 : vector<16xi32> to vector<16xi32>
    %add3A_272 = arith.addi %add3A_268, %get3A_271 : vector<16xi32>
    %swap3A_273 = arith.index_cast %multiple_of3A_255 : i32 to index
    %swap3A_274 = tpu.vector_load %arg10[%swap3A_273] {strides = array<i32>} : memref<10000xi32, #tpu.memory_space<vmem>>, vector<16xi32>,
    %swap3A_275 = vector.shape_cast %swap3A_274 : vector<16xi32> to vector<16xi32>
    %swap3A_276 = vector.shape_cast %add3A_272 : vector<16xi32> to vector<16xi32>
    tpu.vector_store %arg10[%swap3A_273], %swap3A_276 {strides = array<i32>} : memref<10000xi32, #tpu.memory_space<vmem>>, vector<16xi32>,
    %multiple_of3A_277 = arith.constant 176 : i32
    %multiple_of3A_278 = tpu.assume_multiple %multiple_of3A_277, 16 : i32
    %get3A_279 = arith.index_cast %multiple_of3A_278 : i32 to index
    %get3A_280 = tpu.vector_load %arg7[%get3A_279] {strides = array<i32>} : memref<10000xi32, #tpu.memory_space<vmem>>, vector<16xi32>,
    %get3A_281 = vector.shape_cast %get3A_280 : vector<16xi32> to vector<16xi32>
    %mul3A_282 = arith.constant 12 : i32
    %mul3A_283 = vector.broadcast %mul3A_282 : i32 to vector<16xi32>
    %mul3A_284 = arith.muli %get3A_281, %mul3A_283 : vector<16xi32>
    %get3A_285 = arith.index_cast %multiple_of3A_278 : i32 to index
    %get3A_286 = tpu.vector_load %arg8[%get3A_285] {strides = array<i32>} : memref<10000xi32, #tpu.memory_space<vmem>>, vector<16xi32>,
    %get3A_287 = vector.shape_cast %get3A_286 : vector<16xi32> to vector<16xi32>
    %mul3A_288 = arith.constant 2 : i32
    %mul3A_289 = vector.broadcast %mul3A_288 : i32 to vector<16xi32>
    %mul3A_290 = arith.muli %get3A_287, %mul3A_289 : vector<16xi32>
    %add3A_291 = arith.addi %mul3A_284, %mul3A_290 : vector<16xi32>
    %get3A_292 = arith.index_cast %multiple_of3A_278 : i32 to index
    %get3A_293 = tpu.vector_load %arg9[%get3A_292] {strides = array<i32>} : memref<10000xi32, #tpu.memory_space<vmem>>, vector<16xi32>,
    %get3A_294 = vector.shape_cast %get3A_293 : vector<16xi32> to vector<16xi32>
    %add3A_295 = arith.addi %add3A_291, %get3A_294 : vector<16xi32>
    %swap3A_296 = arith.index_cast %multiple_of3A_278 : i32 to index
    %swap3A_297 = tpu.vector_load %arg10[%swap3A_296] {strides = array<i32>} : memref<10000xi32, #tpu.memory_space<vmem>>, vector<16xi32>,
    %swap3A_298 = vector.shape_cast %swap3A_297 : vector<16xi32> to vector<16xi32>
    %swap3A_299 = vector.shape_cast %add3A_295 : vector<16xi32> to vector<16xi32>
    tpu.vector_store %arg10[%swap3A_296], %swap3A_299 {strides = array<i32>} : memref<10000xi32, #tpu.memory_space<vmem>>, vector<16xi32>,
    %multiple_of3A_300 = arith.constant 192 : i32
    %multiple_of3A_301 = tpu.assume_multiple %multiple_of3A_300, 16 : i32
    %get3A_302 = arith.index_cast %multiple_of3A_301 : i32 to index
    %get3A_303 = tpu.vector_load %arg7[%get3A_302] {strides = array<i32>} : memref<10000xi32, #tpu.memory_space<vmem>>, vector<16xi32>,
    %get3A_304 = vector.shape_cast %get3A_303 : vector<16xi32> to vector<16xi32>
    %mul3A_305 = arith.constant 12 : i32
    %mul3A_306 = vector.broadcast %mul3A_305 : i32 to vector<16xi32>
    %mul3A_307 = arith.muli %get3A_304, %mul3A_306 : vector<16xi32>
    %get3A_308 = arith.index_cast %multiple_of3A_301 : i32 to index
    %get3A_309 = tpu.vector_load %arg8[%get3A_308] {strides = array<i32>} : memref<10000xi32, #tpu.memory_space<vmem>>, vector<16xi32>,
    %get3A_310 = vector.shape_cast %get3A_309 : vector<16xi32> to vector<16xi32>
    %mul3A_311 = arith.constant 2 : i32
    %mul3A_312 = vector.broadcast %mul3A_311 : i32 to vector<16xi32>
    %mul3A_313 = arith.muli %get3A_310, %mul3A_312 : vector<16xi32>
    %add3A_314 = arith.addi %mul3A_307, %mul3A_313 : vector<16xi32>
    %get3A_315 = arith.index_cast %multiple_of3A_301 : i32 to index
    %get3A_316 = tpu.vector_load %arg9[%get3A_315] {strides = array<i32>} : memref<10000xi32, #tpu.memory_space<vmem>>, vector<16xi32>,
    %get3A_317 = vector.shape_cast %get3A_316 : vector<16xi32> to vector<16xi32>
    %add3A_318 = arith.addi %add3A_314, %get3A_317 : vector<16xi32>
    %swap3A_319 = arith.index_cast %multiple_of3A_301 : i32 to index
    %swap3A_320 = tpu.vector_load %arg10[%swap3A_319] {strides = array<i32>} : memref<10000xi32, #tpu.memory_space<vmem>>, vector<16xi32>,
    %swap3A_321 = vector.shape_cast %swap3A_320 : vector<16xi32> to vector<16xi32>
    %swap3A_322 = vector.shape_cast %add3A_318 : vector<16xi32> to vector<16xi32>
    tpu.vector_store %arg10[%swap3A_319], %swap3A_322 {strides = array<i32>} : memref<10000xi32, #tpu.memory_space<vmem>>, vector<16xi32>,
    %multiple_of3A_323 = arith.constant 208 : i32
    %multiple_of3A_324 = tpu.assume_multiple %multiple_of3A_323, 16 : i32
    %get3A_325 = arith.index_cast %multiple_of3A_324 : i32 to index
    %get3A_326 = tpu.vector_load %arg7[%get3A_325] {strides = array<i32>} : memref<10000xi32, #tpu.memory_space<vmem>>, vector<16xi32>,
    %get3A_327 = vector.shape_cast %get3A_326 : vector<16xi32> to vector<16xi32>
    %mul3A_328 = arith.constant 12 : i32
    %mul3A_329 = vector.broadcast %mul3A_328 : i32 to vector<16xi32>
    %mul3A_330 = arith.muli %get3A_327, %mul3A_329 : vector<16xi32>
    %get3A_331 = arith.index_cast %multiple_of3A_324 : i32 to index
    %get3A_332 = tpu.vector_load %arg8[%get3A_331] {strides = array<i32>} : memref<10000xi32, #tpu.memory_space<vmem>>, vector<16xi32>,
    %get3A_333 = vector.shape_cast %get3A_332 : vector<16xi32> to vector<16xi32>
    %mul3A_334 = arith.constant 2 : i32
    %mul3A_335 = vector.broadcast %mul3A_334 : i32 to vector<16xi32>
    %mul3A_336 = arith.muli %get3A_333, %mul3A_335 : vector<16xi32>
    %add3A_337 = arith.addi %mul3A_330, %mul3A_336 : vector<16xi32>
    %get3A_338 = arith.index_cast %multiple_of3A_324 : i32 to index
    %get3A_339 = tpu.vector_load %arg9[%get3A_338] {strides = array<i32>} : memref<10000xi32, #tpu.memory_space<vmem>>, vector<16xi32>,
    %get3A_340 = vector.shape_cast %get3A_339 : vector<16xi32> to vector<16xi32>
    %add3A_341 = arith.addi %add3A_337, %get3A_340 : vector<16xi32>
    %swap3A_342 = arith.index_cast %multiple_of3A_324 : i32 to index
    %swap3A_343 = tpu.vector_load %arg10[%swap3A_342] {strides = array<i32>} : memref<10000xi32, #tpu.memory_space<vmem>>, vector<16xi32>,
    %swap3A_344 = vector.shape_cast %swap3A_343 : vector<16xi32> to vector<16xi32>
    %swap3A_345 = vector.shape_cast %add3A_341 : vector<16xi32> to vector<16xi32>
    tpu.vector_store %arg10[%swap3A_342], %swap3A_345 {strides = array<i32>} : memref<10000xi32, #tpu.memory_space<vmem>>, vector<16xi32>,
    %multiple_of3A_346 = arith.constant 224 : i32
    %multiple_of3A_347 = tpu.assume_multiple %multiple_of3A_346, 16 : i32
    %get3A_348 = arith.index_cast %multiple_of3A_347 : i32 to index
    %get3A_349 = tpu.vector_load %arg7[%get3A_348] {strides = array<i32>} : memref<10000xi32, #tpu.memory_space<vmem>>, vector<16xi32>,
    %get3A_350 = vector.shape_cast %get3A_349 : vector<16xi32> to vector<16xi32>
    %mul3A_351 = arith.constant 12 : i32
    %mul3A_352 = vector.broadcast %mul3A_351 : i32 to vector<16xi32>
    %mul3A_353 = arith.muli %get3A_350, %mul3A_352 : vector<16xi32>
    %get3A_354 = arith.index_cast %multiple_of3A_347 : i32 to index
    %get3A_355 = tpu.vector_load %arg8[%get3A_354] {strides = array<i32>} : memref<10000xi32, #tpu.memory_space<vmem>>, vector<16xi32>,
    %get3A_356 = vector.shape_cast %get3A_355 : vector<16xi32> to vector<16xi32>
    %mul3A_357 = arith.constant 2 : i32
    %mul3A_358 = vector.broadcast %mul3A_357 : i32 to vector<16xi32>
    %mul3A_359 = arith.muli %get3A_356, %mul3A_358 : vector<16xi32>
    %add3A_360 = arith.addi %mul3A_353, %mul3A_359 : vector<16xi32>
    %get3A_361 = arith.index_cast %multiple_of3A_347 : i32 to index
    %get3A_362 = tpu.vector_load %arg9[%get3A_361] {strides = array<i32>} : memref<10000xi32, #tpu.memory_space<vmem>>, vector<16xi32>,
    %get3A_363 = vector.shape_cast %get3A_362 : vector<16xi32> to vector<16xi32>
    %add3A_364 = arith.addi %add3A_360, %get3A_363 : vector<16xi32>
    %swap3A_365 = arith.index_cast %multiple_of3A_347 : i32 to index
    %swap3A_366 = tpu.vector_load %arg10[%swap3A_365] {strides = array<i32>} : memref<10000xi32, #tpu.memory_space<vmem>>, vector<16xi32>,
    %swap3A_367 = vector.shape_cast %swap3A_366 : vector<16xi32> to vector<16xi32>
    %swap3A_368 = vector.shape_cast %add3A_364 : vector<16xi32> to vector<16xi32>
    tpu.vector_store %arg10[%swap3A_365], %swap3A_368 {strides = array<i32>} : memref<10000xi32, #tpu.memory_space<vmem>>, vector<16xi32>,
    %multiple_of3A_369 = arith.constant 160 : i32
    %multiple_of3A_370 = tpu.assume_multiple %multiple_of3A_369, 80 : i32
    %dma_start3A_371 = tpu.memref_slice %arg10[%multiple_of3A_370] : memref<10000xi32, #tpu.memory_space<vmem>> -> memref<80xi32, #tpu.memory_space<vmem>>
    %dma_start3A_372 = arith.constant 0 : i32
    %dma_start3A_373 = arith.constant 0 : i32
    %dma_start3A_374 = tpu.memref_slice %arg11[%dma_start3A_372, %dma_start3A_373] : memref<64x128xf32, #tpu.memory_space<vmem_shared>> -> memref<64x128xf32, #tpu.memory_space<vmem_shared>>
    tpu.enqueue_indirect_dma source(%dma_start3A_374 : memref<64x128xf32, #tpu.memory_space<vmem_shared>>) target(%arg14 : memref<80x128xf32, #tpu.memory_space<vmem>>) offsets(%dma_start3A_371 : memref<80xi32, #tpu.memory_space<vmem>>) semaphore(%arg22 : memref<!tpu.dma_semaphore, #tpu.memory_space<semaphore_mem>>)
    %multiple_of3A_375 = arith.constant 240 : i32
    %multiple_of3A_376 = tpu.assume_multiple %multiple_of3A_375, 16 : i32
    %get3A_377 = arith.index_cast %multiple_of3A_376 : i32 to index
    %get3A_378 = tpu.vector_load %arg7[%get3A_377] {strides = array<i32>} : memref<10000xi32, #tpu.memory_space<vmem>>, vector<16xi32>,
    %get3A_379 = vector.shape_cast %get3A_378 : vector<16xi32> to vector<16xi32>
    %mul3A_380 = arith.constant 12 : i32
    %mul3A_381 = vector.broadcast %mul3A_380 : i32 to vector<16xi32>
    %mul3A_382 = arith.muli %get3A_379, %mul3A_381 : vector<16xi32>
    %get3A_383 = arith.index_cast %multiple_of3A_376 : i32 to index
    %get3A_384 = tpu.vector_load %arg8[%get3A_383] {strides = array<i32>} : memref<10000xi32, #tpu.memory_space<vmem>>, vector<16xi32>,
    %get3A_385 = vector.shape_cast %get3A_384 : vector<16xi32> to vector<16xi32>
    %mul3A_386 = arith.constant 2 : i32
    %mul3A_387 = vector.broadcast %mul3A_386 : i32 to vector<16xi32>
    %mul3A_388 = arith.muli %get3A_385, %mul3A_387 : vector<16xi32>
    %add3A_389 = arith.addi %mul3A_382, %mul3A_388 : vector<16xi32>
    %get3A_390 = arith.index_cast %multiple_of3A_376 : i32 to index
    %get3A_391 = tpu.vector_load %arg9[%get3A_390] {strides = array<i32>} : memref<10000xi32, #tpu.memory_space<vmem>>, vector<16xi32>,
    %get3A_392 = vector.shape_cast %get3A_391 : vector<16xi32> to vector<16xi32>
    %add3A_393 = arith.addi %add3A_389, %get3A_392 : vector<16xi32>
    %swap3A_394 = arith.index_cast %multiple_of3A_376 : i32 to index
    %swap3A_395 = tpu.vector_load %arg10[%swap3A_394] {strides = array<i32>} : memref<10000xi32, #tpu.memory_space<vmem>>, vector<16xi32>,
    %swap3A_396 = vector.shape_cast %swap3A_395 : vector<16xi32> to vector<16xi32>
    %swap3A_397 = vector.shape_cast %add3A_393 : vector<16xi32> to vector<16xi32>
    tpu.vector_store %arg10[%swap3A_394], %swap3A_397 {strides = array<i32>} : memref<10000xi32, #tpu.memory_space<vmem>>, vector<16xi32>,
    %multiple_of3A_398 = arith.constant 256 : i32
    %multiple_of3A_399 = tpu.assume_multiple %multiple_of3A_398, 16 : i32
    %get3A_400 = arith.index_cast %multiple_of3A_399 : i32 to index
    %get3A_401 = tpu.vector_load %arg7[%get3A_400] {strides = array<i32>} : memref<10000xi32, #tpu.memory_space<vmem>>, vector<16xi32>,
    %get3A_402 = vector.shape_cast %get3A_401 : vector<16xi32> to vector<16xi32>
    %mul3A_403 = arith.constant 12 : i32
    %mul3A_404 = vector.broadcast %mul3A_403 : i32 to vector<16xi32>
    %mul3A_405 = arith.muli %get3A_402, %mul3A_404 : vector<16xi32>
    %get3A_406 = arith.index_cast %multiple_of3A_399 : i32 to index
    %get3A_407 = tpu.vector_load %arg8[%get3A_406] {strides = array<i32>} : memref<10000xi32, #tpu.memory_space<vmem>>, vector<16xi32>,
    %get3A_408 = vector.shape_cast %get3A_407 : vector<16xi32> to vector<16xi32>
    %mul3A_409 = arith.constant 2 : i32
    %mul3A_410 = vector.broadcast %mul3A_409 : i32 to vector<16xi32>
    %mul3A_411 = arith.muli %get3A_408, %mul3A_410 : vector<16xi32>
    %add3A_412 = arith.addi %mul3A_405, %mul3A_411 : vector<16xi32>
    %get3A_413 = arith.index_cast %multiple_of3A_399 : i32 to index
    %get3A_414 = tpu.vector_load %arg9[%get3A_413] {strides = array<i32>} : memref<10000xi32, #tpu.memory_space<vmem>>, vector<16xi32>,
    %get3A_415 = vector.shape_cast %get3A_414 : vector<16xi32> to vector<16xi32>
    %add3A_416 = arith.addi %add3A_412, %get3A_415 : vector<16xi32>
    %swap3A_417 = arith.index_cast %multiple_of3A_399 : i32 to index
    %swap3A_418 = tpu.vector_load %arg10[%swap3A_417] {strides = array<i32>} : memref<10000xi32, #tpu.memory_space<vmem>>, vector<16xi32>,
    %swap3A_419 = vector.shape_cast %swap3A_418 : vector<16xi32> to vector<16xi32>
    %swap3A_420 = vector.shape_cast %add3A_416 : vector<16xi32> to vector<16xi32>
    tpu.vector_store %arg10[%swap3A_417], %swap3A_420 {strides = array<i32>} : memref<10000xi32, #tpu.memory_space<vmem>>, vector<16xi32>,
    %multiple_of3A_421 = arith.constant 272 : i32
    %multiple_of3A_422 = tpu.assume_multiple %multiple_of3A_421, 16 : i32
    %get3A_423 = arith.index_cast %multiple_of3A_422 : i32 to index
    %get3A_424 = tpu.vector_load %arg7[%get3A_423] {strides = array<i32>} : memref<10000xi32, #tpu.memory_space<vmem>>, vector<16xi32>,
    %get3A_425 = vector.shape_cast %get3A_424 : vector<16xi32> to vector<16xi32>
    %mul3A_426 = arith.constant 12 : i32
    %mul3A_427 = vector.broadcast %mul3A_426 : i32 to vector<16xi32>
    %mul3A_428 = arith.muli %get3A_425, %mul3A_427 : vector<16xi32>
    %get3A_429 = arith.index_cast %multiple_of3A_422 : i32 to index
    %get3A_430 = tpu.vector_load %arg8[%get3A_429] {strides = array<i32>} : memref<10000xi32, #tpu.memory_space<vmem>>, vector<16xi32>,
    %get3A_431 = vector.shape_cast %get3A_430 : vector<16xi32> to vector<16xi32>
    %mul3A_432 = arith.constant 2 : i32
    %mul3A_433 = vector.broadcast %mul3A_432 : i32 to vector<16xi32>
    %mul3A_434 = arith.muli %get3A_431, %mul3A_433 : vector<16xi32>
    %add3A_435 = arith.addi %mul3A_428, %mul3A_434 : vector<16xi32>
    %get3A_436 = arith.index_cast %multiple_of3A_422 : i32 to index
    %get3A_437 = tpu.vector_load %arg9[%get3A_436] {strides = array<i32>} : memref<10000xi32, #tpu.memory_space<vmem>>, vector<16xi32>,
    %get3A_438 = vector.shape_cast %get3A_437 : vector<16xi32> to vector<16xi32>
    %add3A_439 = arith.addi %add3A_435, %get3A_438 : vector<16xi32>
    %swap3A_440 = arith.index_cast %multiple_of3A_422 : i32 to index
    %swap3A_441 = tpu.vector_load %arg10[%swap3A_440] {strides = array<i32>} : memref<10000xi32, #tpu.memory_space<vmem>>, vector<16xi32>,
    %swap3A_442 = vector.shape_cast %swap3A_441 : vector<16xi32> to vector<16xi32>
    %swap3A_443 = vector.shape_cast %add3A_439 : vector<16xi32> to vector<16xi32>
    tpu.vector_store %arg10[%swap3A_440], %swap3A_443 {strides = array<i32>} : memref<10000xi32, #tpu.memory_space<vmem>>, vector<16xi32>,
    %multiple_of3A_444 = arith.constant 288 : i32
    %multiple_of3A_445 = tpu.assume_multiple %multiple_of3A_444, 16 : i32
    %get3A_446 = arith.index_cast %multiple_of3A_445 : i32 to index
    %get3A_447 = tpu.vector_load %arg7[%get3A_446] {strides = array<i32>} : memref<10000xi32, #tpu.memory_space<vmem>>, vector<16xi32>,
    %get3A_448 = vector.shape_cast %get3A_447 : vector<16xi32> to vector<16xi32>
    %mul3A_449 = arith.constant 12 : i32
    %mul3A_450 = vector.broadcast %mul3A_449 : i32 to vector<16xi32>
    %mul3A_451 = arith.muli %get3A_448, %mul3A_450 : vector<16xi32>
    %get3A_452 = arith.index_cast %multiple_of3A_445 : i32 to index
    %get3A_453 = tpu.vector_load %arg8[%get3A_452] {strides = array<i32>} : memref<10000xi32, #tpu.memory_space<vmem>>, vector<16xi32>,
    %get3A_454 = vector.shape_cast %get3A_453 : vector<16xi32> to vector<16xi32>
    %mul3A_455 = arith.constant 2 : i32
    %mul3A_456 = vector.broadcast %mul3A_455 : i32 to vector<16xi32>
    %mul3A_457 = arith.muli %get3A_454, %mul3A_456 : vector<16xi32>
    %add3A_458 = arith.addi %mul3A_451, %mul3A_457 : vector<16xi32>
    %get3A_459 = arith.index_cast %multiple_of3A_445 : i32 to index
    %get3A_460 = tpu.vector_load %arg9[%get3A_459] {strides = array<i32>} : memref<10000xi32, #tpu.memory_space<vmem>>, vector<16xi32>,
    %get3A_461 = vector.shape_cast %get3A_460 : vector<16xi32> to vector<16xi32>
    %add3A_462 = arith.addi %add3A_458, %get3A_461 : vector<16xi32>
    %swap3A_463 = arith.index_cast %multiple_of3A_445 : i32 to index
    %swap3A_464 = tpu.vector_load %arg10[%swap3A_463] {strides = array<i32>} : memref<10000xi32, #tpu.memory_space<vmem>>, vector<16xi32>,
    %swap3A_465 = vector.shape_cast %swap3A_464 : vector<16xi32> to vector<16xi32>
    %swap3A_466 = vector.shape_cast %add3A_462 : vector<16xi32> to vector<16xi32>
    tpu.vector_store %arg10[%swap3A_463], %swap3A_466 {strides = array<i32>} : memref<10000xi32, #tpu.memory_space<vmem>>, vector<16xi32>,
    %multiple_of3A_467 = arith.constant 304 : i32
    %multiple_of3A_468 = tpu.assume_multiple %multiple_of3A_467, 16 : i32
    %get3A_469 = arith.index_cast %multiple_of3A_468 : i32 to index
    %get3A_470 = tpu.vector_load %arg7[%get3A_469] {strides = array<i32>} : memref<10000xi32, #tpu.memory_space<vmem>>, vector<16xi32>,
    %get3A_471 = vector.shape_cast %get3A_470 : vector<16xi32> to vector<16xi32>
    %mul3A_472 = arith.constant 12 : i32
    %mul3A_473 = vector.broadcast %mul3A_472 : i32 to vector<16xi32>
    %mul3A_474 = arith.muli %get3A_471, %mul3A_473 : vector<16xi32>
    %get3A_475 = arith.index_cast %multiple_of3A_468 : i32 to index
    %get3A_476 = tpu.vector_load %arg8[%get3A_475] {strides = array<i32>} : memref<10000xi32, #tpu.memory_space<vmem>>, vector<16xi32>,
    %get3A_477 = vector.shape_cast %get3A_476 : vector<16xi32> to vector<16xi32>
    %mul3A_478 = arith.constant 2 : i32
    %mul3A_479 = vector.broadcast %mul3A_478 : i32 to vector<16xi32>
    %mul3A_480 = arith.muli %get3A_477, %mul3A_479 : vector<16xi32>
    %add3A_481 = arith.addi %mul3A_474, %mul3A_480 : vector<16xi32>
    %get3A_482 = arith.index_cast %multiple_of3A_468 : i32 to index
    %get3A_483 = tpu.vector_load %arg9[%get3A_482] {strides = array<i32>} : memref<10000xi32, #tpu.memory_space<vmem>>, vector<16xi32>,
    %get3A_484 = vector.shape_cast %get3A_483 : vector<16xi32> to vector<16xi32>
    %add3A_485 = arith.addi %add3A_481, %get3A_484 : vector<16xi32>
    %swap3A_486 = arith.index_cast %multiple_of3A_468 : i32 to index
    %swap3A_487 = tpu.vector_load %arg10[%swap3A_486] {strides = array<i32>} : memref<10000xi32, #tpu.memory_space<vmem>>, vector<16xi32>,
    %swap3A_488 = vector.shape_cast %swap3A_487 : vector<16xi32> to vector<16xi32>
    %swap3A_489 = vector.shape_cast %add3A_485 : vector<16xi32> to vector<16xi32>
    tpu.vector_store %arg10[%swap3A_486], %swap3A_489 {strides = array<i32>} : memref<10000xi32, #tpu.memory_space<vmem>>, vector<16xi32>,
    %multiple_of3A_490 = arith.constant 240 : i32
    %multiple_of3A_491 = tpu.assume_multiple %multiple_of3A_490, 80 : i32
    %dma_start3A_492 = tpu.memref_slice %arg10[%multiple_of3A_491] : memref<10000xi32, #tpu.memory_space<vmem>> -> memref<80xi32, #tpu.memory_space<vmem>>
    %dma_start3A_493 = arith.constant 0 : i32
    %dma_start3A_494 = arith.constant 0 : i32
    %dma_start3A_495 = tpu.memref_slice %arg11[%dma_start3A_493, %dma_start3A_494] : memref<64x128xf32, #tpu.memory_space<vmem_shared>> -> memref<64x128xf32, #tpu.memory_space<vmem_shared>>
    tpu.enqueue_indirect_dma source(%dma_start3A_495 : memref<64x128xf32, #tpu.memory_space<vmem_shared>>) target(%arg15 : memref<80x128xf32, #tpu.memory_space<vmem>>) offsets(%dma_start3A_492 : memref<80xi32, #tpu.memory_space<vmem>>) semaphore(%arg23 : memref<!tpu.dma_semaphore, #tpu.memory_space<semaphore_mem>>)
    %scan3A = arith.constant 0 : i32
    %scan3A_496 = arith.constant 0 : i32
    %scan3A_497 = arith.constant 17 : i32
    %scan3A_498 = arith.addi %scan3A_496, %scan3A_497 : i32
    %scan3A_499 = arith.constant 1 : i32
    %scan3A_500 = scf.for %scan3A_502 = %scan3A_496 to %scan3A_498 step %scan3A_499 iter_args(%scan3A_503 = %scan3A) -> (i32)  : i32 {
      %mul3A_504 = arith.constant 8 : i32
      %mul3A_505 = arith.muli %scan3A_502, %mul3A_504 : i32
      %add3A_506 = arith.constant 0 : i32
      %add3A_507 = arith.addi %mul3A_505, %add3A_506 : i32
      %ge3A = arith.constant 4 : i32
      %ge3A_508 = arith.cmpi sge, %add3A_507, %ge3A : i32
      %lt3A = arith.constant 129 : i32
      %lt3A_509 = arith.cmpi slt, %add3A_507, %lt3A : i32
      %and3A = arith.andi %ge3A_508, %lt3A_509 : i1
      %convert_element_type3A_510 = arith.extui %and3A : i1 to i32
      %cond3A_511 = arith.constant 0 : i32
      %cond3A_512 = arith.cmpi ne, %convert_element_type3A_510, %cond3A_511 : i32
      scf.if %cond3A_512 {
        %dma_wait3A_694 = arith.constant 0 : i32
        %dma_wait3A_695 = arith.constant 0 : i32
        %dma_wait3A_696 = tpu.memref_slice %arg6[%dma_wait3A_694, %dma_wait3A_695] : memref<320000x128xf32, #tpu.memory_space<hbm>> -> memref<80x128xf32, #tpu.memory_space<hbm>>
        %dma_wait3A_697 = arith.constant 0 : i32
        %dma_wait3A_698 = arith.constant 0 : i32
        %dma_wait3A_699 = tpu.memref_slice %arg6[%dma_wait3A_697, %dma_wait3A_698] : memref<320000x128xf32, #tpu.memory_space<hbm>> -> memref<80x128xf32, #tpu.memory_space<hbm>>
        tpu.wait_dma2 semaphore(%arg32 : memref<!tpu.dma_semaphore, #tpu.memory_space<semaphore_mem>>) src(%arg16 : memref<80x128xf32, #tpu.memory_space<vmem>>) dst(%dma_wait3A_699 : memref<80x128xf32, #tpu.memory_space<hbm>>)
      } else {
      }
      %add3A_513 = arith.constant 4 : i32
      %add3A_514 = arith.addi %add3A_507, %add3A_513 : i32
      %lt3A_515 = arith.constant 125 : i32
      %lt3A_516 = arith.cmpi slt, %add3A_514, %lt3A_515 : i32
      %convert_element_type3A_517 = arith.extui %lt3A_516 : i1 to i32
      %cond3A_518 = arith.constant 0 : i32
      %cond3A_519 = arith.cmpi ne, %convert_element_type3A_517, %cond3A_518 : i32
      scf.if %cond3A_519 {
        %add3A_694 = arith.constant 4 : i32
        %add3A_695 = arith.addi %add3A_507, %add3A_694 : i32
        %mul3A_696 = arith.constant 80 : i32
        %mul3A_697 = arith.muli %add3A_695, %mul3A_696 : i32
        %add3A_698 = arith.constant 0 : i32
        %add3A_699 = arith.addi %mul3A_697, %add3A_698 : i32
        %multiple_of3A_700 = tpu.assume_multiple %add3A_699, 16 : i32
        %get3A_701 = arith.index_cast %multiple_of3A_700 : i32 to index
        %get3A_702 = tpu.vector_load %arg7[%get3A_701] {strides = array<i32>} : memref<10000xi32, #tpu.memory_space<vmem>>, vector<16xi32>,
        %get3A_703 = vector.shape_cast %get3A_702 : vector<16xi32> to vector<16xi32>
        %mul3A_704 = arith.constant 12 : i32
        %mul3A_705 = vector.broadcast %mul3A_704 : i32 to vector<16xi32>
        %mul3A_706 = arith.muli %get3A_703, %mul3A_705 : vector<16xi32>
        %get3A_707 = arith.index_cast %multiple_of3A_700 : i32 to index
        %get3A_708 = tpu.vector_load %arg8[%get3A_707] {strides = array<i32>} : memref<10000xi32, #tpu.memory_space<vmem>>, vector<16xi32>,
        %get3A_709 = vector.shape_cast %get3A_708 : vector<16xi32> to vector<16xi32>
        %mul3A_710 = arith.constant 2 : i32
        %mul3A_711 = vector.broadcast %mul3A_710 : i32 to vector<16xi32>
        %mul3A_712 = arith.muli %get3A_709, %mul3A_711 : vector<16xi32>
        %add3A_713 = arith.addi %mul3A_706, %mul3A_712 : vector<16xi32>
        %get3A_714 = arith.index_cast %multiple_of3A_700 : i32 to index
        %get3A_715 = tpu.vector_load %arg9[%get3A_714] {strides = array<i32>} : memref<10000xi32, #tpu.memory_space<vmem>>, vector<16xi32>,
        %get3A_716 = vector.shape_cast %get3A_715 : vector<16xi32> to vector<16xi32>
        %add3A_717 = arith.addi %add3A_713, %get3A_716 : vector<16xi32>
        %swap3A_718 = arith.index_cast %multiple_of3A_700 : i32 to index
        %swap3A_719 = tpu.vector_load %arg10[%swap3A_718] {strides = array<i32>} : memref<10000xi32, #tpu.memory_space<vmem>>, vector<16xi32>,
        %swap3A_720 = vector.shape_cast %swap3A_719 : vector<16xi32> to vector<16xi32>
        %swap3A_721 = vector.shape_cast %add3A_717 : vector<16xi32> to vector<16xi32>
        tpu.vector_store %arg10[%swap3A_718], %swap3A_721 {strides = array<i32>} : memref<10000xi32, #tpu.memory_space<vmem>>, vector<16xi32>,
        %mul3A_722 = arith.constant 80 : i32
        %mul3A_723 = arith.muli %add3A_695, %mul3A_722 : i32
        %add3A_724 = arith.constant 16 : i32
        %add3A_725 = arith.addi %mul3A_723, %add3A_724 : i32
        %multiple_of3A_726 = tpu.assume_multiple %add3A_725, 16 : i32
        %get3A_727 = arith.index_cast %multiple_of3A_726 : i32 to index
        %get3A_728 = tpu.vector_load %arg7[%get3A_727] {strides = array<i32>} : memref<10000xi32, #tpu.memory_space<vmem>>, vector<16xi32>,
        %get3A_729 = vector.shape_cast %get3A_728 : vector<16xi32> to vector<16xi32>
        %mul3A_730 = arith.constant 12 : i32
        %mul3A_731 = vector.broadcast %mul3A_730 : i32 to vector<16xi32>
        %mul3A_732 = arith.muli %get3A_729, %mul3A_731 : vector<16xi32>
        %get3A_733 = arith.index_cast %multiple_of3A_726 : i32 to index
        %get3A_734 = tpu.vector_load %arg8[%get3A_733] {strides = array<i32>} : memref<10000xi32, #tpu.memory_space<vmem>>, vector<16xi32>,
        %get3A_735 = vector.shape_cast %get3A_734 : vector<16xi32> to vector<16xi32>
        %mul3A_736 = arith.constant 2 : i32
        %mul3A_737 = vector.broadcast %mul3A_736 : i32 to vector<16xi32>
        %mul3A_738 = arith.muli %get3A_735, %mul3A_737 : vector<16xi32>
        %add3A_739 = arith.addi %mul3A_732, %mul3A_738 : vector<16xi32>
        %get3A_740 = arith.index_cast %multiple_of3A_726 : i32 to index
        %get3A_741 = tpu.vector_load %arg9[%get3A_740] {strides = array<i32>} : memref<10000xi32, #tpu.memory_space<vmem>>, vector<16xi32>,
        %get3A_742 = vector.shape_cast %get3A_741 : vector<16xi32> to vector<16xi32>
        %add3A_743 = arith.addi %add3A_739, %get3A_742 : vector<16xi32>
        %swap3A_744 = arith.index_cast %multiple_of3A_726 : i32 to index
        %swap3A_745 = tpu.vector_load %arg10[%swap3A_744] {strides = array<i32>} : memref<10000xi32, #tpu.memory_space<vmem>>, vector<16xi32>,
        %swap3A_746 = vector.shape_cast %swap3A_745 : vector<16xi32> to vector<16xi32>
        %swap3A_747 = vector.shape_cast %add3A_743 : vector<16xi32> to vector<16xi32>
        tpu.vector_store %arg10[%swap3A_744], %swap3A_747 {strides = array<i32>} : memref<10000xi32, #tpu.memory_space<vmem>>, vector<16xi32>,
        %mul3A_748 = arith.constant 80 : i32
        %mul3A_749 = arith.muli %add3A_695, %mul3A_748 : i32
        %add3A_750 = arith.constant 32 : i32
        %add3A_751 = arith.addi %mul3A_749, %add3A_750 : i32
        %multiple_of3A_752 = tpu.assume_multiple %add3A_751, 16 : i32
        %get3A_753 = arith.index_cast %multiple_of3A_752 : i32 to index
        %get3A_754 = tpu.vector_load %arg7[%get3A_753] {strides = array<i32>} : memref<10000xi32, #tpu.memory_space<vmem>>, vector<16xi32>,
        %get3A_755 = vector.shape_cast %get3A_754 : vector<16xi32> to vector<16xi32>
        %mul3A_756 = arith.constant 12 : i32
        %mul3A_757 = vector.broadcast %mul3A_756 : i32 to vector<16xi32>
        %mul3A_758 = arith.muli %get3A_755, %mul3A_757 : vector<16xi32>
        %get3A_759 = arith.index_cast %multiple_of3A_752 : i32 to index
        %get3A_760 = tpu.vector_load %arg8[%get3A_759] {strides = array<i32>} : memref<10000xi32, #tpu.memory_space<vmem>>, vector<16xi32>,
        %get3A_761 = vector.shape_cast %get3A_760 : vector<16xi32> to vector<16xi32>
        %mul3A_762 = arith.constant 2 : i32
        %mul3A_763 = vector.broadcast %mul3A_762 : i32 to vector<16xi32>
        %mul3A_764 = arith.muli %get3A_761, %mul3A_763 : vector<16xi32>
        %add3A_765 = arith.addi %mul3A_758, %mul3A_764 : vector<16xi32>
        %get3A_766 = arith.index_cast %multiple_of3A_752 : i32 to index
        %get3A_767 = tpu.vector_load %arg9[%get3A_766] {strides = array<i32>} : memref<10000xi32, #tpu.memory_space<vmem>>, vector<16xi32>,
        %get3A_768 = vector.shape_cast %get3A_767 : vector<16xi32> to vector<16xi32>
        %add3A_769 = arith.addi %add3A_765, %get3A_768 : vector<16xi32>
        %swap3A_770 = arith.index_cast %multiple_of3A_752 : i32 to index
        %swap3A_771 = tpu.vector_load %arg10[%swap3A_770] {strides = array<i32>} : memref<10000xi32, #tpu.memory_space<vmem>>, vector<16xi32>,
        %swap3A_772 = vector.shape_cast %swap3A_771 : vector<16xi32> to vector<16xi32>
        %swap3A_773 = vector.shape_cast %add3A_769 : vector<16xi32> to vector<16xi32>
        tpu.vector_store %arg10[%swap3A_770], %swap3A_773 {strides = array<i32>} : memref<10000xi32, #tpu.memory_space<vmem>>, vector<16xi32>,
        %mul3A_774 = arith.constant 80 : i32
        %mul3A_775 = arith.muli %add3A_695, %mul3A_774 : i32
        %add3A_776 = arith.constant 48 : i32
        %add3A_777 = arith.addi %mul3A_775, %add3A_776 : i32
        %multiple_of3A_778 = tpu.assume_multiple %add3A_777, 16 : i32
        %get3A_779 = arith.index_cast %multiple_of3A_778 : i32 to index
        %get3A_780 = tpu.vector_load %arg7[%get3A_779] {strides = array<i32>} : memref<10000xi32, #tpu.memory_space<vmem>>, vector<16xi32>,
        %get3A_781 = vector.shape_cast %get3A_780 : vector<16xi32> to vector<16xi32>
        %mul3A_782 = arith.constant 12 : i32
        %mul3A_783 = vector.broadcast %mul3A_782 : i32 to vector<16xi32>
        %mul3A_784 = arith.muli %get3A_781, %mul3A_783 : vector<16xi32>
        %get3A_785 = arith.index_cast %multiple_of3A_778 : i32 to index
        %get3A_786 = tpu.vector_load %arg8[%get3A_785] {strides = array<i32>} : memref<10000xi32, #tpu.memory_space<vmem>>, vector<16xi32>,
        %get3A_787 = vector.shape_cast %get3A_786 : vector<16xi32> to vector<16xi32>
        %mul3A_788 = arith.constant 2 : i32
        %mul3A_789 = vector.broadcast %mul3A_788 : i32 to vector<16xi32>
        %mul3A_790 = arith.muli %get3A_787, %mul3A_789 : vector<16xi32>
        %add3A_791 = arith.addi %mul3A_784, %mul3A_790 : vector<16xi32>
        %get3A_792 = arith.index_cast %multiple_of3A_778 : i32 to index
        %get3A_793 = tpu.vector_load %arg9[%get3A_792] {strides = array<i32>} : memref<10000xi32, #tpu.memory_space<vmem>>, vector<16xi32>,
        %get3A_794 = vector.shape_cast %get3A_793 : vector<16xi32> to vector<16xi32>
        %add3A_795 = arith.addi %add3A_791, %get3A_794 : vector<16xi32>
        %swap3A_796 = arith.index_cast %multiple_of3A_778 : i32 to index
        %swap3A_797 = tpu.vector_load %arg10[%swap3A_796] {strides = array<i32>} : memref<10000xi32, #tpu.memory_space<vmem>>, vector<16xi32>,
        %swap3A_798 = vector.shape_cast %swap3A_797 : vector<16xi32> to vector<16xi32>
        %swap3A_799 = vector.shape_cast %add3A_795 : vector<16xi32> to vector<16xi32>
        tpu.vector_store %arg10[%swap3A_796], %swap3A_799 {strides = array<i32>} : memref<10000xi32, #tpu.memory_space<vmem>>, vector<16xi32>,
        %mul3A_800 = arith.constant 80 : i32
        %mul3A_801 = arith.muli %add3A_695, %mul3A_800 : i32
        %add3A_802 = arith.constant 64 : i32
        %add3A_803 = arith.addi %mul3A_801, %add3A_802 : i32
        %multiple_of3A_804 = tpu.assume_multiple %add3A_803, 16 : i32
        %get3A_805 = arith.index_cast %multiple_of3A_804 : i32 to index
        %get3A_806 = tpu.vector_load %arg7[%get3A_805] {strides = array<i32>} : memref<10000xi32, #tpu.memory_space<vmem>>, vector<16xi32>,
        %get3A_807 = vector.shape_cast %get3A_806 : vector<16xi32> to vector<16xi32>
        %mul3A_808 = arith.constant 12 : i32
        %mul3A_809 = vector.broadcast %mul3A_808 : i32 to vector<16xi32>
        %mul3A_810 = arith.muli %get3A_807, %mul3A_809 : vector<16xi32>
        %get3A_811 = arith.index_cast %multiple_of3A_804 : i32 to index
        %get3A_812 = tpu.vector_load %arg8[%get3A_811] {strides = array<i32>} : memref<10000xi32, #tpu.memory_space<vmem>>, vector<16xi32>,
        %get3A_813 = vector.shape_cast %get3A_812 : vector<16xi32> to vector<16xi32>
        %mul3A_814 = arith.constant 2 : i32
        %mul3A_815 = vector.broadcast %mul3A_814 : i32 to vector<16xi32>
        %mul3A_816 = arith.muli %get3A_813, %mul3A_815 : vector<16xi32>
        %add3A_817 = arith.addi %mul3A_810, %mul3A_816 : vector<16xi32>
        %get3A_818 = arith.index_cast %multiple_of3A_804 : i32 to index
        %get3A_819 = tpu.vector_load %arg9[%get3A_818] {strides = array<i32>} : memref<10000xi32, #tpu.memory_space<vmem>>, vector<16xi32>,
        %get3A_820 = vector.shape_cast %get3A_819 : vector<16xi32> to vector<16xi32>
        %add3A_821 = arith.addi %add3A_817, %get3A_820 : vector<16xi32>
        %swap3A_822 = arith.index_cast %multiple_of3A_804 : i32 to index
        %swap3A_823 = tpu.vector_load %arg10[%swap3A_822] {strides = array<i32>} : memref<10000xi32, #tpu.memory_space<vmem>>, vector<16xi32>,
        %swap3A_824 = vector.shape_cast %swap3A_823 : vector<16xi32> to vector<16xi32>
        %swap3A_825 = vector.shape_cast %add3A_821 : vector<16xi32> to vector<16xi32>
        tpu.vector_store %arg10[%swap3A_822], %swap3A_825 {strides = array<i32>} : memref<10000xi32, #tpu.memory_space<vmem>>, vector<16xi32>,
        %add3A_826 = arith.constant 4 : i32
        %add3A_827 = arith.addi %add3A_507, %add3A_826 : i32
        %mul3A_828 = arith.constant 80 : i32
        %mul3A_829 = arith.muli %add3A_827, %mul3A_828 : i32
        %multiple_of3A_830 = tpu.assume_multiple %mul3A_829, 80 : i32
        %dma_start3A_831 = tpu.memref_slice %arg10[%multiple_of3A_830] : memref<10000xi32, #tpu.memory_space<vmem>> -> memref<80xi32, #tpu.memory_space<vmem>>
        %dma_start3A_832 = arith.constant 0 : i32
        %dma_start3A_833 = arith.constant 0 : i32
        %dma_start3A_834 = tpu.memref_slice %arg11[%dma_start3A_832, %dma_start3A_833] : memref<64x128xf32, #tpu.memory_space<vmem_shared>> -> memref<64x128xf32, #tpu.memory_space<vmem_shared>>
        tpu.enqueue_indirect_dma source(%dma_start3A_834 : memref<64x128xf32, #tpu.memory_space<vmem_shared>>) target(%arg16 : memref<80x128xf32, #tpu.memory_space<vmem>>) offsets(%dma_start3A_831 : memref<80xi32, #tpu.memory_space<vmem>>) semaphore(%arg24 : memref<!tpu.dma_semaphore, #tpu.memory_space<semaphore_mem>>)
      } else {
      }
      %lt3A_520 = arith.constant 125 : i32
      %lt3A_521 = arith.cmpi slt, %add3A_507, %lt3A_520 : i32
      %convert_element_type3A_522 = arith.extui %lt3A_521 : i1 to i32
      %cond3A_523 = arith.constant 0 : i32
      %cond3A_524 = arith.cmpi ne, %convert_element_type3A_522, %cond3A_523 : i32
      scf.if %cond3A_524 {
        %dma_wait3A_694 = arith.constant 0 : i32
        %dma_wait3A_695 = arith.constant 0 : i32
        %dma_wait3A_696 = tpu.memref_slice %arg6[%dma_wait3A_694, %dma_wait3A_695] : memref<320000x128xf32, #tpu.memory_space<hbm>> -> memref<80x128xf32, #tpu.memory_space<hbm>>
        %dma_wait3A_697 = arith.constant 0 : i32
        %dma_wait3A_698 = arith.constant 0 : i32
        %dma_wait3A_699 = tpu.memref_slice %arg6[%dma_wait3A_697, %dma_wait3A_698] : memref<320000x128xf32, #tpu.memory_space<hbm>> -> memref<80x128xf32, #tpu.memory_space<hbm>>
        tpu.wait_dma2 semaphore(%arg20 : memref<!tpu.dma_semaphore, #tpu.memory_space<semaphore_mem>>) src(%dma_wait3A_699 : memref<80x128xf32, #tpu.memory_space<hbm>>) dst(%arg12 : memref<80x128xf32, #tpu.memory_space<vmem>>)
        %mul3A_700 = arith.constant 80 : i32
        %mul3A_701 = arith.muli %add3A_507, %mul3A_700 : i32
        %multiple_of3A_702 = tpu.assume_multiple %mul3A_701, 80 : i32
        %add3A_703 = arith.addi %mul3A_2, %multiple_of3A_702 : i32
        %dma_start3A_704 = arith.constant 0 : i32
        %dma_start3A_705 = tpu.memref_slice %arg6[%add3A_703, %dma_start3A_704] : memref<320000x128xf32, #tpu.memory_space<hbm>> -> memref<80x128xf32, #tpu.memory_space<hbm>>
        %dma_start3A_706 = arith.constant 0 : i32
        %dma_start3A_707 = tpu.memref_slice %arg6[%add3A_703, %dma_start3A_706] : memref<320000x128xf32, #tpu.memory_space<hbm>> -> memref<80x128xf32, #tpu.memory_space<hbm>>
        tpu.enqueue_dma source(%arg12 : memref<80x128xf32, #tpu.memory_space<vmem>>) target(%dma_start3A_707 : memref<80x128xf32, #tpu.memory_space<hbm>>) target_semaphore(%arg28 : memref<!tpu.dma_semaphore, #tpu.memory_space<semaphore_mem>>)
      } else {
      }
      %mul3A_525 = arith.constant 8 : i32
      %mul3A_526 = arith.muli %scan3A_502, %mul3A_525 : i32
      %add3A_527 = arith.constant 1 : i32
      %add3A_528 = arith.addi %mul3A_526, %add3A_527 : i32
      %ge3A_529 = arith.constant 4 : i32
      %ge3A_530 = arith.cmpi sge, %add3A_528, %ge3A_529 : i32
      %lt3A_531 = arith.constant 129 : i32
      %lt3A_532 = arith.cmpi slt, %add3A_528, %lt3A_531 : i32
      %and3A_533 = arith.andi %ge3A_530, %lt3A_532 : i1
      %convert_element_type3A_534 = arith.extui %and3A_533 : i1 to i32
      %cond3A_535 = arith.constant 0 : i32
      %cond3A_536 = arith.cmpi ne, %convert_element_type3A_534, %cond3A_535 : i32
      scf.if %cond3A_536 {
        %dma_wait3A_694 = arith.constant 0 : i32
        %dma_wait3A_695 = arith.constant 0 : i32
        %dma_wait3A_696 = tpu.memref_slice %arg6[%dma_wait3A_694, %dma_wait3A_695] : memref<320000x128xf32, #tpu.memory_space<hbm>> -> memref<80x128xf32, #tpu.memory_space<hbm>>
        %dma_wait3A_697 = arith.constant 0 : i32
        %dma_wait3A_698 = arith.constant 0 : i32
        %dma_wait3A_699 = tpu.memref_slice %arg6[%dma_wait3A_697, %dma_wait3A_698] : memref<320000x128xf32, #tpu.memory_space<hbm>> -> memref<80x128xf32, #tpu.memory_space<hbm>>
        tpu.wait_dma2 semaphore(%arg33 : memref<!tpu.dma_semaphore, #tpu.memory_space<semaphore_mem>>) src(%arg17 : memref<80x128xf32, #tpu.memory_space<vmem>>) dst(%dma_wait3A_699 : memref<80x128xf32, #tpu.memory_space<hbm>>)
      } else {
      }
      %add3A_537 = arith.constant 4 : i32
      %add3A_538 = arith.addi %add3A_528, %add3A_537 : i32
      %lt3A_539 = arith.constant 125 : i32
      %lt3A_540 = arith.cmpi slt, %add3A_538, %lt3A_539 : i32
      %convert_element_type3A_541 = arith.extui %lt3A_540 : i1 to i32
      %cond3A_542 = arith.constant 0 : i32
      %cond3A_543 = arith.cmpi ne, %convert_element_type3A_541, %cond3A_542 : i32
      scf.if %cond3A_543 {
        %add3A_694 = arith.constant 4 : i32
        %add3A_695 = arith.addi %add3A_528, %add3A_694 : i32
        %mul3A_696 = arith.constant 80 : i32
        %mul3A_697 = arith.muli %add3A_695, %mul3A_696 : i32
        %add3A_698 = arith.constant 0 : i32
        %add3A_699 = arith.addi %mul3A_697, %add3A_698 : i32
        %multiple_of3A_700 = tpu.assume_multiple %add3A_699, 16 : i32
        %get3A_701 = arith.index_cast %multiple_of3A_700 : i32 to index
        %get3A_702 = tpu.vector_load %arg7[%get3A_701] {strides = array<i32>} : memref<10000xi32, #tpu.memory_space<vmem>>, vector<16xi32>,
        %get3A_703 = vector.shape_cast %get3A_702 : vector<16xi32> to vector<16xi32>
        %mul3A_704 = arith.constant 12 : i32
        %mul3A_705 = vector.broadcast %mul3A_704 : i32 to vector<16xi32>
        %mul3A_706 = arith.muli %get3A_703, %mul3A_705 : vector<16xi32>
        %get3A_707 = arith.index_cast %multiple_of3A_700 : i32 to index
        %get3A_708 = tpu.vector_load %arg8[%get3A_707] {strides = array<i32>} : memref<10000xi32, #tpu.memory_space<vmem>>, vector<16xi32>,
        %get3A_709 = vector.shape_cast %get3A_708 : vector<16xi32> to vector<16xi32>
        %mul3A_710 = arith.constant 2 : i32
        %mul3A_711 = vector.broadcast %mul3A_710 : i32 to vector<16xi32>
        %mul3A_712 = arith.muli %get3A_709, %mul3A_711 : vector<16xi32>
        %add3A_713 = arith.addi %mul3A_706, %mul3A_712 : vector<16xi32>
        %get3A_714 = arith.index_cast %multiple_of3A_700 : i32 to index
        %get3A_715 = tpu.vector_load %arg9[%get3A_714] {strides = array<i32>} : memref<10000xi32, #tpu.memory_space<vmem>>, vector<16xi32>,
        %get3A_716 = vector.shape_cast %get3A_715 : vector<16xi32> to vector<16xi32>
        %add3A_717 = arith.addi %add3A_713, %get3A_716 : vector<16xi32>
        %swap3A_718 = arith.index_cast %multiple_of3A_700 : i32 to index
        %swap3A_719 = tpu.vector_load %arg10[%swap3A_718] {strides = array<i32>} : memref<10000xi32, #tpu.memory_space<vmem>>, vector<16xi32>,
        %swap3A_720 = vector.shape_cast %swap3A_719 : vector<16xi32> to vector<16xi32>
        %swap3A_721 = vector.shape_cast %add3A_717 : vector<16xi32> to vector<16xi32>
        tpu.vector_store %arg10[%swap3A_718], %swap3A_721 {strides = array<i32>} : memref<10000xi32, #tpu.memory_space<vmem>>, vector<16xi32>,
        %mul3A_722 = arith.constant 80 : i32
        %mul3A_723 = arith.muli %add3A_695, %mul3A_722 : i32
        %add3A_724 = arith.constant 16 : i32
        %add3A_725 = arith.addi %mul3A_723, %add3A_724 : i32
        %multiple_of3A_726 = tpu.assume_multiple %add3A_725, 16 : i32
        %get3A_727 = arith.index_cast %multiple_of3A_726 : i32 to index
        %get3A_728 = tpu.vector_load %arg7[%get3A_727] {strides = array<i32>} : memref<10000xi32, #tpu.memory_space<vmem>>, vector<16xi32>,
        %get3A_729 = vector.shape_cast %get3A_728 : vector<16xi32> to vector<16xi32>
        %mul3A_730 = arith.constant 12 : i32
        %mul3A_731 = vector.broadcast %mul3A_730 : i32 to vector<16xi32>
        %mul3A_732 = arith.muli %get3A_729, %mul3A_731 : vector<16xi32>
        %get3A_733 = arith.index_cast %multiple_of3A_726 : i32 to index
        %get3A_734 = tpu.vector_load %arg8[%get3A_733] {strides = array<i32>} : memref<10000xi32, #tpu.memory_space<vmem>>, vector<16xi32>,
        %get3A_735 = vector.shape_cast %get3A_734 : vector<16xi32> to vector<16xi32>
        %mul3A_736 = arith.constant 2 : i32
        %mul3A_737 = vector.broadcast %mul3A_736 : i32 to vector<16xi32>
        %mul3A_738 = arith.muli %get3A_735, %mul3A_737 : vector<16xi32>
        %add3A_739 = arith.addi %mul3A_732, %mul3A_738 : vector<16xi32>
        %get3A_740 = arith.index_cast %multiple_of3A_726 : i32 to index
        %get3A_741 = tpu.vector_load %arg9[%get3A_740] {strides = array<i32>} : memref<10000xi32, #tpu.memory_space<vmem>>, vector<16xi32>,
        %get3A_742 = vector.shape_cast %get3A_741 : vector<16xi32> to vector<16xi32>
        %add3A_743 = arith.addi %add3A_739, %get3A_742 : vector<16xi32>
        %swap3A_744 = arith.index_cast %multiple_of3A_726 : i32 to index
        %swap3A_745 = tpu.vector_load %arg10[%swap3A_744] {strides = array<i32>} : memref<10000xi32, #tpu.memory_space<vmem>>, vector<16xi32>,
        %swap3A_746 = vector.shape_cast %swap3A_745 : vector<16xi32> to vector<16xi32>
        %swap3A_747 = vector.shape_cast %add3A_743 : vector<16xi32> to vector<16xi32>
        tpu.vector_store %arg10[%swap3A_744], %swap3A_747 {strides = array<i32>} : memref<10000xi32, #tpu.memory_space<vmem>>, vector<16xi32>,
        %mul3A_748 = arith.constant 80 : i32
        %mul3A_749 = arith.muli %add3A_695, %mul3A_748 : i32
        %add3A_750 = arith.constant 32 : i32
        %add3A_751 = arith.addi %mul3A_749, %add3A_750 : i32
        %multiple_of3A_752 = tpu.assume_multiple %add3A_751, 16 : i32
        %get3A_753 = arith.index_cast %multiple_of3A_752 : i32 to index
        %get3A_754 = tpu.vector_load %arg7[%get3A_753] {strides = array<i32>} : memref<10000xi32, #tpu.memory_space<vmem>>, vector<16xi32>,
        %get3A_755 = vector.shape_cast %get3A_754 : vector<16xi32> to vector<16xi32>
        %mul3A_756 = arith.constant 12 : i32
        %mul3A_757 = vector.broadcast %mul3A_756 : i32 to vector<16xi32>
        %mul3A_758 = arith.muli %get3A_755, %mul3A_757 : vector<16xi32>
        %get3A_759 = arith.index_cast %multiple_of3A_752 : i32 to index
        %get3A_760 = tpu.vector_load %arg8[%get3A_759] {strides = array<i32>} : memref<10000xi32, #tpu.memory_space<vmem>>, vector<16xi32>,
        %get3A_761 = vector.shape_cast %get3A_760 : vector<16xi32> to vector<16xi32>
        %mul3A_762 = arith.constant 2 : i32
        %mul3A_763 = vector.broadcast %mul3A_762 : i32 to vector<16xi32>
        %mul3A_764 = arith.muli %get3A_761, %mul3A_763 : vector<16xi32>
        %add3A_765 = arith.addi %mul3A_758, %mul3A_764 : vector<16xi32>
        %get3A_766 = arith.index_cast %multiple_of3A_752 : i32 to index
        %get3A_767 = tpu.vector_load %arg9[%get3A_766] {strides = array<i32>} : memref<10000xi32, #tpu.memory_space<vmem>>, vector<16xi32>,
        %get3A_768 = vector.shape_cast %get3A_767 : vector<16xi32> to vector<16xi32>
        %add3A_769 = arith.addi %add3A_765, %get3A_768 : vector<16xi32>
        %swap3A_770 = arith.index_cast %multiple_of3A_752 : i32 to index
        %swap3A_771 = tpu.vector_load %arg10[%swap3A_770] {strides = array<i32>} : memref<10000xi32, #tpu.memory_space<vmem>>, vector<16xi32>,
        %swap3A_772 = vector.shape_cast %swap3A_771 : vector<16xi32> to vector<16xi32>
        %swap3A_773 = vector.shape_cast %add3A_769 : vector<16xi32> to vector<16xi32>
        tpu.vector_store %arg10[%swap3A_770], %swap3A_773 {strides = array<i32>} : memref<10000xi32, #tpu.memory_space<vmem>>, vector<16xi32>,
        %mul3A_774 = arith.constant 80 : i32
        %mul3A_775 = arith.muli %add3A_695, %mul3A_774 : i32
        %add3A_776 = arith.constant 48 : i32
        %add3A_777 = arith.addi %mul3A_775, %add3A_776 : i32
        %multiple_of3A_778 = tpu.assume_multiple %add3A_777, 16 : i32
        %get3A_779 = arith.index_cast %multiple_of3A_778 : i32 to index
        %get3A_780 = tpu.vector_load %arg7[%get3A_779] {strides = array<i32>} : memref<10000xi32, #tpu.memory_space<vmem>>, vector<16xi32>,
        %get3A_781 = vector.shape_cast %get3A_780 : vector<16xi32> to vector<16xi32>
        %mul3A_782 = arith.constant 12 : i32
        %mul3A_783 = vector.broadcast %mul3A_782 : i32 to vector<16xi32>
        %mul3A_784 = arith.muli %get3A_781, %mul3A_783 : vector<16xi32>
        %get3A_785 = arith.index_cast %multiple_of3A_778 : i32 to index
        %get3A_786 = tpu.vector_load %arg8[%get3A_785] {strides = array<i32>} : memref<10000xi32, #tpu.memory_space<vmem>>, vector<16xi32>,
        %get3A_787 = vector.shape_cast %get3A_786 : vector<16xi32> to vector<16xi32>
        %mul3A_788 = arith.constant 2 : i32
        %mul3A_789 = vector.broadcast %mul3A_788 : i32 to vector<16xi32>
        %mul3A_790 = arith.muli %get3A_787, %mul3A_789 : vector<16xi32>
        %add3A_791 = arith.addi %mul3A_784, %mul3A_790 : vector<16xi32>
        %get3A_792 = arith.index_cast %multiple_of3A_778 : i32 to index
        %get3A_793 = tpu.vector_load %arg9[%get3A_792] {strides = array<i32>} : memref<10000xi32, #tpu.memory_space<vmem>>, vector<16xi32>,
        %get3A_794 = vector.shape_cast %get3A_793 : vector<16xi32> to vector<16xi32>
        %add3A_795 = arith.addi %add3A_791, %get3A_794 : vector<16xi32>
        %swap3A_796 = arith.index_cast %multiple_of3A_778 : i32 to index
        %swap3A_797 = tpu.vector_load %arg10[%swap3A_796] {strides = array<i32>} : memref<10000xi32, #tpu.memory_space<vmem>>, vector<16xi32>,
        %swap3A_798 = vector.shape_cast %swap3A_797 : vector<16xi32> to vector<16xi32>
        %swap3A_799 = vector.shape_cast %add3A_795 : vector<16xi32> to vector<16xi32>
        tpu.vector_store %arg10[%swap3A_796], %swap3A_799 {strides = array<i32>} : memref<10000xi32, #tpu.memory_space<vmem>>, vector<16xi32>,
        %mul3A_800 = arith.constant 80 : i32
        %mul3A_801 = arith.muli %add3A_695, %mul3A_800 : i32
        %add3A_802 = arith.constant 64 : i32
        %add3A_803 = arith.addi %mul3A_801, %add3A_802 : i32
        %multiple_of3A_804 = tpu.assume_multiple %add3A_803, 16 : i32
        %get3A_805 = arith.index_cast %multiple_of3A_804 : i32 to index
        %get3A_806 = tpu.vector_load %arg7[%get3A_805] {strides = array<i32>} : memref<10000xi32, #tpu.memory_space<vmem>>, vector<16xi32>,
        %get3A_807 = vector.shape_cast %get3A_806 : vector<16xi32> to vector<16xi32>
        %mul3A_808 = arith.constant 12 : i32
        %mul3A_809 = vector.broadcast %mul3A_808 : i32 to vector<16xi32>
        %mul3A_810 = arith.muli %get3A_807, %mul3A_809 : vector<16xi32>
        %get3A_811 = arith.index_cast %multiple_of3A_804 : i32 to index
        %get3A_812 = tpu.vector_load %arg8[%get3A_811] {strides = array<i32>} : memref<10000xi32, #tpu.memory_space<vmem>>, vector<16xi32>,
        %get3A_813 = vector.shape_cast %get3A_812 : vector<16xi32> to vector<16xi32>
        %mul3A_814 = arith.constant 2 : i32
        %mul3A_815 = vector.broadcast %mul3A_814 : i32 to vector<16xi32>
        %mul3A_816 = arith.muli %get3A_813, %mul3A_815 : vector<16xi32>
        %add3A_817 = arith.addi %mul3A_810, %mul3A_816 : vector<16xi32>
        %get3A_818 = arith.index_cast %multiple_of3A_804 : i32 to index
        %get3A_819 = tpu.vector_load %arg9[%get3A_818] {strides = array<i32>} : memref<10000xi32, #tpu.memory_space<vmem>>, vector<16xi32>,
        %get3A_820 = vector.shape_cast %get3A_819 : vector<16xi32> to vector<16xi32>
        %add3A_821 = arith.addi %add3A_817, %get3A_820 : vector<16xi32>
        %swap3A_822 = arith.index_cast %multiple_of3A_804 : i32 to index
        %swap3A_823 = tpu.vector_load %arg10[%swap3A_822] {strides = array<i32>} : memref<10000xi32, #tpu.memory_space<vmem>>, vector<16xi32>,
        %swap3A_824 = vector.shape_cast %swap3A_823 : vector<16xi32> to vector<16xi32>
        %swap3A_825 = vector.shape_cast %add3A_821 : vector<16xi32> to vector<16xi32>
        tpu.vector_store %arg10[%swap3A_822], %swap3A_825 {strides = array<i32>} : memref<10000xi32, #tpu.memory_space<vmem>>, vector<16xi32>,
        %add3A_826 = arith.constant 4 : i32
        %add3A_827 = arith.addi %add3A_528, %add3A_826 : i32
        %mul3A_828 = arith.constant 80 : i32
        %mul3A_829 = arith.muli %add3A_827, %mul3A_828 : i32
        %multiple_of3A_830 = tpu.assume_multiple %mul3A_829, 80 : i32
        %dma_start3A_831 = tpu.memref_slice %arg10[%multiple_of3A_830] : memref<10000xi32, #tpu.memory_space<vmem>> -> memref<80xi32, #tpu.memory_space<vmem>>
        %dma_start3A_832 = arith.constant 0 : i32
        %dma_start3A_833 = arith.constant 0 : i32
        %dma_start3A_834 = tpu.memref_slice %arg11[%dma_start3A_832, %dma_start3A_833] : memref<64x128xf32, #tpu.memory_space<vmem_shared>> -> memref<64x128xf32, #tpu.memory_space<vmem_shared>>
        tpu.enqueue_indirect_dma source(%dma_start3A_834 : memref<64x128xf32, #tpu.memory_space<vmem_shared>>) target(%arg17 : memref<80x128xf32, #tpu.memory_space<vmem>>) offsets(%dma_start3A_831 : memref<80xi32, #tpu.memory_space<vmem>>) semaphore(%arg25 : memref<!tpu.dma_semaphore, #tpu.memory_space<semaphore_mem>>)
      } else {
      }
      %lt3A_544 = arith.constant 125 : i32
      %lt3A_545 = arith.cmpi slt, %add3A_528, %lt3A_544 : i32
      %convert_element_type3A_546 = arith.extui %lt3A_545 : i1 to i32
      %cond3A_547 = arith.constant 0 : i32
      %cond3A_548 = arith.cmpi ne, %convert_element_type3A_546, %cond3A_547 : i32
      scf.if %cond3A_548 {
        %dma_wait3A_694 = arith.constant 0 : i32
        %dma_wait3A_695 = arith.constant 0 : i32
        %dma_wait3A_696 = tpu.memref_slice %arg6[%dma_wait3A_694, %dma_wait3A_695] : memref<320000x128xf32, #tpu.memory_space<hbm>> -> memref<80x128xf32, #tpu.memory_space<hbm>>
        %dma_wait3A_697 = arith.constant 0 : i32
        %dma_wait3A_698 = arith.constant 0 : i32
        %dma_wait3A_699 = tpu.memref_slice %arg6[%dma_wait3A_697, %dma_wait3A_698] : memref<320000x128xf32, #tpu.memory_space<hbm>> -> memref<80x128xf32, #tpu.memory_space<hbm>>
        tpu.wait_dma2 semaphore(%arg21 : memref<!tpu.dma_semaphore, #tpu.memory_space<semaphore_mem>>) src(%dma_wait3A_699 : memref<80x128xf32, #tpu.memory_space<hbm>>) dst(%arg13 : memref<80x128xf32, #tpu.memory_space<vmem>>)
        %mul3A_700 = arith.constant 80 : i32
        %mul3A_701 = arith.muli %add3A_528, %mul3A_700 : i32
        %multiple_of3A_702 = tpu.assume_multiple %mul3A_701, 80 : i32
        %add3A_703 = arith.addi %mul3A_2, %multiple_of3A_702 : i32
        %dma_start3A_704 = arith.constant 0 : i32
        %dma_start3A_705 = tpu.memref_slice %arg6[%add3A_703, %dma_start3A_704] : memref<320000x128xf32, #tpu.memory_space<hbm>> -> memref<80x128xf32, #tpu.memory_space<hbm>>
        %dma_start3A_706 = arith.constant 0 : i32
        %dma_start3A_707 = tpu.memref_slice %arg6[%add3A_703, %dma_start3A_706] : memref<320000x128xf32, #tpu.memory_space<hbm>> -> memref<80x128xf32, #tpu.memory_space<hbm>>
        tpu.enqueue_dma source(%arg13 : memref<80x128xf32, #tpu.memory_space<vmem>>) target(%dma_start3A_707 : memref<80x128xf32, #tpu.memory_space<hbm>>) target_semaphore(%arg29 : memref<!tpu.dma_semaphore, #tpu.memory_space<semaphore_mem>>)
      } else {
      }
      %mul3A_549 = arith.constant 8 : i32
      %mul3A_550 = arith.muli %scan3A_502, %mul3A_549 : i32
      %add3A_551 = arith.constant 2 : i32
      %add3A_552 = arith.addi %mul3A_550, %add3A_551 : i32
      %ge3A_553 = arith.constant 4 : i32
      %ge3A_554 = arith.cmpi sge, %add3A_552, %ge3A_553 : i32
      %lt3A_555 = arith.constant 129 : i32
      %lt3A_556 = arith.cmpi slt, %add3A_552, %lt3A_555 : i32
      %and3A_557 = arith.andi %ge3A_554, %lt3A_556 : i1
      %convert_element_type3A_558 = arith.extui %and3A_557 : i1 to i32
      %cond3A_559 = arith.constant 0 : i32
      %cond3A_560 = arith.cmpi ne, %convert_element_type3A_558, %cond3A_559 : i32
      scf.if %cond3A_560 {
        %dma_wait3A_694 = arith.constant 0 : i32
        %dma_wait3A_695 = arith.constant 0 : i32
        %dma_wait3A_696 = tpu.memref_slice %arg6[%dma_wait3A_694, %dma_wait3A_695] : memref<320000x128xf32, #tpu.memory_space<hbm>> -> memref<80x128xf32, #tpu.memory_space<hbm>>
        %dma_wait3A_697 = arith.constant 0 : i32
        %dma_wait3A_698 = arith.constant 0 : i32
        %dma_wait3A_699 = tpu.memref_slice %arg6[%dma_wait3A_697, %dma_wait3A_698] : memref<320000x128xf32, #tpu.memory_space<hbm>> -> memref<80x128xf32, #tpu.memory_space<hbm>>
        tpu.wait_dma2 semaphore(%arg34 : memref<!tpu.dma_semaphore, #tpu.memory_space<semaphore_mem>>) src(%arg18 : memref<80x128xf32, #tpu.memory_space<vmem>>) dst(%dma_wait3A_699 : memref<80x128xf32, #tpu.memory_space<hbm>>)
      } else {
      }
      %add3A_561 = arith.constant 4 : i32
      %add3A_562 = arith.addi %add3A_552, %add3A_561 : i32
      %lt3A_563 = arith.constant 125 : i32
      %lt3A_564 = arith.cmpi slt, %add3A_562, %lt3A_563 : i32
      %convert_element_type3A_565 = arith.extui %lt3A_564 : i1 to i32
      %cond3A_566 = arith.constant 0 : i32
      %cond3A_567 = arith.cmpi ne, %convert_element_type3A_565, %cond3A_566 : i32
      scf.if %cond3A_567 {
        %add3A_694 = arith.constant 4 : i32
        %add3A_695 = arith.addi %add3A_552, %add3A_694 : i32
        %mul3A_696 = arith.constant 80 : i32
        %mul3A_697 = arith.muli %add3A_695, %mul3A_696 : i32
        %add3A_698 = arith.constant 0 : i32
        %add3A_699 = arith.addi %mul3A_697, %add3A_698 : i32
        %multiple_of3A_700 = tpu.assume_multiple %add3A_699, 16 : i32
        %get3A_701 = arith.index_cast %multiple_of3A_700 : i32 to index
        %get3A_702 = tpu.vector_load %arg7[%get3A_701] {strides = array<i32>} : memref<10000xi32, #tpu.memory_space<vmem>>, vector<16xi32>,
        %get3A_703 = vector.shape_cast %get3A_702 : vector<16xi32> to vector<16xi32>
        %mul3A_704 = arith.constant 12 : i32
        %mul3A_705 = vector.broadcast %mul3A_704 : i32 to vector<16xi32>
        %mul3A_706 = arith.muli %get3A_703, %mul3A_705 : vector<16xi32>
        %get3A_707 = arith.index_cast %multiple_of3A_700 : i32 to index
        %get3A_708 = tpu.vector_load %arg8[%get3A_707] {strides = array<i32>} : memref<10000xi32, #tpu.memory_space<vmem>>, vector<16xi32>,
        %get3A_709 = vector.shape_cast %get3A_708 : vector<16xi32> to vector<16xi32>
        %mul3A_710 = arith.constant 2 : i32
        %mul3A_711 = vector.broadcast %mul3A_710 : i32 to vector<16xi32>
        %mul3A_712 = arith.muli %get3A_709, %mul3A_711 : vector<16xi32>
        %add3A_713 = arith.addi %mul3A_706, %mul3A_712 : vector<16xi32>
        %get3A_714 = arith.index_cast %multiple_of3A_700 : i32 to index
        %get3A_715 = tpu.vector_load %arg9[%get3A_714] {strides = array<i32>} : memref<10000xi32, #tpu.memory_space<vmem>>, vector<16xi32>,
        %get3A_716 = vector.shape_cast %get3A_715 : vector<16xi32> to vector<16xi32>
        %add3A_717 = arith.addi %add3A_713, %get3A_716 : vector<16xi32>
        %swap3A_718 = arith.index_cast %multiple_of3A_700 : i32 to index
        %swap3A_719 = tpu.vector_load %arg10[%swap3A_718] {strides = array<i32>} : memref<10000xi32, #tpu.memory_space<vmem>>, vector<16xi32>,
        %swap3A_720 = vector.shape_cast %swap3A_719 : vector<16xi32> to vector<16xi32>
        %swap3A_721 = vector.shape_cast %add3A_717 : vector<16xi32> to vector<16xi32>
        tpu.vector_store %arg10[%swap3A_718], %swap3A_721 {strides = array<i32>} : memref<10000xi32, #tpu.memory_space<vmem>>, vector<16xi32>,
        %mul3A_722 = arith.constant 80 : i32
        %mul3A_723 = arith.muli %add3A_695, %mul3A_722 : i32
        %add3A_724 = arith.constant 16 : i32
        %add3A_725 = arith.addi %mul3A_723, %add3A_724 : i32
        %multiple_of3A_726 = tpu.assume_multiple %add3A_725, 16 : i32
        %get3A_727 = arith.index_cast %multiple_of3A_726 : i32 to index
        %get3A_728 = tpu.vector_load %arg7[%get3A_727] {strides = array<i32>} : memref<10000xi32, #tpu.memory_space<vmem>>, vector<16xi32>,
        %get3A_729 = vector.shape_cast %get3A_728 : vector<16xi32> to vector<16xi32>
        %mul3A_730 = arith.constant 12 : i32
        %mul3A_731 = vector.broadcast %mul3A_730 : i32 to vector<16xi32>
        %mul3A_732 = arith.muli %get3A_729, %mul3A_731 : vector<16xi32>
        %get3A_733 = arith.index_cast %multiple_of3A_726 : i32 to index
        %get3A_734 = tpu.vector_load %arg8[%get3A_733] {strides = array<i32>} : memref<10000xi32, #tpu.memory_space<vmem>>, vector<16xi32>,
        %get3A_735 = vector.shape_cast %get3A_734 : vector<16xi32> to vector<16xi32>
        %mul3A_736 = arith.constant 2 : i32
        %mul3A_737 = vector.broadcast %mul3A_736 : i32 to vector<16xi32>
        %mul3A_738 = arith.muli %get3A_735, %mul3A_737 : vector<16xi32>
        %add3A_739 = arith.addi %mul3A_732, %mul3A_738 : vector<16xi32>
        %get3A_740 = arith.index_cast %multiple_of3A_726 : i32 to index
        %get3A_741 = tpu.vector_load %arg9[%get3A_740] {strides = array<i32>} : memref<10000xi32, #tpu.memory_space<vmem>>, vector<16xi32>,
        %get3A_742 = vector.shape_cast %get3A_741 : vector<16xi32> to vector<16xi32>
        %add3A_743 = arith.addi %add3A_739, %get3A_742 : vector<16xi32>
        %swap3A_744 = arith.index_cast %multiple_of3A_726 : i32 to index
        %swap3A_745 = tpu.vector_load %arg10[%swap3A_744] {strides = array<i32>} : memref<10000xi32, #tpu.memory_space<vmem>>, vector<16xi32>,
        %swap3A_746 = vector.shape_cast %swap3A_745 : vector<16xi32> to vector<16xi32>
        %swap3A_747 = vector.shape_cast %add3A_743 : vector<16xi32> to vector<16xi32>
        tpu.vector_store %arg10[%swap3A_744], %swap3A_747 {strides = array<i32>} : memref<10000xi32, #tpu.memory_space<vmem>>, vector<16xi32>,
        %mul3A_748 = arith.constant 80 : i32
        %mul3A_749 = arith.muli %add3A_695, %mul3A_748 : i32
        %add3A_750 = arith.constant 32 : i32
        %add3A_751 = arith.addi %mul3A_749, %add3A_750 : i32
        %multiple_of3A_752 = tpu.assume_multiple %add3A_751, 16 : i32
        %get3A_753 = arith.index_cast %multiple_of3A_752 : i32 to index
        %get3A_754 = tpu.vector_load %arg7[%get3A_753] {strides = array<i32>} : memref<10000xi32, #tpu.memory_space<vmem>>, vector<16xi32>,
        %get3A_755 = vector.shape_cast %get3A_754 : vector<16xi32> to vector<16xi32>
        %mul3A_756 = arith.constant 12 : i32
        %mul3A_757 = vector.broadcast %mul3A_756 : i32 to vector<16xi32>
        %mul3A_758 = arith.muli %get3A_755, %mul3A_757 : vector<16xi32>
        %get3A_759 = arith.index_cast %multiple_of3A_752 : i32 to index
        %get3A_760 = tpu.vector_load %arg8[%get3A_759] {strides = array<i32>} : memref<10000xi32, #tpu.memory_space<vmem>>, vector<16xi32>,
        %get3A_761 = vector.shape_cast %get3A_760 : vector<16xi32> to vector<16xi32>
        %mul3A_762 = arith.constant 2 : i32
        %mul3A_763 = vector.broadcast %mul3A_762 : i32 to vector<16xi32>
        %mul3A_764 = arith.muli %get3A_761, %mul3A_763 : vector<16xi32>
        %add3A_765 = arith.addi %mul3A_758, %mul3A_764 : vector<16xi32>
        %get3A_766 = arith.index_cast %multiple_of3A_752 : i32 to index
        %get3A_767 = tpu.vector_load %arg9[%get3A_766] {strides = array<i32>} : memref<10000xi32, #tpu.memory_space<vmem>>, vector<16xi32>,
        %get3A_768 = vector.shape_cast %get3A_767 : vector<16xi32> to vector<16xi32>
        %add3A_769 = arith.addi %add3A_765, %get3A_768 : vector<16xi32>
        %swap3A_770 = arith.index_cast %multiple_of3A_752 : i32 to index
        %swap3A_771 = tpu.vector_load %arg10[%swap3A_770] {strides = array<i32>} : memref<10000xi32, #tpu.memory_space<vmem>>, vector<16xi32>,
        %swap3A_772 = vector.shape_cast %swap3A_771 : vector<16xi32> to vector<16xi32>
        %swap3A_773 = vector.shape_cast %add3A_769 : vector<16xi32> to vector<16xi32>
        tpu.vector_store %arg10[%swap3A_770], %swap3A_773 {strides = array<i32>} : memref<10000xi32, #tpu.memory_space<vmem>>, vector<16xi32>,
        %mul3A_774 = arith.constant 80 : i32
        %mul3A_775 = arith.muli %add3A_695, %mul3A_774 : i32
        %add3A_776 = arith.constant 48 : i32
        %add3A_777 = arith.addi %mul3A_775, %add3A_776 : i32
        %multiple_of3A_778 = tpu.assume_multiple %add3A_777, 16 : i32
        %get3A_779 = arith.index_cast %multiple_of3A_778 : i32 to index
        %get3A_780 = tpu.vector_load %arg7[%get3A_779] {strides = array<i32>} : memref<10000xi32, #tpu.memory_space<vmem>>, vector<16xi32>,
        %get3A_781 = vector.shape_cast %get3A_780 : vector<16xi32> to vector<16xi32>
        %mul3A_782 = arith.constant 12 : i32
        %mul3A_783 = vector.broadcast %mul3A_782 : i32 to vector<16xi32>
        %mul3A_784 = arith.muli %get3A_781, %mul3A_783 : vector<16xi32>
        %get3A_785 = arith.index_cast %multiple_of3A_778 : i32 to index
        %get3A_786 = tpu.vector_load %arg8[%get3A_785] {strides = array<i32>} : memref<10000xi32, #tpu.memory_space<vmem>>, vector<16xi32>,
        %get3A_787 = vector.shape_cast %get3A_786 : vector<16xi32> to vector<16xi32>
        %mul3A_788 = arith.constant 2 : i32
        %mul3A_789 = vector.broadcast %mul3A_788 : i32 to vector<16xi32>
        %mul3A_790 = arith.muli %get3A_787, %mul3A_789 : vector<16xi32>
        %add3A_791 = arith.addi %mul3A_784, %mul3A_790 : vector<16xi32>
        %get3A_792 = arith.index_cast %multiple_of3A_778 : i32 to index
        %get3A_793 = tpu.vector_load %arg9[%get3A_792] {strides = array<i32>} : memref<10000xi32, #tpu.memory_space<vmem>>, vector<16xi32>,
        %get3A_794 = vector.shape_cast %get3A_793 : vector<16xi32> to vector<16xi32>
        %add3A_795 = arith.addi %add3A_791, %get3A_794 : vector<16xi32>
        %swap3A_796 = arith.index_cast %multiple_of3A_778 : i32 to index
        %swap3A_797 = tpu.vector_load %arg10[%swap3A_796] {strides = array<i32>} : memref<10000xi32, #tpu.memory_space<vmem>>, vector<16xi32>,
        %swap3A_798 = vector.shape_cast %swap3A_797 : vector<16xi32> to vector<16xi32>
        %swap3A_799 = vector.shape_cast %add3A_795 : vector<16xi32> to vector<16xi32>
        tpu.vector_store %arg10[%swap3A_796], %swap3A_799 {strides = array<i32>} : memref<10000xi32, #tpu.memory_space<vmem>>, vector<16xi32>,
        %mul3A_800 = arith.constant 80 : i32
        %mul3A_801 = arith.muli %add3A_695, %mul3A_800 : i32
        %add3A_802 = arith.constant 64 : i32
        %add3A_803 = arith.addi %mul3A_801, %add3A_802 : i32
        %multiple_of3A_804 = tpu.assume_multiple %add3A_803, 16 : i32
        %get3A_805 = arith.index_cast %multiple_of3A_804 : i32 to index
        %get3A_806 = tpu.vector_load %arg7[%get3A_805] {strides = array<i32>} : memref<10000xi32, #tpu.memory_space<vmem>>, vector<16xi32>,
        %get3A_807 = vector.shape_cast %get3A_806 : vector<16xi32> to vector<16xi32>
        %mul3A_808 = arith.constant 12 : i32
        %mul3A_809 = vector.broadcast %mul3A_808 : i32 to vector<16xi32>
        %mul3A_810 = arith.muli %get3A_807, %mul3A_809 : vector<16xi32>
        %get3A_811 = arith.index_cast %multiple_of3A_804 : i32 to index
        %get3A_812 = tpu.vector_load %arg8[%get3A_811] {strides = array<i32>} : memref<10000xi32, #tpu.memory_space<vmem>>, vector<16xi32>,
        %get3A_813 = vector.shape_cast %get3A_812 : vector<16xi32> to vector<16xi32>
        %mul3A_814 = arith.constant 2 : i32
        %mul3A_815 = vector.broadcast %mul3A_814 : i32 to vector<16xi32>
        %mul3A_816 = arith.muli %get3A_813, %mul3A_815 : vector<16xi32>
        %add3A_817 = arith.addi %mul3A_810, %mul3A_816 : vector<16xi32>
        %get3A_818 = arith.index_cast %multiple_of3A_804 : i32 to index
        %get3A_819 = tpu.vector_load %arg9[%get3A_818] {strides = array<i32>} : memref<10000xi32, #tpu.memory_space<vmem>>, vector<16xi32>,
        %get3A_820 = vector.shape_cast %get3A_819 : vector<16xi32> to vector<16xi32>
        %add3A_821 = arith.addi %add3A_817, %get3A_820 : vector<16xi32>
        %swap3A_822 = arith.index_cast %multiple_of3A_804 : i32 to index
        %swap3A_823 = tpu.vector_load %arg10[%swap3A_822] {strides = array<i32>} : memref<10000xi32, #tpu.memory_space<vmem>>, vector<16xi32>,
        %swap3A_824 = vector.shape_cast %swap3A_823 : vector<16xi32> to vector<16xi32>
        %swap3A_825 = vector.shape_cast %add3A_821 : vector<16xi32> to vector<16xi32>
        tpu.vector_store %arg10[%swap3A_822], %swap3A_825 {strides = array<i32>} : memref<10000xi32, #tpu.memory_space<vmem>>, vector<16xi32>,
        %add3A_826 = arith.constant 4 : i32
        %add3A_827 = arith.addi %add3A_552, %add3A_826 : i32
        %mul3A_828 = arith.constant 80 : i32
        %mul3A_829 = arith.muli %add3A_827, %mul3A_828 : i32
        %multiple_of3A_830 = tpu.assume_multiple %mul3A_829, 80 : i32
        %dma_start3A_831 = tpu.memref_slice %arg10[%multiple_of3A_830] : memref<10000xi32, #tpu.memory_space<vmem>> -> memref<80xi32, #tpu.memory_space<vmem>>
        %dma_start3A_832 = arith.constant 0 : i32
        %dma_start3A_833 = arith.constant 0 : i32
        %dma_start3A_834 = tpu.memref_slice %arg11[%dma_start3A_832, %dma_start3A_833] : memref<64x128xf32, #tpu.memory_space<vmem_shared>> -> memref<64x128xf32, #tpu.memory_space<vmem_shared>>
        tpu.enqueue_indirect_dma source(%dma_start3A_834 : memref<64x128xf32, #tpu.memory_space<vmem_shared>>) target(%arg18 : memref<80x128xf32, #tpu.memory_space<vmem>>) offsets(%dma_start3A_831 : memref<80xi32, #tpu.memory_space<vmem>>) semaphore(%arg26 : memref<!tpu.dma_semaphore, #tpu.memory_space<semaphore_mem>>)
      } else {
      }
      %lt3A_568 = arith.constant 125 : i32
      %lt3A_569 = arith.cmpi slt, %add3A_552, %lt3A_568 : i32
      %convert_element_type3A_570 = arith.extui %lt3A_569 : i1 to i32
      %cond3A_571 = arith.constant 0 : i32
      %cond3A_572 = arith.cmpi ne, %convert_element_type3A_570, %cond3A_571 : i32
      scf.if %cond3A_572 {
        %dma_wait3A_694 = arith.constant 0 : i32
        %dma_wait3A_695 = arith.constant 0 : i32
        %dma_wait3A_696 = tpu.memref_slice %arg6[%dma_wait3A_694, %dma_wait3A_695] : memref<320000x128xf32, #tpu.memory_space<hbm>> -> memref<80x128xf32, #tpu.memory_space<hbm>>
        %dma_wait3A_697 = arith.constant 0 : i32
        %dma_wait3A_698 = arith.constant 0 : i32
        %dma_wait3A_699 = tpu.memref_slice %arg6[%dma_wait3A_697, %dma_wait3A_698] : memref<320000x128xf32, #tpu.memory_space<hbm>> -> memref<80x128xf32, #tpu.memory_space<hbm>>
        tpu.wait_dma2 semaphore(%arg22 : memref<!tpu.dma_semaphore, #tpu.memory_space<semaphore_mem>>) src(%dma_wait3A_699 : memref<80x128xf32, #tpu.memory_space<hbm>>) dst(%arg14 : memref<80x128xf32, #tpu.memory_space<vmem>>)
        %mul3A_700 = arith.constant 80 : i32
        %mul3A_701 = arith.muli %add3A_552, %mul3A_700 : i32
        %multiple_of3A_702 = tpu.assume_multiple %mul3A_701, 80 : i32
        %add3A_703 = arith.addi %mul3A_2, %multiple_of3A_702 : i32
        %dma_start3A_704 = arith.constant 0 : i32
        %dma_start3A_705 = tpu.memref_slice %arg6[%add3A_703, %dma_start3A_704] : memref<320000x128xf32, #tpu.memory_space<hbm>> -> memref<80x128xf32, #tpu.memory_space<hbm>>
        %dma_start3A_706 = arith.constant 0 : i32
        %dma_start3A_707 = tpu.memref_slice %arg6[%add3A_703, %dma_start3A_706] : memref<320000x128xf32, #tpu.memory_space<hbm>> -> memref<80x128xf32, #tpu.memory_space<hbm>>
        tpu.enqueue_dma source(%arg14 : memref<80x128xf32, #tpu.memory_space<vmem>>) target(%dma_start3A_707 : memref<80x128xf32, #tpu.memory_space<hbm>>) target_semaphore(%arg30 : memref<!tpu.dma_semaphore, #tpu.memory_space<semaphore_mem>>)
      } else {
      }
      %mul3A_573 = arith.constant 8 : i32
      %mul3A_574 = arith.muli %scan3A_502, %mul3A_573 : i32
      %add3A_575 = arith.constant 3 : i32
      %add3A_576 = arith.addi %mul3A_574, %add3A_575 : i32
      %ge3A_577 = arith.constant 4 : i32
      %ge3A_578 = arith.cmpi sge, %add3A_576, %ge3A_577 : i32
      %lt3A_579 = arith.constant 129 : i32
      %lt3A_580 = arith.cmpi slt, %add3A_576, %lt3A_579 : i32
      %and3A_581 = arith.andi %ge3A_578, %lt3A_580 : i1
      %convert_element_type3A_582 = arith.extui %and3A_581 : i1 to i32
      %cond3A_583 = arith.constant 0 : i32
      %cond3A_584 = arith.cmpi ne, %convert_element_type3A_582, %cond3A_583 : i32
      scf.if %cond3A_584 {
        %dma_wait3A_694 = arith.constant 0 : i32
        %dma_wait3A_695 = arith.constant 0 : i32
        %dma_wait3A_696 = tpu.memref_slice %arg6[%dma_wait3A_694, %dma_wait3A_695] : memref<320000x128xf32, #tpu.memory_space<hbm>> -> memref<80x128xf32, #tpu.memory_space<hbm>>
        %dma_wait3A_697 = arith.constant 0 : i32
        %dma_wait3A_698 = arith.constant 0 : i32
        %dma_wait3A_699 = tpu.memref_slice %arg6[%dma_wait3A_697, %dma_wait3A_698] : memref<320000x128xf32, #tpu.memory_space<hbm>> -> memref<80x128xf32, #tpu.memory_space<hbm>>
        tpu.wait_dma2 semaphore(%arg35 : memref<!tpu.dma_semaphore, #tpu.memory_space<semaphore_mem>>) src(%arg19 : memref<80x128xf32, #tpu.memory_space<vmem>>) dst(%dma_wait3A_699 : memref<80x128xf32, #tpu.memory_space<hbm>>)
      } else {
      }
      %add3A_585 = arith.constant 4 : i32
      %add3A_586 = arith.addi %add3A_576, %add3A_585 : i32
      %lt3A_587 = arith.constant 125 : i32
      %lt3A_588 = arith.cmpi slt, %add3A_586, %lt3A_587 : i32
      %convert_element_type3A_589 = arith.extui %lt3A_588 : i1 to i32
      %cond3A_590 = arith.constant 0 : i32
      %cond3A_591 = arith.cmpi ne, %convert_element_type3A_589, %cond3A_590 : i32
      scf.if %cond3A_591 {
        %add3A_694 = arith.constant 4 : i32
        %add3A_695 = arith.addi %add3A_576, %add3A_694 : i32
        %mul3A_696 = arith.constant 80 : i32
        %mul3A_697 = arith.muli %add3A_695, %mul3A_696 : i32
        %add3A_698 = arith.constant 0 : i32
        %add3A_699 = arith.addi %mul3A_697, %add3A_698 : i32
        %multiple_of3A_700 = tpu.assume_multiple %add3A_699, 16 : i32
        %get3A_701 = arith.index_cast %multiple_of3A_700 : i32 to index
        %get3A_702 = tpu.vector_load %arg7[%get3A_701] {strides = array<i32>} : memref<10000xi32, #tpu.memory_space<vmem>>, vector<16xi32>,
        %get3A_703 = vector.shape_cast %get3A_702 : vector<16xi32> to vector<16xi32>
        %mul3A_704 = arith.constant 12 : i32
        %mul3A_705 = vector.broadcast %mul3A_704 : i32 to vector<16xi32>
        %mul3A_706 = arith.muli %get3A_703, %mul3A_705 : vector<16xi32>
        %get3A_707 = arith.index_cast %multiple_of3A_700 : i32 to index
        %get3A_708 = tpu.vector_load %arg8[%get3A_707] {strides = array<i32>} : memref<10000xi32, #tpu.memory_space<vmem>>, vector<16xi32>,
        %get3A_709 = vector.shape_cast %get3A_708 : vector<16xi32> to vector<16xi32>
        %mul3A_710 = arith.constant 2 : i32
        %mul3A_711 = vector.broadcast %mul3A_710 : i32 to vector<16xi32>
        %mul3A_712 = arith.muli %get3A_709, %mul3A_711 : vector<16xi32>
        %add3A_713 = arith.addi %mul3A_706, %mul3A_712 : vector<16xi32>
        %get3A_714 = arith.index_cast %multiple_of3A_700 : i32 to index
        %get3A_715 = tpu.vector_load %arg9[%get3A_714] {strides = array<i32>} : memref<10000xi32, #tpu.memory_space<vmem>>, vector<16xi32>,
        %get3A_716 = vector.shape_cast %get3A_715 : vector<16xi32> to vector<16xi32>
        %add3A_717 = arith.addi %add3A_713, %get3A_716 : vector<16xi32>
        %swap3A_718 = arith.index_cast %multiple_of3A_700 : i32 to index
        %swap3A_719 = tpu.vector_load %arg10[%swap3A_718] {strides = array<i32>} : memref<10000xi32, #tpu.memory_space<vmem>>, vector<16xi32>,
        %swap3A_720 = vector.shape_cast %swap3A_719 : vector<16xi32> to vector<16xi32>
        %swap3A_721 = vector.shape_cast %add3A_717 : vector<16xi32> to vector<16xi32>
        tpu.vector_store %arg10[%swap3A_718], %swap3A_721 {strides = array<i32>} : memref<10000xi32, #tpu.memory_space<vmem>>, vector<16xi32>,
        %mul3A_722 = arith.constant 80 : i32
        %mul3A_723 = arith.muli %add3A_695, %mul3A_722 : i32
        %add3A_724 = arith.constant 16 : i32
        %add3A_725 = arith.addi %mul3A_723, %add3A_724 : i32
        %multiple_of3A_726 = tpu.assume_multiple %add3A_725, 16 : i32
        %get3A_727 = arith.index_cast %multiple_of3A_726 : i32 to index
        %get3A_728 = tpu.vector_load %arg7[%get3A_727] {strides = array<i32>} : memref<10000xi32, #tpu.memory_space<vmem>>, vector<16xi32>,
        %get3A_729 = vector.shape_cast %get3A_728 : vector<16xi32> to vector<16xi32>
        %mul3A_730 = arith.constant 12 : i32
        %mul3A_731 = vector.broadcast %mul3A_730 : i32 to vector<16xi32>
        %mul3A_732 = arith.muli %get3A_729, %mul3A_731 : vector<16xi32>
        %get3A_733 = arith.index_cast %multiple_of3A_726 : i32 to index
        %get3A_734 = tpu.vector_load %arg8[%get3A_733] {strides = array<i32>} : memref<10000xi32, #tpu.memory_space<vmem>>, vector<16xi32>,
        %get3A_735 = vector.shape_cast %get3A_734 : vector<16xi32> to vector<16xi32>
        %mul3A_736 = arith.constant 2 : i32
        %mul3A_737 = vector.broadcast %mul3A_736 : i32 to vector<16xi32>
        %mul3A_738 = arith.muli %get3A_735, %mul3A_737 : vector<16xi32>
        %add3A_739 = arith.addi %mul3A_732, %mul3A_738 : vector<16xi32>
        %get3A_740 = arith.index_cast %multiple_of3A_726 : i32 to index
        %get3A_741 = tpu.vector_load %arg9[%get3A_740] {strides = array<i32>} : memref<10000xi32, #tpu.memory_space<vmem>>, vector<16xi32>,
        %get3A_742 = vector.shape_cast %get3A_741 : vector<16xi32> to vector<16xi32>
        %add3A_743 = arith.addi %add3A_739, %get3A_742 : vector<16xi32>
        %swap3A_744 = arith.index_cast %multiple_of3A_726 : i32 to index
        %swap3A_745 = tpu.vector_load %arg10[%swap3A_744] {strides = array<i32>} : memref<10000xi32, #tpu.memory_space<vmem>>, vector<16xi32>,
        %swap3A_746 = vector.shape_cast %swap3A_745 : vector<16xi32> to vector<16xi32>
        %swap3A_747 = vector.shape_cast %add3A_743 : vector<16xi32> to vector<16xi32>
        tpu.vector_store %arg10[%swap3A_744], %swap3A_747 {strides = array<i32>} : memref<10000xi32, #tpu.memory_space<vmem>>, vector<16xi32>,
        %mul3A_748 = arith.constant 80 : i32
        %mul3A_749 = arith.muli %add3A_695, %mul3A_748 : i32
        %add3A_750 = arith.constant 32 : i32
        %add3A_751 = arith.addi %mul3A_749, %add3A_750 : i32
        %multiple_of3A_752 = tpu.assume_multiple %add3A_751, 16 : i32
        %get3A_753 = arith.index_cast %multiple_of3A_752 : i32 to index
        %get3A_754 = tpu.vector_load %arg7[%get3A_753] {strides = array<i32>} : memref<10000xi32, #tpu.memory_space<vmem>>, vector<16xi32>,
        %get3A_755 = vector.shape_cast %get3A_754 : vector<16xi32> to vector<16xi32>
        %mul3A_756 = arith.constant 12 : i32
        %mul3A_757 = vector.broadcast %mul3A_756 : i32 to vector<16xi32>
        %mul3A_758 = arith.muli %get3A_755, %mul3A_757 : vector<16xi32>
        %get3A_759 = arith.index_cast %multiple_of3A_752 : i32 to index
        %get3A_760 = tpu.vector_load %arg8[%get3A_759] {strides = array<i32>} : memref<10000xi32, #tpu.memory_space<vmem>>, vector<16xi32>,
        %get3A_761 = vector.shape_cast %get3A_760 : vector<16xi32> to vector<16xi32>
        %mul3A_762 = arith.constant 2 : i32
        %mul3A_763 = vector.broadcast %mul3A_762 : i32 to vector<16xi32>
        %mul3A_764 = arith.muli %get3A_761, %mul3A_763 : vector<16xi32>
        %add3A_765 = arith.addi %mul3A_758, %mul3A_764 : vector<16xi32>
        %get3A_766 = arith.index_cast %multiple_of3A_752 : i32 to index
        %get3A_767 = tpu.vector_load %arg9[%get3A_766] {strides = array<i32>} : memref<10000xi32, #tpu.memory_space<vmem>>, vector<16xi32>,
        %get3A_768 = vector.shape_cast %get3A_767 : vector<16xi32> to vector<16xi32>
        %add3A_769 = arith.addi %add3A_765, %get3A_768 : vector<16xi32>
        %swap3A_770 = arith.index_cast %multiple_of3A_752 : i32 to index
        %swap3A_771 = tpu.vector_load %arg10[%swap3A_770] {strides = array<i32>} : memref<10000xi32, #tpu.memory_space<vmem>>, vector<16xi32>,
        %swap3A_772 = vector.shape_cast %swap3A_771 : vector<16xi32> to vector<16xi32>
        %swap3A_773 = vector.shape_cast %add3A_769 : vector<16xi32> to vector<16xi32>
        tpu.vector_store %arg10[%swap3A_770], %swap3A_773 {strides = array<i32>} : memref<10000xi32, #tpu.memory_space<vmem>>, vector<16xi32>,
        %mul3A_774 = arith.constant 80 : i32
        %mul3A_775 = arith.muli %add3A_695, %mul3A_774 : i32
        %add3A_776 = arith.constant 48 : i32
        %add3A_777 = arith.addi %mul3A_775, %add3A_776 : i32
        %multiple_of3A_778 = tpu.assume_multiple %add3A_777, 16 : i32
        %get3A_779 = arith.index_cast %multiple_of3A_778 : i32 to index
        %get3A_780 = tpu.vector_load %arg7[%get3A_779] {strides = array<i32>} : memref<10000xi32, #tpu.memory_space<vmem>>, vector<16xi32>,
        %get3A_781 = vector.shape_cast %get3A_780 : vector<16xi32> to vector<16xi32>
        %mul3A_782 = arith.constant 12 : i32
        %mul3A_783 = vector.broadcast %mul3A_782 : i32 to vector<16xi32>
        %mul3A_784 = arith.muli %get3A_781, %mul3A_783 : vector<16xi32>
        %get3A_785 = arith.index_cast %multiple_of3A_778 : i32 to index
        %get3A_786 = tpu.vector_load %arg8[%get3A_785] {strides = array<i32>} : memref<10000xi32, #tpu.memory_space<vmem>>, vector<16xi32>,
        %get3A_787 = vector.shape_cast %get3A_786 : vector<16xi32> to vector<16xi32>
        %mul3A_788 = arith.constant 2 : i32
        %mul3A_789 = vector.broadcast %mul3A_788 : i32 to vector<16xi32>
        %mul3A_790 = arith.muli %get3A_787, %mul3A_789 : vector<16xi32>
        %add3A_791 = arith.addi %mul3A_784, %mul3A_790 : vector<16xi32>
        %get3A_792 = arith.index_cast %multiple_of3A_778 : i32 to index
        %get3A_793 = tpu.vector_load %arg9[%get3A_792] {strides = array<i32>} : memref<10000xi32, #tpu.memory_space<vmem>>, vector<16xi32>,
        %get3A_794 = vector.shape_cast %get3A_793 : vector<16xi32> to vector<16xi32>
        %add3A_795 = arith.addi %add3A_791, %get3A_794 : vector<16xi32>
        %swap3A_796 = arith.index_cast %multiple_of3A_778 : i32 to index
        %swap3A_797 = tpu.vector_load %arg10[%swap3A_796] {strides = array<i32>} : memref<10000xi32, #tpu.memory_space<vmem>>, vector<16xi32>,
        %swap3A_798 = vector.shape_cast %swap3A_797 : vector<16xi32> to vector<16xi32>
        %swap3A_799 = vector.shape_cast %add3A_795 : vector<16xi32> to vector<16xi32>
        tpu.vector_store %arg10[%swap3A_796], %swap3A_799 {strides = array<i32>} : memref<10000xi32, #tpu.memory_space<vmem>>, vector<16xi32>,
        %mul3A_800 = arith.constant 80 : i32
        %mul3A_801 = arith.muli %add3A_695, %mul3A_800 : i32
        %add3A_802 = arith.constant 64 : i32
        %add3A_803 = arith.addi %mul3A_801, %add3A_802 : i32
        %multiple_of3A_804 = tpu.assume_multiple %add3A_803, 16 : i32
        %get3A_805 = arith.index_cast %multiple_of3A_804 : i32 to index
        %get3A_806 = tpu.vector_load %arg7[%get3A_805] {strides = array<i32>} : memref<10000xi32, #tpu.memory_space<vmem>>, vector<16xi32>,
        %get3A_807 = vector.shape_cast %get3A_806 : vector<16xi32> to vector<16xi32>
        %mul3A_808 = arith.constant 12 : i32
        %mul3A_809 = vector.broadcast %mul3A_808 : i32 to vector<16xi32>
        %mul3A_810 = arith.muli %get3A_807, %mul3A_809 : vector<16xi32>
        %get3A_811 = arith.index_cast %multiple_of3A_804 : i32 to index
        %get3A_812 = tpu.vector_load %arg8[%get3A_811] {strides = array<i32>} : memref<10000xi32, #tpu.memory_space<vmem>>, vector<16xi32>,
        %get3A_813 = vector.shape_cast %get3A_812 : vector<16xi32> to vector<16xi32>
        %mul3A_814 = arith.constant 2 : i32
        %mul3A_815 = vector.broadcast %mul3A_814 : i32 to vector<16xi32>
        %mul3A_816 = arith.muli %get3A_813, %mul3A_815 : vector<16xi32>
        %add3A_817 = arith.addi %mul3A_810, %mul3A_816 : vector<16xi32>
        %get3A_818 = arith.index_cast %multiple_of3A_804 : i32 to index
        %get3A_819 = tpu.vector_load %arg9[%get3A_818] {strides = array<i32>} : memref<10000xi32, #tpu.memory_space<vmem>>, vector<16xi32>,
        %get3A_820 = vector.shape_cast %get3A_819 : vector<16xi32> to vector<16xi32>
        %add3A_821 = arith.addi %add3A_817, %get3A_820 : vector<16xi32>
        %swap3A_822 = arith.index_cast %multiple_of3A_804 : i32 to index
        %swap3A_823 = tpu.vector_load %arg10[%swap3A_822] {strides = array<i32>} : memref<10000xi32, #tpu.memory_space<vmem>>, vector<16xi32>,
        %swap3A_824 = vector.shape_cast %swap3A_823 : vector<16xi32> to vector<16xi32>
        %swap3A_825 = vector.shape_cast %add3A_821 : vector<16xi32> to vector<16xi32>
        tpu.vector_store %arg10[%swap3A_822], %swap3A_825 {strides = array<i32>} : memref<10000xi32, #tpu.memory_space<vmem>>, vector<16xi32>,
        %add3A_826 = arith.constant 4 : i32
        %add3A_827 = arith.addi %add3A_576, %add3A_826 : i32
        %mul3A_828 = arith.constant 80 : i32
        %mul3A_829 = arith.muli %add3A_827, %mul3A_828 : i32
        %multiple_of3A_830 = tpu.assume_multiple %mul3A_829, 80 : i32
        %dma_start3A_831 = tpu.memref_slice %arg10[%multiple_of3A_830] : memref<10000xi32, #tpu.memory_space<vmem>> -> memref<80xi32, #tpu.memory_space<vmem>>
        %dma_start3A_832 = arith.constant 0 : i32
        %dma_start3A_833 = arith.constant 0 : i32
        %dma_start3A_834 = tpu.memref_slice %arg11[%dma_start3A_832, %dma_start3A_833] : memref<64x128xf32, #tpu.memory_space<vmem_shared>> -> memref<64x128xf32, #tpu.memory_space<vmem_shared>>
        tpu.enqueue_indirect_dma source(%dma_start3A_834 : memref<64x128xf32, #tpu.memory_space<vmem_shared>>) target(%arg19 : memref<80x128xf32, #tpu.memory_space<vmem>>) offsets(%dma_start3A_831 : memref<80xi32, #tpu.memory_space<vmem>>) semaphore(%arg27 : memref<!tpu.dma_semaphore, #tpu.memory_space<semaphore_mem>>)
      } else {
      }
      %lt3A_592 = arith.constant 125 : i32
      %lt3A_593 = arith.cmpi slt, %add3A_576, %lt3A_592 : i32
      %convert_element_type3A_594 = arith.extui %lt3A_593 : i1 to i32
      %cond3A_595 = arith.constant 0 : i32
      %cond3A_596 = arith.cmpi ne, %convert_element_type3A_594, %cond3A_595 : i32
      scf.if %cond3A_596 {
        %dma_wait3A_694 = arith.constant 0 : i32
        %dma_wait3A_695 = arith.constant 0 : i32
        %dma_wait3A_696 = tpu.memref_slice %arg6[%dma_wait3A_694, %dma_wait3A_695] : memref<320000x128xf32, #tpu.memory_space<hbm>> -> memref<80x128xf32, #tpu.memory_space<hbm>>
        %dma_wait3A_697 = arith.constant 0 : i32
        %dma_wait3A_698 = arith.constant 0 : i32
        %dma_wait3A_699 = tpu.memref_slice %arg6[%dma_wait3A_697, %dma_wait3A_698] : memref<320000x128xf32, #tpu.memory_space<hbm>> -> memref<80x128xf32, #tpu.memory_space<hbm>>
        tpu.wait_dma2 semaphore(%arg23 : memref<!tpu.dma_semaphore, #tpu.memory_space<semaphore_mem>>) src(%dma_wait3A_699 : memref<80x128xf32, #tpu.memory_space<hbm>>) dst(%arg15 : memref<80x128xf32, #tpu.memory_space<vmem>>)
        %mul3A_700 = arith.constant 80 : i32
        %mul3A_701 = arith.muli %add3A_576, %mul3A_700 : i32
        %multiple_of3A_702 = tpu.assume_multiple %mul3A_701, 80 : i32
        %add3A_703 = arith.addi %mul3A_2, %multiple_of3A_702 : i32
        %dma_start3A_704 = arith.constant 0 : i32
        %dma_start3A_705 = tpu.memref_slice %arg6[%add3A_703, %dma_start3A_704] : memref<320000x128xf32, #tpu.memory_space<hbm>> -> memref<80x128xf32, #tpu.memory_space<hbm>>
        %dma_start3A_706 = arith.constant 0 : i32
        %dma_start3A_707 = tpu.memref_slice %arg6[%add3A_703, %dma_start3A_706] : memref<320000x128xf32, #tpu.memory_space<hbm>> -> memref<80x128xf32, #tpu.memory_space<hbm>>
        tpu.enqueue_dma source(%arg15 : memref<80x128xf32, #tpu.memory_space<vmem>>) target(%dma_start3A_707 : memref<80x128xf32, #tpu.memory_space<hbm>>) target_semaphore(%arg31 : memref<!tpu.dma_semaphore, #tpu.memory_space<semaphore_mem>>)
      } else {
      }
      %mul3A_597 = arith.constant 8 : i32
      %mul3A_598 = arith.muli %scan3A_502, %mul3A_597 : i32
      %add3A_599 = arith.constant 4 : i32
      %add3A_600 = arith.addi %mul3A_598, %add3A_599 : i32
      %ge3A_601 = arith.constant 4 : i32
      %ge3A_602 = arith.cmpi sge, %add3A_600, %ge3A_601 : i32
      %lt3A_603 = arith.constant 129 : i32
      %lt3A_604 = arith.cmpi slt, %add3A_600, %lt3A_603 : i32
      %and3A_605 = arith.andi %ge3A_602, %lt3A_604 : i1
      %convert_element_type3A_606 = arith.extui %and3A_605 : i1 to i32
      %cond3A_607 = arith.constant 0 : i32
      %cond3A_608 = arith.cmpi ne, %convert_element_type3A_606, %cond3A_607 : i32
      scf.if %cond3A_608 {
        %dma_wait3A_694 = arith.constant 0 : i32
        %dma_wait3A_695 = arith.constant 0 : i32
        %dma_wait3A_696 = tpu.memref_slice %arg6[%dma_wait3A_694, %dma_wait3A_695] : memref<320000x128xf32, #tpu.memory_space<hbm>> -> memref<80x128xf32, #tpu.memory_space<hbm>>
        %dma_wait3A_697 = arith.constant 0 : i32
        %dma_wait3A_698 = arith.constant 0 : i32
        %dma_wait3A_699 = tpu.memref_slice %arg6[%dma_wait3A_697, %dma_wait3A_698] : memref<320000x128xf32, #tpu.memory_space<hbm>> -> memref<80x128xf32, #tpu.memory_space<hbm>>
        tpu.wait_dma2 semaphore(%arg28 : memref<!tpu.dma_semaphore, #tpu.memory_space<semaphore_mem>>) src(%arg12 : memref<80x128xf32, #tpu.memory_space<vmem>>) dst(%dma_wait3A_699 : memref<80x128xf32, #tpu.memory_space<hbm>>)
      } else {
      }
      %add3A_609 = arith.constant 4 : i32
      %add3A_610 = arith.addi %add3A_600, %add3A_609 : i32
      %lt3A_611 = arith.constant 125 : i32
      %lt3A_612 = arith.cmpi slt, %add3A_610, %lt3A_611 : i32
      %convert_element_type3A_613 = arith.extui %lt3A_612 : i1 to i32
      %cond3A_614 = arith.constant 0 : i32
      %cond3A_615 = arith.cmpi ne, %convert_element_type3A_613, %cond3A_614 : i32
      scf.if %cond3A_615 {
        %add3A_694 = arith.constant 4 : i32
        %add3A_695 = arith.addi %add3A_600, %add3A_694 : i32
        %mul3A_696 = arith.constant 80 : i32
        %mul3A_697 = arith.muli %add3A_695, %mul3A_696 : i32
        %add3A_698 = arith.constant 0 : i32
        %add3A_699 = arith.addi %mul3A_697, %add3A_698 : i32
        %multiple_of3A_700 = tpu.assume_multiple %add3A_699, 16 : i32
        %get3A_701 = arith.index_cast %multiple_of3A_700 : i32 to index
        %get3A_702 = tpu.vector_load %arg7[%get3A_701] {strides = array<i32>} : memref<10000xi32, #tpu.memory_space<vmem>>, vector<16xi32>,
        %get3A_703 = vector.shape_cast %get3A_702 : vector<16xi32> to vector<16xi32>
        %mul3A_704 = arith.constant 12 : i32
        %mul3A_705 = vector.broadcast %mul3A_704 : i32 to vector<16xi32>
        %mul3A_706 = arith.muli %get3A_703, %mul3A_705 : vector<16xi32>
        %get3A_707 = arith.index_cast %multiple_of3A_700 : i32 to index
        %get3A_708 = tpu.vector_load %arg8[%get3A_707] {strides = array<i32>} : memref<10000xi32, #tpu.memory_space<vmem>>, vector<16xi32>,
        %get3A_709 = vector.shape_cast %get3A_708 : vector<16xi32> to vector<16xi32>
        %mul3A_710 = arith.constant 2 : i32
        %mul3A_711 = vector.broadcast %mul3A_710 : i32 to vector<16xi32>
        %mul3A_712 = arith.muli %get3A_709, %mul3A_711 : vector<16xi32>
        %add3A_713 = arith.addi %mul3A_706, %mul3A_712 : vector<16xi32>
        %get3A_714 = arith.index_cast %multiple_of3A_700 : i32 to index
        %get3A_715 = tpu.vector_load %arg9[%get3A_714] {strides = array<i32>} : memref<10000xi32, #tpu.memory_space<vmem>>, vector<16xi32>,
        %get3A_716 = vector.shape_cast %get3A_715 : vector<16xi32> to vector<16xi32>
        %add3A_717 = arith.addi %add3A_713, %get3A_716 : vector<16xi32>
        %swap3A_718 = arith.index_cast %multiple_of3A_700 : i32 to index
        %swap3A_719 = tpu.vector_load %arg10[%swap3A_718] {strides = array<i32>} : memref<10000xi32, #tpu.memory_space<vmem>>, vector<16xi32>,
        %swap3A_720 = vector.shape_cast %swap3A_719 : vector<16xi32> to vector<16xi32>
        %swap3A_721 = vector.shape_cast %add3A_717 : vector<16xi32> to vector<16xi32>
        tpu.vector_store %arg10[%swap3A_718], %swap3A_721 {strides = array<i32>} : memref<10000xi32, #tpu.memory_space<vmem>>, vector<16xi32>,
        %mul3A_722 = arith.constant 80 : i32
        %mul3A_723 = arith.muli %add3A_695, %mul3A_722 : i32
        %add3A_724 = arith.constant 16 : i32
        %add3A_725 = arith.addi %mul3A_723, %add3A_724 : i32
        %multiple_of3A_726 = tpu.assume_multiple %add3A_725, 16 : i32
        %get3A_727 = arith.index_cast %multiple_of3A_726 : i32 to index
        %get3A_728 = tpu.vector_load %arg7[%get3A_727] {strides = array<i32>} : memref<10000xi32, #tpu.memory_space<vmem>>, vector<16xi32>,
        %get3A_729 = vector.shape_cast %get3A_728 : vector<16xi32> to vector<16xi32>
        %mul3A_730 = arith.constant 12 : i32
        %mul3A_731 = vector.broadcast %mul3A_730 : i32 to vector<16xi32>
        %mul3A_732 = arith.muli %get3A_729, %mul3A_731 : vector<16xi32>
        %get3A_733 = arith.index_cast %multiple_of3A_726 : i32 to index
        %get3A_734 = tpu.vector_load %arg8[%get3A_733] {strides = array<i32>} : memref<10000xi32, #tpu.memory_space<vmem>>, vector<16xi32>,
        %get3A_735 = vector.shape_cast %get3A_734 : vector<16xi32> to vector<16xi32>
        %mul3A_736 = arith.constant 2 : i32
        %mul3A_737 = vector.broadcast %mul3A_736 : i32 to vector<16xi32>
        %mul3A_738 = arith.muli %get3A_735, %mul3A_737 : vector<16xi32>
        %add3A_739 = arith.addi %mul3A_732, %mul3A_738 : vector<16xi32>
        %get3A_740 = arith.index_cast %multiple_of3A_726 : i32 to index
        %get3A_741 = tpu.vector_load %arg9[%get3A_740] {strides = array<i32>} : memref<10000xi32, #tpu.memory_space<vmem>>, vector<16xi32>,
        %get3A_742 = vector.shape_cast %get3A_741 : vector<16xi32> to vector<16xi32>
        %add3A_743 = arith.addi %add3A_739, %get3A_742 : vector<16xi32>
        %swap3A_744 = arith.index_cast %multiple_of3A_726 : i32 to index
        %swap3A_745 = tpu.vector_load %arg10[%swap3A_744] {strides = array<i32>} : memref<10000xi32, #tpu.memory_space<vmem>>, vector<16xi32>,
        %swap3A_746 = vector.shape_cast %swap3A_745 : vector<16xi32> to vector<16xi32>
        %swap3A_747 = vector.shape_cast %add3A_743 : vector<16xi32> to vector<16xi32>
        tpu.vector_store %arg10[%swap3A_744], %swap3A_747 {strides = array<i32>} : memref<10000xi32, #tpu.memory_space<vmem>>, vector<16xi32>,
        %mul3A_748 = arith.constant 80 : i32
        %mul3A_749 = arith.muli %add3A_695, %mul3A_748 : i32
        %add3A_750 = arith.constant 32 : i32
        %add3A_751 = arith.addi %mul3A_749, %add3A_750 : i32
        %multiple_of3A_752 = tpu.assume_multiple %add3A_751, 16 : i32
        %get3A_753 = arith.index_cast %multiple_of3A_752 : i32 to index
        %get3A_754 = tpu.vector_load %arg7[%get3A_753] {strides = array<i32>} : memref<10000xi32, #tpu.memory_space<vmem>>, vector<16xi32>,
        %get3A_755 = vector.shape_cast %get3A_754 : vector<16xi32> to vector<16xi32>
        %mul3A_756 = arith.constant 12 : i32
        %mul3A_757 = vector.broadcast %mul3A_756 : i32 to vector<16xi32>
        %mul3A_758 = arith.muli %get3A_755, %mul3A_757 : vector<16xi32>
        %get3A_759 = arith.index_cast %multiple_of3A_752 : i32 to index
        %get3A_760 = tpu.vector_load %arg8[%get3A_759] {strides = array<i32>} : memref<10000xi32, #tpu.memory_space<vmem>>, vector<16xi32>,
        %get3A_761 = vector.shape_cast %get3A_760 : vector<16xi32> to vector<16xi32>
        %mul3A_762 = arith.constant 2 : i32
        %mul3A_763 = vector.broadcast %mul3A_762 : i32 to vector<16xi32>
        %mul3A_764 = arith.muli %get3A_761, %mul3A_763 : vector<16xi32>
        %add3A_765 = arith.addi %mul3A_758, %mul3A_764 : vector<16xi32>
        %get3A_766 = arith.index_cast %multiple_of3A_752 : i32 to index
        %get3A_767 = tpu.vector_load %arg9[%get3A_766] {strides = array<i32>} : memref<10000xi32, #tpu.memory_space<vmem>>, vector<16xi32>,
        %get3A_768 = vector.shape_cast %get3A_767 : vector<16xi32> to vector<16xi32>
        %add3A_769 = arith.addi %add3A_765, %get3A_768 : vector<16xi32>
        %swap3A_770 = arith.index_cast %multiple_of3A_752 : i32 to index
        %swap3A_771 = tpu.vector_load %arg10[%swap3A_770] {strides = array<i32>} : memref<10000xi32, #tpu.memory_space<vmem>>, vector<16xi32>,
        %swap3A_772 = vector.shape_cast %swap3A_771 : vector<16xi32> to vector<16xi32>
        %swap3A_773 = vector.shape_cast %add3A_769 : vector<16xi32> to vector<16xi32>
        tpu.vector_store %arg10[%swap3A_770], %swap3A_773 {strides = array<i32>} : memref<10000xi32, #tpu.memory_space<vmem>>, vector<16xi32>,
        %mul3A_774 = arith.constant 80 : i32
        %mul3A_775 = arith.muli %add3A_695, %mul3A_774 : i32
        %add3A_776 = arith.constant 48 : i32
        %add3A_777 = arith.addi %mul3A_775, %add3A_776 : i32
        %multiple_of3A_778 = tpu.assume_multiple %add3A_777, 16 : i32
        %get3A_779 = arith.index_cast %multiple_of3A_778 : i32 to index
        %get3A_780 = tpu.vector_load %arg7[%get3A_779] {strides = array<i32>} : memref<10000xi32, #tpu.memory_space<vmem>>, vector<16xi32>,
        %get3A_781 = vector.shape_cast %get3A_780 : vector<16xi32> to vector<16xi32>
        %mul3A_782 = arith.constant 12 : i32
        %mul3A_783 = vector.broadcast %mul3A_782 : i32 to vector<16xi32>
        %mul3A_784 = arith.muli %get3A_781, %mul3A_783 : vector<16xi32>
        %get3A_785 = arith.index_cast %multiple_of3A_778 : i32 to index
        %get3A_786 = tpu.vector_load %arg8[%get3A_785] {strides = array<i32>} : memref<10000xi32, #tpu.memory_space<vmem>>, vector<16xi32>,
        %get3A_787 = vector.shape_cast %get3A_786 : vector<16xi32> to vector<16xi32>
        %mul3A_788 = arith.constant 2 : i32
        %mul3A_789 = vector.broadcast %mul3A_788 : i32 to vector<16xi32>
        %mul3A_790 = arith.muli %get3A_787, %mul3A_789 : vector<16xi32>
        %add3A_791 = arith.addi %mul3A_784, %mul3A_790 : vector<16xi32>
        %get3A_792 = arith.index_cast %multiple_of3A_778 : i32 to index
        %get3A_793 = tpu.vector_load %arg9[%get3A_792] {strides = array<i32>} : memref<10000xi32, #tpu.memory_space<vmem>>, vector<16xi32>,
        %get3A_794 = vector.shape_cast %get3A_793 : vector<16xi32> to vector<16xi32>
        %add3A_795 = arith.addi %add3A_791, %get3A_794 : vector<16xi32>
        %swap3A_796 = arith.index_cast %multiple_of3A_778 : i32 to index
        %swap3A_797 = tpu.vector_load %arg10[%swap3A_796] {strides = array<i32>} : memref<10000xi32, #tpu.memory_space<vmem>>, vector<16xi32>,
        %swap3A_798 = vector.shape_cast %swap3A_797 : vector<16xi32> to vector<16xi32>
        %swap3A_799 = vector.shape_cast %add3A_795 : vector<16xi32> to vector<16xi32>
        tpu.vector_store %arg10[%swap3A_796], %swap3A_799 {strides = array<i32>} : memref<10000xi32, #tpu.memory_space<vmem>>, vector<16xi32>,
        %mul3A_800 = arith.constant 80 : i32
        %mul3A_801 = arith.muli %add3A_695, %mul3A_800 : i32
        %add3A_802 = arith.constant 64 : i32
        %add3A_803 = arith.addi %mul3A_801, %add3A_802 : i32
        %multiple_of3A_804 = tpu.assume_multiple %add3A_803, 16 : i32
        %get3A_805 = arith.index_cast %multiple_of3A_804 : i32 to index
        %get3A_806 = tpu.vector_load %arg7[%get3A_805] {strides = array<i32>} : memref<10000xi32, #tpu.memory_space<vmem>>, vector<16xi32>,
        %get3A_807 = vector.shape_cast %get3A_806 : vector<16xi32> to vector<16xi32>
        %mul3A_808 = arith.constant 12 : i32
        %mul3A_809 = vector.broadcast %mul3A_808 : i32 to vector<16xi32>
        %mul3A_810 = arith.muli %get3A_807, %mul3A_809 : vector<16xi32>
        %get3A_811 = arith.index_cast %multiple_of3A_804 : i32 to index
        %get3A_812 = tpu.vector_load %arg8[%get3A_811] {strides = array<i32>} : memref<10000xi32, #tpu.memory_space<vmem>>, vector<16xi32>,
        %get3A_813 = vector.shape_cast %get3A_812 : vector<16xi32> to vector<16xi32>
        %mul3A_814 = arith.constant 2 : i32
        %mul3A_815 = vector.broadcast %mul3A_814 : i32 to vector<16xi32>
        %mul3A_816 = arith.muli %get3A_813, %mul3A_815 : vector<16xi32>
        %add3A_817 = arith.addi %mul3A_810, %mul3A_816 : vector<16xi32>
        %get3A_818 = arith.index_cast %multiple_of3A_804 : i32 to index
        %get3A_819 = tpu.vector_load %arg9[%get3A_818] {strides = array<i32>} : memref<10000xi32, #tpu.memory_space<vmem>>, vector<16xi32>,
        %get3A_820 = vector.shape_cast %get3A_819 : vector<16xi32> to vector<16xi32>
        %add3A_821 = arith.addi %add3A_817, %get3A_820 : vector<16xi32>
        %swap3A_822 = arith.index_cast %multiple_of3A_804 : i32 to index
        %swap3A_823 = tpu.vector_load %arg10[%swap3A_822] {strides = array<i32>} : memref<10000xi32, #tpu.memory_space<vmem>>, vector<16xi32>,
        %swap3A_824 = vector.shape_cast %swap3A_823 : vector<16xi32> to vector<16xi32>
        %swap3A_825 = vector.shape_cast %add3A_821 : vector<16xi32> to vector<16xi32>
        tpu.vector_store %arg10[%swap3A_822], %swap3A_825 {strides = array<i32>} : memref<10000xi32, #tpu.memory_space<vmem>>, vector<16xi32>,
        %add3A_826 = arith.constant 4 : i32
        %add3A_827 = arith.addi %add3A_600, %add3A_826 : i32
        %mul3A_828 = arith.constant 80 : i32
        %mul3A_829 = arith.muli %add3A_827, %mul3A_828 : i32
        %multiple_of3A_830 = tpu.assume_multiple %mul3A_829, 80 : i32
        %dma_start3A_831 = tpu.memref_slice %arg10[%multiple_of3A_830] : memref<10000xi32, #tpu.memory_space<vmem>> -> memref<80xi32, #tpu.memory_space<vmem>>
        %dma_start3A_832 = arith.constant 0 : i32
        %dma_start3A_833 = arith.constant 0 : i32
        %dma_start3A_834 = tpu.memref_slice %arg11[%dma_start3A_832, %dma_start3A_833] : memref<64x128xf32, #tpu.memory_space<vmem_shared>> -> memref<64x128xf32, #tpu.memory_space<vmem_shared>>
        tpu.enqueue_indirect_dma source(%dma_start3A_834 : memref<64x128xf32, #tpu.memory_space<vmem_shared>>) target(%arg12 : memref<80x128xf32, #tpu.memory_space<vmem>>) offsets(%dma_start3A_831 : memref<80xi32, #tpu.memory_space<vmem>>) semaphore(%arg20 : memref<!tpu.dma_semaphore, #tpu.memory_space<semaphore_mem>>)
      } else {
      }
      %lt3A_616 = arith.constant 125 : i32
      %lt3A_617 = arith.cmpi slt, %add3A_600, %lt3A_616 : i32
      %convert_element_type3A_618 = arith.extui %lt3A_617 : i1 to i32
      %cond3A_619 = arith.constant 0 : i32
      %cond3A_620 = arith.cmpi ne, %convert_element_type3A_618, %cond3A_619 : i32
      scf.if %cond3A_620 {
        %dma_wait3A_694 = arith.constant 0 : i32
        %dma_wait3A_695 = arith.constant 0 : i32
        %dma_wait3A_696 = tpu.memref_slice %arg6[%dma_wait3A_694, %dma_wait3A_695] : memref<320000x128xf32, #tpu.memory_space<hbm>> -> memref<80x128xf32, #tpu.memory_space<hbm>>
        %dma_wait3A_697 = arith.constant 0 : i32
        %dma_wait3A_698 = arith.constant 0 : i32
        %dma_wait3A_699 = tpu.memref_slice %arg6[%dma_wait3A_697, %dma_wait3A_698] : memref<320000x128xf32, #tpu.memory_space<hbm>> -> memref<80x128xf32, #tpu.memory_space<hbm>>
        tpu.wait_dma2 semaphore(%arg24 : memref<!tpu.dma_semaphore, #tpu.memory_space<semaphore_mem>>) src(%dma_wait3A_699 : memref<80x128xf32, #tpu.memory_space<hbm>>) dst(%arg16 : memref<80x128xf32, #tpu.memory_space<vmem>>)
        %mul3A_700 = arith.constant 80 : i32
        %mul3A_701 = arith.muli %add3A_600, %mul3A_700 : i32
        %multiple_of3A_702 = tpu.assume_multiple %mul3A_701, 80 : i32
        %add3A_703 = arith.addi %mul3A_2, %multiple_of3A_702 : i32
        %dma_start3A_704 = arith.constant 0 : i32
        %dma_start3A_705 = tpu.memref_slice %arg6[%add3A_703, %dma_start3A_704] : memref<320000x128xf32, #tpu.memory_space<hbm>> -> memref<80x128xf32, #tpu.memory_space<hbm>>
        %dma_start3A_706 = arith.constant 0 : i32
        %dma_start3A_707 = tpu.memref_slice %arg6[%add3A_703, %dma_start3A_706] : memref<320000x128xf32, #tpu.memory_space<hbm>> -> memref<80x128xf32, #tpu.memory_space<hbm>>
        tpu.enqueue_dma source(%arg16 : memref<80x128xf32, #tpu.memory_space<vmem>>) target(%dma_start3A_707 : memref<80x128xf32, #tpu.memory_space<hbm>>) target_semaphore(%arg32 : memref<!tpu.dma_semaphore, #tpu.memory_space<semaphore_mem>>)
      } else {
      }
      %mul3A_621 = arith.constant 8 : i32
      %mul3A_622 = arith.muli %scan3A_502, %mul3A_621 : i32
      %add3A_623 = arith.constant 5 : i32
      %add3A_624 = arith.addi %mul3A_622, %add3A_623 : i32
      %ge3A_625 = arith.constant 4 : i32
      %ge3A_626 = arith.cmpi sge, %add3A_624, %ge3A_625 : i32
      %lt3A_627 = arith.constant 129 : i32
      %lt3A_628 = arith.cmpi slt, %add3A_624, %lt3A_627 : i32
      %and3A_629 = arith.andi %ge3A_626, %lt3A_628 : i1
      %convert_element_type3A_630 = arith.extui %and3A_629 : i1 to i32
      %cond3A_631 = arith.constant 0 : i32
      %cond3A_632 = arith.cmpi ne, %convert_element_type3A_630, %cond3A_631 : i32
      scf.if %cond3A_632 {
        %dma_wait3A_694 = arith.constant 0 : i32
        %dma_wait3A_695 = arith.constant 0 : i32
        %dma_wait3A_696 = tpu.memref_slice %arg6[%dma_wait3A_694, %dma_wait3A_695] : memref<320000x128xf32, #tpu.memory_space<hbm>> -> memref<80x128xf32, #tpu.memory_space<hbm>>
        %dma_wait3A_697 = arith.constant 0 : i32
        %dma_wait3A_698 = arith.constant 0 : i32
        %dma_wait3A_699 = tpu.memref_slice %arg6[%dma_wait3A_697, %dma_wait3A_698] : memref<320000x128xf32, #tpu.memory_space<hbm>> -> memref<80x128xf32, #tpu.memory_space<hbm>>
        tpu.wait_dma2 semaphore(%arg29 : memref<!tpu.dma_semaphore, #tpu.memory_space<semaphore_mem>>) src(%arg13 : memref<80x128xf32, #tpu.memory_space<vmem>>) dst(%dma_wait3A_699 : memref<80x128xf32, #tpu.memory_space<hbm>>)
      } else {
      }
      %add3A_633 = arith.constant 4 : i32
      %add3A_634 = arith.addi %add3A_624, %add3A_633 : i32
      %lt3A_635 = arith.constant 125 : i32
      %lt3A_636 = arith.cmpi slt, %add3A_634, %lt3A_635 : i32
      %convert_element_type3A_637 = arith.extui %lt3A_636 : i1 to i32
      %cond3A_638 = arith.constant 0 : i32
      %cond3A_639 = arith.cmpi ne, %convert_element_type3A_637, %cond3A_638 : i32
      scf.if %cond3A_639 {
        %add3A_694 = arith.constant 4 : i32
        %add3A_695 = arith.addi %add3A_624, %add3A_694 : i32
        %mul3A_696 = arith.constant 80 : i32
        %mul3A_697 = arith.muli %add3A_695, %mul3A_696 : i32
        %add3A_698 = arith.constant 0 : i32
        %add3A_699 = arith.addi %mul3A_697, %add3A_698 : i32
        %multiple_of3A_700 = tpu.assume_multiple %add3A_699, 16 : i32
        %get3A_701 = arith.index_cast %multiple_of3A_700 : i32 to index
        %get3A_702 = tpu.vector_load %arg7[%get3A_701] {strides = array<i32>} : memref<10000xi32, #tpu.memory_space<vmem>>, vector<16xi32>,
        %get3A_703 = vector.shape_cast %get3A_702 : vector<16xi32> to vector<16xi32>
        %mul3A_704 = arith.constant 12 : i32
        %mul3A_705 = vector.broadcast %mul3A_704 : i32 to vector<16xi32>
        %mul3A_706 = arith.muli %get3A_703, %mul3A_705 : vector<16xi32>
        %get3A_707 = arith.index_cast %multiple_of3A_700 : i32 to index
        %get3A_708 = tpu.vector_load %arg8[%get3A_707] {strides = array<i32>} : memref<10000xi32, #tpu.memory_space<vmem>>, vector<16xi32>,
        %get3A_709 = vector.shape_cast %get3A_708 : vector<16xi32> to vector<16xi32>
        %mul3A_710 = arith.constant 2 : i32
        %mul3A_711 = vector.broadcast %mul3A_710 : i32 to vector<16xi32>
        %mul3A_712 = arith.muli %get3A_709, %mul3A_711 : vector<16xi32>
        %add3A_713 = arith.addi %mul3A_706, %mul3A_712 : vector<16xi32>
        %get3A_714 = arith.index_cast %multiple_of3A_700 : i32 to index
        %get3A_715 = tpu.vector_load %arg9[%get3A_714] {strides = array<i32>} : memref<10000xi32, #tpu.memory_space<vmem>>, vector<16xi32>,
        %get3A_716 = vector.shape_cast %get3A_715 : vector<16xi32> to vector<16xi32>
        %add3A_717 = arith.addi %add3A_713, %get3A_716 : vector<16xi32>
        %swap3A_718 = arith.index_cast %multiple_of3A_700 : i32 to index
        %swap3A_719 = tpu.vector_load %arg10[%swap3A_718] {strides = array<i32>} : memref<10000xi32, #tpu.memory_space<vmem>>, vector<16xi32>,
        %swap3A_720 = vector.shape_cast %swap3A_719 : vector<16xi32> to vector<16xi32>
        %swap3A_721 = vector.shape_cast %add3A_717 : vector<16xi32> to vector<16xi32>
        tpu.vector_store %arg10[%swap3A_718], %swap3A_721 {strides = array<i32>} : memref<10000xi32, #tpu.memory_space<vmem>>, vector<16xi32>,
        %mul3A_722 = arith.constant 80 : i32
        %mul3A_723 = arith.muli %add3A_695, %mul3A_722 : i32
        %add3A_724 = arith.constant 16 : i32
        %add3A_725 = arith.addi %mul3A_723, %add3A_724 : i32
        %multiple_of3A_726 = tpu.assume_multiple %add3A_725, 16 : i32
        %get3A_727 = arith.index_cast %multiple_of3A_726 : i32 to index
        %get3A_728 = tpu.vector_load %arg7[%get3A_727] {strides = array<i32>} : memref<10000xi32, #tpu.memory_space<vmem>>, vector<16xi32>,
        %get3A_729 = vector.shape_cast %get3A_728 : vector<16xi32> to vector<16xi32>
        %mul3A_730 = arith.constant 12 : i32
        %mul3A_731 = vector.broadcast %mul3A_730 : i32 to vector<16xi32>
        %mul3A_732 = arith.muli %get3A_729, %mul3A_731 : vector<16xi32>
        %get3A_733 = arith.index_cast %multiple_of3A_726 : i32 to index
        %get3A_734 = tpu.vector_load %arg8[%get3A_733] {strides = array<i32>} : memref<10000xi32, #tpu.memory_space<vmem>>, vector<16xi32>,
        %get3A_735 = vector.shape_cast %get3A_734 : vector<16xi32> to vector<16xi32>
        %mul3A_736 = arith.constant 2 : i32
        %mul3A_737 = vector.broadcast %mul3A_736 : i32 to vector<16xi32>
        %mul3A_738 = arith.muli %get3A_735, %mul3A_737 : vector<16xi32>
        %add3A_739 = arith.addi %mul3A_732, %mul3A_738 : vector<16xi32>
        %get3A_740 = arith.index_cast %multiple_of3A_726 : i32 to index
        %get3A_741 = tpu.vector_load %arg9[%get3A_740] {strides = array<i32>} : memref<10000xi32, #tpu.memory_space<vmem>>, vector<16xi32>,
        %get3A_742 = vector.shape_cast %get3A_741 : vector<16xi32> to vector<16xi32>
        %add3A_743 = arith.addi %add3A_739, %get3A_742 : vector<16xi32>
        %swap3A_744 = arith.index_cast %multiple_of3A_726 : i32 to index
        %swap3A_745 = tpu.vector_load %arg10[%swap3A_744] {strides = array<i32>} : memref<10000xi32, #tpu.memory_space<vmem>>, vector<16xi32>,
        %swap3A_746 = vector.shape_cast %swap3A_745 : vector<16xi32> to vector<16xi32>
        %swap3A_747 = vector.shape_cast %add3A_743 : vector<16xi32> to vector<16xi32>
        tpu.vector_store %arg10[%swap3A_744], %swap3A_747 {strides = array<i32>} : memref<10000xi32, #tpu.memory_space<vmem>>, vector<16xi32>,
        %mul3A_748 = arith.constant 80 : i32
        %mul3A_749 = arith.muli %add3A_695, %mul3A_748 : i32
        %add3A_750 = arith.constant 32 : i32
        %add3A_751 = arith.addi %mul3A_749, %add3A_750 : i32
        %multiple_of3A_752 = tpu.assume_multiple %add3A_751, 16 : i32
        %get3A_753 = arith.index_cast %multiple_of3A_752 : i32 to index
        %get3A_754 = tpu.vector_load %arg7[%get3A_753] {strides = array<i32>} : memref<10000xi32, #tpu.memory_space<vmem>>, vector<16xi32>,
        %get3A_755 = vector.shape_cast %get3A_754 : vector<16xi32> to vector<16xi32>
        %mul3A_756 = arith.constant 12 : i32
        %mul3A_757 = vector.broadcast %mul3A_756 : i32 to vector<16xi32>
        %mul3A_758 = arith.muli %get3A_755, %mul3A_757 : vector<16xi32>
        %get3A_759 = arith.index_cast %multiple_of3A_752 : i32 to index
        %get3A_760 = tpu.vector_load %arg8[%get3A_759] {strides = array<i32>} : memref<10000xi32, #tpu.memory_space<vmem>>, vector<16xi32>,
        %get3A_761 = vector.shape_cast %get3A_760 : vector<16xi32> to vector<16xi32>
        %mul3A_762 = arith.constant 2 : i32
        %mul3A_763 = vector.broadcast %mul3A_762 : i32 to vector<16xi32>
        %mul3A_764 = arith.muli %get3A_761, %mul3A_763 : vector<16xi32>
        %add3A_765 = arith.addi %mul3A_758, %mul3A_764 : vector<16xi32>
        %get3A_766 = arith.index_cast %multiple_of3A_752 : i32 to index
        %get3A_767 = tpu.vector_load %arg9[%get3A_766] {strides = array<i32>} : memref<10000xi32, #tpu.memory_space<vmem>>, vector<16xi32>,
        %get3A_768 = vector.shape_cast %get3A_767 : vector<16xi32> to vector<16xi32>
        %add3A_769 = arith.addi %add3A_765, %get3A_768 : vector<16xi32>
        %swap3A_770 = arith.index_cast %multiple_of3A_752 : i32 to index
        %swap3A_771 = tpu.vector_load %arg10[%swap3A_770] {strides = array<i32>} : memref<10000xi32, #tpu.memory_space<vmem>>, vector<16xi32>,
        %swap3A_772 = vector.shape_cast %swap3A_771 : vector<16xi32> to vector<16xi32>
        %swap3A_773 = vector.shape_cast %add3A_769 : vector<16xi32> to vector<16xi32>
        tpu.vector_store %arg10[%swap3A_770], %swap3A_773 {strides = array<i32>} : memref<10000xi32, #tpu.memory_space<vmem>>, vector<16xi32>,
        %mul3A_774 = arith.constant 80 : i32
        %mul3A_775 = arith.muli %add3A_695, %mul3A_774 : i32
        %add3A_776 = arith.constant 48 : i32
        %add3A_777 = arith.addi %mul3A_775, %add3A_776 : i32
        %multiple_of3A_778 = tpu.assume_multiple %add3A_777, 16 : i32
        %get3A_779 = arith.index_cast %multiple_of3A_778 : i32 to index
        %get3A_780 = tpu.vector_load %arg7[%get3A_779] {strides = array<i32>} : memref<10000xi32, #tpu.memory_space<vmem>>, vector<16xi32>,
        %get3A_781 = vector.shape_cast %get3A_780 : vector<16xi32> to vector<16xi32>
        %mul3A_782 = arith.constant 12 : i32
        %mul3A_783 = vector.broadcast %mul3A_782 : i32 to vector<16xi32>
        %mul3A_784 = arith.muli %get3A_781, %mul3A_783 : vector<16xi32>
        %get3A_785 = arith.index_cast %multiple_of3A_778 : i32 to index
        %get3A_786 = tpu.vector_load %arg8[%get3A_785] {strides = array<i32>} : memref<10000xi32, #tpu.memory_space<vmem>>, vector<16xi32>,
        %get3A_787 = vector.shape_cast %get3A_786 : vector<16xi32> to vector<16xi32>
        %mul3A_788 = arith.constant 2 : i32
        %mul3A_789 = vector.broadcast %mul3A_788 : i32 to vector<16xi32>
        %mul3A_790 = arith.muli %get3A_787, %mul3A_789 : vector<16xi32>
        %add3A_791 = arith.addi %mul3A_784, %mul3A_790 : vector<16xi32>
        %get3A_792 = arith.index_cast %multiple_of3A_778 : i32 to index
        %get3A_793 = tpu.vector_load %arg9[%get3A_792] {strides = array<i32>} : memref<10000xi32, #tpu.memory_space<vmem>>, vector<16xi32>,
        %get3A_794 = vector.shape_cast %get3A_793 : vector<16xi32> to vector<16xi32>
        %add3A_795 = arith.addi %add3A_791, %get3A_794 : vector<16xi32>
        %swap3A_796 = arith.index_cast %multiple_of3A_778 : i32 to index
        %swap3A_797 = tpu.vector_load %arg10[%swap3A_796] {strides = array<i32>} : memref<10000xi32, #tpu.memory_space<vmem>>, vector<16xi32>,
        %swap3A_798 = vector.shape_cast %swap3A_797 : vector<16xi32> to vector<16xi32>
        %swap3A_799 = vector.shape_cast %add3A_795 : vector<16xi32> to vector<16xi32>
        tpu.vector_store %arg10[%swap3A_796], %swap3A_799 {strides = array<i32>} : memref<10000xi32, #tpu.memory_space<vmem>>, vector<16xi32>,
        %mul3A_800 = arith.constant 80 : i32
        %mul3A_801 = arith.muli %add3A_695, %mul3A_800 : i32
        %add3A_802 = arith.constant 64 : i32
        %add3A_803 = arith.addi %mul3A_801, %add3A_802 : i32
        %multiple_of3A_804 = tpu.assume_multiple %add3A_803, 16 : i32
        %get3A_805 = arith.index_cast %multiple_of3A_804 : i32 to index
        %get3A_806 = tpu.vector_load %arg7[%get3A_805] {strides = array<i32>} : memref<10000xi32, #tpu.memory_space<vmem>>, vector<16xi32>,
        %get3A_807 = vector.shape_cast %get3A_806 : vector<16xi32> to vector<16xi32>
        %mul3A_808 = arith.constant 12 : i32
        %mul3A_809 = vector.broadcast %mul3A_808 : i32 to vector<16xi32>
        %mul3A_810 = arith.muli %get3A_807, %mul3A_809 : vector<16xi32>
        %get3A_811 = arith.index_cast %multiple_of3A_804 : i32 to index
        %get3A_812 = tpu.vector_load %arg8[%get3A_811] {strides = array<i32>} : memref<10000xi32, #tpu.memory_space<vmem>>, vector<16xi32>,
        %get3A_813 = vector.shape_cast %get3A_812 : vector<16xi32> to vector<16xi32>
        %mul3A_814 = arith.constant 2 : i32
        %mul3A_815 = vector.broadcast %mul3A_814 : i32 to vector<16xi32>
        %mul3A_816 = arith.muli %get3A_813, %mul3A_815 : vector<16xi32>
        %add3A_817 = arith.addi %mul3A_810, %mul3A_816 : vector<16xi32>
        %get3A_818 = arith.index_cast %multiple_of3A_804 : i32 to index
        %get3A_819 = tpu.vector_load %arg9[%get3A_818] {strides = array<i32>} : memref<10000xi32, #tpu.memory_space<vmem>>, vector<16xi32>,
        %get3A_820 = vector.shape_cast %get3A_819 : vector<16xi32> to vector<16xi32>
        %add3A_821 = arith.addi %add3A_817, %get3A_820 : vector<16xi32>
        %swap3A_822 = arith.index_cast %multiple_of3A_804 : i32 to index
        %swap3A_823 = tpu.vector_load %arg10[%swap3A_822] {strides = array<i32>} : memref<10000xi32, #tpu.memory_space<vmem>>, vector<16xi32>,
        %swap3A_824 = vector.shape_cast %swap3A_823 : vector<16xi32> to vector<16xi32>
        %swap3A_825 = vector.shape_cast %add3A_821 : vector<16xi32> to vector<16xi32>
        tpu.vector_store %arg10[%swap3A_822], %swap3A_825 {strides = array<i32>} : memref<10000xi32, #tpu.memory_space<vmem>>, vector<16xi32>,
        %add3A_826 = arith.constant 4 : i32
        %add3A_827 = arith.addi %add3A_624, %add3A_826 : i32
        %mul3A_828 = arith.constant 80 : i32
        %mul3A_829 = arith.muli %add3A_827, %mul3A_828 : i32
        %multiple_of3A_830 = tpu.assume_multiple %mul3A_829, 80 : i32
        %dma_start3A_831 = tpu.memref_slice %arg10[%multiple_of3A_830] : memref<10000xi32, #tpu.memory_space<vmem>> -> memref<80xi32, #tpu.memory_space<vmem>>
        %dma_start3A_832 = arith.constant 0 : i32
        %dma_start3A_833 = arith.constant 0 : i32
        %dma_start3A_834 = tpu.memref_slice %arg11[%dma_start3A_832, %dma_start3A_833] : memref<64x128xf32, #tpu.memory_space<vmem_shared>> -> memref<64x128xf32, #tpu.memory_space<vmem_shared>>
        tpu.enqueue_indirect_dma source(%dma_start3A_834 : memref<64x128xf32, #tpu.memory_space<vmem_shared>>) target(%arg13 : memref<80x128xf32, #tpu.memory_space<vmem>>) offsets(%dma_start3A_831 : memref<80xi32, #tpu.memory_space<vmem>>) semaphore(%arg21 : memref<!tpu.dma_semaphore, #tpu.memory_space<semaphore_mem>>)
      } else {
      }
      %lt3A_640 = arith.constant 125 : i32
      %lt3A_641 = arith.cmpi slt, %add3A_624, %lt3A_640 : i32
      %convert_element_type3A_642 = arith.extui %lt3A_641 : i1 to i32
      %cond3A_643 = arith.constant 0 : i32
      %cond3A_644 = arith.cmpi ne, %convert_element_type3A_642, %cond3A_643 : i32
      scf.if %cond3A_644 {
        %dma_wait3A_694 = arith.constant 0 : i32
        %dma_wait3A_695 = arith.constant 0 : i32
        %dma_wait3A_696 = tpu.memref_slice %arg6[%dma_wait3A_694, %dma_wait3A_695] : memref<320000x128xf32, #tpu.memory_space<hbm>> -> memref<80x128xf32, #tpu.memory_space<hbm>>
        %dma_wait3A_697 = arith.constant 0 : i32
        %dma_wait3A_698 = arith.constant 0 : i32
        %dma_wait3A_699 = tpu.memref_slice %arg6[%dma_wait3A_697, %dma_wait3A_698] : memref<320000x128xf32, #tpu.memory_space<hbm>> -> memref<80x128xf32, #tpu.memory_space<hbm>>
        tpu.wait_dma2 semaphore(%arg25 : memref<!tpu.dma_semaphore, #tpu.memory_space<semaphore_mem>>) src(%dma_wait3A_699 : memref<80x128xf32, #tpu.memory_space<hbm>>) dst(%arg17 : memref<80x128xf32, #tpu.memory_space<vmem>>)
        %mul3A_700 = arith.constant 80 : i32
        %mul3A_701 = arith.muli %add3A_624, %mul3A_700 : i32
        %multiple_of3A_702 = tpu.assume_multiple %mul3A_701, 80 : i32
        %add3A_703 = arith.addi %mul3A_2, %multiple_of3A_702 : i32
        %dma_start3A_704 = arith.constant 0 : i32
        %dma_start3A_705 = tpu.memref_slice %arg6[%add3A_703, %dma_start3A_704] : memref<320000x128xf32, #tpu.memory_space<hbm>> -> memref<80x128xf32, #tpu.memory_space<hbm>>
        %dma_start3A_706 = arith.constant 0 : i32
        %dma_start3A_707 = tpu.memref_slice %arg6[%add3A_703, %dma_start3A_706] : memref<320000x128xf32, #tpu.memory_space<hbm>> -> memref<80x128xf32, #tpu.memory_space<hbm>>
        tpu.enqueue_dma source(%arg17 : memref<80x128xf32, #tpu.memory_space<vmem>>) target(%dma_start3A_707 : memref<80x128xf32, #tpu.memory_space<hbm>>) target_semaphore(%arg33 : memref<!tpu.dma_semaphore, #tpu.memory_space<semaphore_mem>>)
      } else {
      }
      %mul3A_645 = arith.constant 8 : i32
      %mul3A_646 = arith.muli %scan3A_502, %mul3A_645 : i32
      %add3A_647 = arith.constant 6 : i32
      %add3A_648 = arith.addi %mul3A_646, %add3A_647 : i32
      %ge3A_649 = arith.constant 4 : i32
      %ge3A_650 = arith.cmpi sge, %add3A_648, %ge3A_649 : i32
      %lt3A_651 = arith.constant 129 : i32
      %lt3A_652 = arith.cmpi slt, %add3A_648, %lt3A_651 : i32
      %and3A_653 = arith.andi %ge3A_650, %lt3A_652 : i1
      %convert_element_type3A_654 = arith.extui %and3A_653 : i1 to i32
      %cond3A_655 = arith.constant 0 : i32
      %cond3A_656 = arith.cmpi ne, %convert_element_type3A_654, %cond3A_655 : i32
      scf.if %cond3A_656 {
        %dma_wait3A_694 = arith.constant 0 : i32
        %dma_wait3A_695 = arith.constant 0 : i32
        %dma_wait3A_696 = tpu.memref_slice %arg6[%dma_wait3A_694, %dma_wait3A_695] : memref<320000x128xf32, #tpu.memory_space<hbm>> -> memref<80x128xf32, #tpu.memory_space<hbm>>
        %dma_wait3A_697 = arith.constant 0 : i32
        %dma_wait3A_698 = arith.constant 0 : i32
        %dma_wait3A_699 = tpu.memref_slice %arg6[%dma_wait3A_697, %dma_wait3A_698] : memref<320000x128xf32, #tpu.memory_space<hbm>> -> memref<80x128xf32, #tpu.memory_space<hbm>>
        tpu.wait_dma2 semaphore(%arg30 : memref<!tpu.dma_semaphore, #tpu.memory_space<semaphore_mem>>) src(%arg14 : memref<80x128xf32, #tpu.memory_space<vmem>>) dst(%dma_wait3A_699 : memref<80x128xf32, #tpu.memory_space<hbm>>)
      } else {
      }
      %add3A_657 = arith.constant 4 : i32
      %add3A_658 = arith.addi %add3A_648, %add3A_657 : i32
      %lt3A_659 = arith.constant 125 : i32
      %lt3A_660 = arith.cmpi slt, %add3A_658, %lt3A_659 : i32
      %convert_element_type3A_661 = arith.extui %lt3A_660 : i1 to i32
      %cond3A_662 = arith.constant 0 : i32
      %cond3A_663 = arith.cmpi ne, %convert_element_type3A_661, %cond3A_662 : i32
      scf.if %cond3A_663 {
        %add3A_694 = arith.constant 4 : i32
        %add3A_695 = arith.addi %add3A_648, %add3A_694 : i32
        %mul3A_696 = arith.constant 80 : i32
        %mul3A_697 = arith.muli %add3A_695, %mul3A_696 : i32
        %add3A_698 = arith.constant 0 : i32
        %add3A_699 = arith.addi %mul3A_697, %add3A_698 : i32
        %multiple_of3A_700 = tpu.assume_multiple %add3A_699, 16 : i32
        %get3A_701 = arith.index_cast %multiple_of3A_700 : i32 to index
        %get3A_702 = tpu.vector_load %arg7[%get3A_701] {strides = array<i32>} : memref<10000xi32, #tpu.memory_space<vmem>>, vector<16xi32>,
        %get3A_703 = vector.shape_cast %get3A_702 : vector<16xi32> to vector<16xi32>
        %mul3A_704 = arith.constant 12 : i32
        %mul3A_705 = vector.broadcast %mul3A_704 : i32 to vector<16xi32>
        %mul3A_706 = arith.muli %get3A_703, %mul3A_705 : vector<16xi32>
        %get3A_707 = arith.index_cast %multiple_of3A_700 : i32 to index
        %get3A_708 = tpu.vector_load %arg8[%get3A_707] {strides = array<i32>} : memref<10000xi32, #tpu.memory_space<vmem>>, vector<16xi32>,
        %get3A_709 = vector.shape_cast %get3A_708 : vector<16xi32> to vector<16xi32>
        %mul3A_710 = arith.constant 2 : i32
        %mul3A_711 = vector.broadcast %mul3A_710 : i32 to vector<16xi32>
        %mul3A_712 = arith.muli %get3A_709, %mul3A_711 : vector<16xi32>
        %add3A_713 = arith.addi %mul3A_706, %mul3A_712 : vector<16xi32>
        %get3A_714 = arith.index_cast %multiple_of3A_700 : i32 to index
        %get3A_715 = tpu.vector_load %arg9[%get3A_714] {strides = array<i32>} : memref<10000xi32, #tpu.memory_space<vmem>>, vector<16xi32>,
        %get3A_716 = vector.shape_cast %get3A_715 : vector<16xi32> to vector<16xi32>
        %add3A_717 = arith.addi %add3A_713, %get3A_716 : vector<16xi32>
        %swap3A_718 = arith.index_cast %multiple_of3A_700 : i32 to index
        %swap3A_719 = tpu.vector_load %arg10[%swap3A_718] {strides = array<i32>} : memref<10000xi32, #tpu.memory_space<vmem>>, vector<16xi32>,
        %swap3A_720 = vector.shape_cast %swap3A_719 : vector<16xi32> to vector<16xi32>
        %swap3A_721 = vector.shape_cast %add3A_717 : vector<16xi32> to vector<16xi32>
        tpu.vector_store %arg10[%swap3A_718], %swap3A_721 {strides = array<i32>} : memref<10000xi32, #tpu.memory_space<vmem>>, vector<16xi32>,
        %mul3A_722 = arith.constant 80 : i32
        %mul3A_723 = arith.muli %add3A_695, %mul3A_722 : i32
        %add3A_724 = arith.constant 16 : i32
        %add3A_725 = arith.addi %mul3A_723, %add3A_724 : i32
        %multiple_of3A_726 = tpu.assume_multiple %add3A_725, 16 : i32
        %get3A_727 = arith.index_cast %multiple_of3A_726 : i32 to index
        %get3A_728 = tpu.vector_load %arg7[%get3A_727] {strides = array<i32>} : memref<10000xi32, #tpu.memory_space<vmem>>, vector<16xi32>,
        %get3A_729 = vector.shape_cast %get3A_728 : vector<16xi32> to vector<16xi32>
        %mul3A_730 = arith.constant 12 : i32
        %mul3A_731 = vector.broadcast %mul3A_730 : i32 to vector<16xi32>
        %mul3A_732 = arith.muli %get3A_729, %mul3A_731 : vector<16xi32>
        %get3A_733 = arith.index_cast %multiple_of3A_726 : i32 to index
        %get3A_734 = tpu.vector_load %arg8[%get3A_733] {strides = array<i32>} : memref<10000xi32, #tpu.memory_space<vmem>>, vector<16xi32>,
        %get3A_735 = vector.shape_cast %get3A_734 : vector<16xi32> to vector<16xi32>
        %mul3A_736 = arith.constant 2 : i32
        %mul3A_737 = vector.broadcast %mul3A_736 : i32 to vector<16xi32>
        %mul3A_738 = arith.muli %get3A_735, %mul3A_737 : vector<16xi32>
        %add3A_739 = arith.addi %mul3A_732, %mul3A_738 : vector<16xi32>
        %get3A_740 = arith.index_cast %multiple_of3A_726 : i32 to index
        %get3A_741 = tpu.vector_load %arg9[%get3A_740] {strides = array<i32>} : memref<10000xi32, #tpu.memory_space<vmem>>, vector<16xi32>,
        %get3A_742 = vector.shape_cast %get3A_741 : vector<16xi32> to vector<16xi32>
        %add3A_743 = arith.addi %add3A_739, %get3A_742 : vector<16xi32>
        %swap3A_744 = arith.index_cast %multiple_of3A_726 : i32 to index
        %swap3A_745 = tpu.vector_load %arg10[%swap3A_744] {strides = array<i32>} : memref<10000xi32, #tpu.memory_space<vmem>>, vector<16xi32>,
        %swap3A_746 = vector.shape_cast %swap3A_745 : vector<16xi32> to vector<16xi32>
        %swap3A_747 = vector.shape_cast %add3A_743 : vector<16xi32> to vector<16xi32>
        tpu.vector_store %arg10[%swap3A_744], %swap3A_747 {strides = array<i32>} : memref<10000xi32, #tpu.memory_space<vmem>>, vector<16xi32>,
        %mul3A_748 = arith.constant 80 : i32
        %mul3A_749 = arith.muli %add3A_695, %mul3A_748 : i32
        %add3A_750 = arith.constant 32 : i32
        %add3A_751 = arith.addi %mul3A_749, %add3A_750 : i32
        %multiple_of3A_752 = tpu.assume_multiple %add3A_751, 16 : i32
        %get3A_753 = arith.index_cast %multiple_of3A_752 : i32 to index
        %get3A_754 = tpu.vector_load %arg7[%get3A_753] {strides = array<i32>} : memref<10000xi32, #tpu.memory_space<vmem>>, vector<16xi32>,
        %get3A_755 = vector.shape_cast %get3A_754 : vector<16xi32> to vector<16xi32>
        %mul3A_756 = arith.constant 12 : i32
        %mul3A_757 = vector.broadcast %mul3A_756 : i32 to vector<16xi32>
        %mul3A_758 = arith.muli %get3A_755, %mul3A_757 : vector<16xi32>
        %get3A_759 = arith.index_cast %multiple_of3A_752 : i32 to index
        %get3A_760 = tpu.vector_load %arg8[%get3A_759] {strides = array<i32>} : memref<10000xi32, #tpu.memory_space<vmem>>, vector<16xi32>,
        %get3A_761 = vector.shape_cast %get3A_760 : vector<16xi32> to vector<16xi32>
        %mul3A_762 = arith.constant 2 : i32
        %mul3A_763 = vector.broadcast %mul3A_762 : i32 to vector<16xi32>
        %mul3A_764 = arith.muli %get3A_761, %mul3A_763 : vector<16xi32>
        %add3A_765 = arith.addi %mul3A_758, %mul3A_764 : vector<16xi32>
        %get3A_766 = arith.index_cast %multiple_of3A_752 : i32 to index
        %get3A_767 = tpu.vector_load %arg9[%get3A_766] {strides = array<i32>} : memref<10000xi32, #tpu.memory_space<vmem>>, vector<16xi32>,
        %get3A_768 = vector.shape_cast %get3A_767 : vector<16xi32> to vector<16xi32>
        %add3A_769 = arith.addi %add3A_765, %get3A_768 : vector<16xi32>
        %swap3A_770 = arith.index_cast %multiple_of3A_752 : i32 to index
        %swap3A_771 = tpu.vector_load %arg10[%swap3A_770] {strides = array<i32>} : memref<10000xi32, #tpu.memory_space<vmem>>, vector<16xi32>,
        %swap3A_772 = vector.shape_cast %swap3A_771 : vector<16xi32> to vector<16xi32>
        %swap3A_773 = vector.shape_cast %add3A_769 : vector<16xi32> to vector<16xi32>
        tpu.vector_store %arg10[%swap3A_770], %swap3A_773 {strides = array<i32>} : memref<10000xi32, #tpu.memory_space<vmem>>, vector<16xi32>,
        %mul3A_774 = arith.constant 80 : i32
        %mul3A_775 = arith.muli %add3A_695, %mul3A_774 : i32
        %add3A_776 = arith.constant 48 : i32
        %add3A_777 = arith.addi %mul3A_775, %add3A_776 : i32
        %multiple_of3A_778 = tpu.assume_multiple %add3A_777, 16 : i32
        %get3A_779 = arith.index_cast %multiple_of3A_778 : i32 to index
        %get3A_780 = tpu.vector_load %arg7[%get3A_779] {strides = array<i32>} : memref<10000xi32, #tpu.memory_space<vmem>>, vector<16xi32>,
        %get3A_781 = vector.shape_cast %get3A_780 : vector<16xi32> to vector<16xi32>
        %mul3A_782 = arith.constant 12 : i32
        %mul3A_783 = vector.broadcast %mul3A_782 : i32 to vector<16xi32>
        %mul3A_784 = arith.muli %get3A_781, %mul3A_783 : vector<16xi32>
        %get3A_785 = arith.index_cast %multiple_of3A_778 : i32 to index
        %get3A_786 = tpu.vector_load %arg8[%get3A_785] {strides = array<i32>} : memref<10000xi32, #tpu.memory_space<vmem>>, vector<16xi32>,
        %get3A_787 = vector.shape_cast %get3A_786 : vector<16xi32> to vector<16xi32>
        %mul3A_788 = arith.constant 2 : i32
        %mul3A_789 = vector.broadcast %mul3A_788 : i32 to vector<16xi32>
        %mul3A_790 = arith.muli %get3A_787, %mul3A_789 : vector<16xi32>
        %add3A_791 = arith.addi %mul3A_784, %mul3A_790 : vector<16xi32>
        %get3A_792 = arith.index_cast %multiple_of3A_778 : i32 to index
        %get3A_793 = tpu.vector_load %arg9[%get3A_792] {strides = array<i32>} : memref<10000xi32, #tpu.memory_space<vmem>>, vector<16xi32>,
        %get3A_794 = vector.shape_cast %get3A_793 : vector<16xi32> to vector<16xi32>
        %add3A_795 = arith.addi %add3A_791, %get3A_794 : vector<16xi32>
        %swap3A_796 = arith.index_cast %multiple_of3A_778 : i32 to index
        %swap3A_797 = tpu.vector_load %arg10[%swap3A_796] {strides = array<i32>} : memref<10000xi32, #tpu.memory_space<vmem>>, vector<16xi32>,
        %swap3A_798 = vector.shape_cast %swap3A_797 : vector<16xi32> to vector<16xi32>
        %swap3A_799 = vector.shape_cast %add3A_795 : vector<16xi32> to vector<16xi32>
        tpu.vector_store %arg10[%swap3A_796], %swap3A_799 {strides = array<i32>} : memref<10000xi32, #tpu.memory_space<vmem>>, vector<16xi32>,
        %mul3A_800 = arith.constant 80 : i32
        %mul3A_801 = arith.muli %add3A_695, %mul3A_800 : i32
        %add3A_802 = arith.constant 64 : i32
        %add3A_803 = arith.addi %mul3A_801, %add3A_802 : i32
        %multiple_of3A_804 = tpu.assume_multiple %add3A_803, 16 : i32
        %get3A_805 = arith.index_cast %multiple_of3A_804 : i32 to index
        %get3A_806 = tpu.vector_load %arg7[%get3A_805] {strides = array<i32>} : memref<10000xi32, #tpu.memory_space<vmem>>, vector<16xi32>,
        %get3A_807 = vector.shape_cast %get3A_806 : vector<16xi32> to vector<16xi32>
        %mul3A_808 = arith.constant 12 : i32
        %mul3A_809 = vector.broadcast %mul3A_808 : i32 to vector<16xi32>
        %mul3A_810 = arith.muli %get3A_807, %mul3A_809 : vector<16xi32>
        %get3A_811 = arith.index_cast %multiple_of3A_804 : i32 to index
        %get3A_812 = tpu.vector_load %arg8[%get3A_811] {strides = array<i32>} : memref<10000xi32, #tpu.memory_space<vmem>>, vector<16xi32>,
        %get3A_813 = vector.shape_cast %get3A_812 : vector<16xi32> to vector<16xi32>
        %mul3A_814 = arith.constant 2 : i32
        %mul3A_815 = vector.broadcast %mul3A_814 : i32 to vector<16xi32>
        %mul3A_816 = arith.muli %get3A_813, %mul3A_815 : vector<16xi32>
        %add3A_817 = arith.addi %mul3A_810, %mul3A_816 : vector<16xi32>
        %get3A_818 = arith.index_cast %multiple_of3A_804 : i32 to index
        %get3A_819 = tpu.vector_load %arg9[%get3A_818] {strides = array<i32>} : memref<10000xi32, #tpu.memory_space<vmem>>, vector<16xi32>,
        %get3A_820 = vector.shape_cast %get3A_819 : vector<16xi32> to vector<16xi32>
        %add3A_821 = arith.addi %add3A_817, %get3A_820 : vector<16xi32>
        %swap3A_822 = arith.index_cast %multiple_of3A_804 : i32 to index
        %swap3A_823 = tpu.vector_load %arg10[%swap3A_822] {strides = array<i32>} : memref<10000xi32, #tpu.memory_space<vmem>>, vector<16xi32>,
        %swap3A_824 = vector.shape_cast %swap3A_823 : vector<16xi32> to vector<16xi32>
        %swap3A_825 = vector.shape_cast %add3A_821 : vector<16xi32> to vector<16xi32>
        tpu.vector_store %arg10[%swap3A_822], %swap3A_825 {strides = array<i32>} : memref<10000xi32, #tpu.memory_space<vmem>>, vector<16xi32>,
        %add3A_826 = arith.constant 4 : i32
        %add3A_827 = arith.addi %add3A_648, %add3A_826 : i32
        %mul3A_828 = arith.constant 80 : i32
        %mul3A_829 = arith.muli %add3A_827, %mul3A_828 : i32
        %multiple_of3A_830 = tpu.assume_multiple %mul3A_829, 80 : i32
        %dma_start3A_831 = tpu.memref_slice %arg10[%multiple_of3A_830] : memref<10000xi32, #tpu.memory_space<vmem>> -> memref<80xi32, #tpu.memory_space<vmem>>
        %dma_start3A_832 = arith.constant 0 : i32
        %dma_start3A_833 = arith.constant 0 : i32
        %dma_start3A_834 = tpu.memref_slice %arg11[%dma_start3A_832, %dma_start3A_833] : memref<64x128xf32, #tpu.memory_space<vmem_shared>> -> memref<64x128xf32, #tpu.memory_space<vmem_shared>>
        tpu.enqueue_indirect_dma source(%dma_start3A_834 : memref<64x128xf32, #tpu.memory_space<vmem_shared>>) target(%arg14 : memref<80x128xf32, #tpu.memory_space<vmem>>) offsets(%dma_start3A_831 : memref<80xi32, #tpu.memory_space<vmem>>) semaphore(%arg22 : memref<!tpu.dma_semaphore, #tpu.memory_space<semaphore_mem>>)
      } else {
      }
      %lt3A_664 = arith.constant 125 : i32
      %lt3A_665 = arith.cmpi slt, %add3A_648, %lt3A_664 : i32
      %convert_element_type3A_666 = arith.extui %lt3A_665 : i1 to i32
      %cond3A_667 = arith.constant 0 : i32
      %cond3A_668 = arith.cmpi ne, %convert_element_type3A_666, %cond3A_667 : i32
      scf.if %cond3A_668 {
        %dma_wait3A_694 = arith.constant 0 : i32
        %dma_wait3A_695 = arith.constant 0 : i32
        %dma_wait3A_696 = tpu.memref_slice %arg6[%dma_wait3A_694, %dma_wait3A_695] : memref<320000x128xf32, #tpu.memory_space<hbm>> -> memref<80x128xf32, #tpu.memory_space<hbm>>
        %dma_wait3A_697 = arith.constant 0 : i32
        %dma_wait3A_698 = arith.constant 0 : i32
        %dma_wait3A_699 = tpu.memref_slice %arg6[%dma_wait3A_697, %dma_wait3A_698] : memref<320000x128xf32, #tpu.memory_space<hbm>> -> memref<80x128xf32, #tpu.memory_space<hbm>>
        tpu.wait_dma2 semaphore(%arg26 : memref<!tpu.dma_semaphore, #tpu.memory_space<semaphore_mem>>) src(%dma_wait3A_699 : memref<80x128xf32, #tpu.memory_space<hbm>>) dst(%arg18 : memref<80x128xf32, #tpu.memory_space<vmem>>)
        %mul3A_700 = arith.constant 80 : i32
        %mul3A_701 = arith.muli %add3A_648, %mul3A_700 : i32
        %multiple_of3A_702 = tpu.assume_multiple %mul3A_701, 80 : i32
        %add3A_703 = arith.addi %mul3A_2, %multiple_of3A_702 : i32
        %dma_start3A_704 = arith.constant 0 : i32
        %dma_start3A_705 = tpu.memref_slice %arg6[%add3A_703, %dma_start3A_704] : memref<320000x128xf32, #tpu.memory_space<hbm>> -> memref<80x128xf32, #tpu.memory_space<hbm>>
        %dma_start3A_706 = arith.constant 0 : i32
        %dma_start3A_707 = tpu.memref_slice %arg6[%add3A_703, %dma_start3A_706] : memref<320000x128xf32, #tpu.memory_space<hbm>> -> memref<80x128xf32, #tpu.memory_space<hbm>>
        tpu.enqueue_dma source(%arg18 : memref<80x128xf32, #tpu.memory_space<vmem>>) target(%dma_start3A_707 : memref<80x128xf32, #tpu.memory_space<hbm>>) target_semaphore(%arg34 : memref<!tpu.dma_semaphore, #tpu.memory_space<semaphore_mem>>)
      } else {
      }
      %mul3A_669 = arith.constant 8 : i32
      %mul3A_670 = arith.muli %scan3A_502, %mul3A_669 : i32
      %add3A_671 = arith.constant 7 : i32
      %add3A_672 = arith.addi %mul3A_670, %add3A_671 : i32
      %ge3A_673 = arith.constant 4 : i32
      %ge3A_674 = arith.cmpi sge, %add3A_672, %ge3A_673 : i32
      %lt3A_675 = arith.constant 129 : i32
      %lt3A_676 = arith.cmpi slt, %add3A_672, %lt3A_675 : i32
      %and3A_677 = arith.andi %ge3A_674, %lt3A_676 : i1
      %convert_element_type3A_678 = arith.extui %and3A_677 : i1 to i32
      %cond3A_679 = arith.constant 0 : i32
      %cond3A_680 = arith.cmpi ne, %convert_element_type3A_678, %cond3A_679 : i32
      scf.if %cond3A_680 {
        %dma_wait3A_694 = arith.constant 0 : i32
        %dma_wait3A_695 = arith.constant 0 : i32
        %dma_wait3A_696 = tpu.memref_slice %arg6[%dma_wait3A_694, %dma_wait3A_695] : memref<320000x128xf32, #tpu.memory_space<hbm>> -> memref<80x128xf32, #tpu.memory_space<hbm>>
        %dma_wait3A_697 = arith.constant 0 : i32
        %dma_wait3A_698 = arith.constant 0 : i32
        %dma_wait3A_699 = tpu.memref_slice %arg6[%dma_wait3A_697, %dma_wait3A_698] : memref<320000x128xf32, #tpu.memory_space<hbm>> -> memref<80x128xf32, #tpu.memory_space<hbm>>
        tpu.wait_dma2 semaphore(%arg31 : memref<!tpu.dma_semaphore, #tpu.memory_space<semaphore_mem>>) src(%arg15 : memref<80x128xf32, #tpu.memory_space<vmem>>) dst(%dma_wait3A_699 : memref<80x128xf32, #tpu.memory_space<hbm>>)
      } else {
      }
      %add3A_681 = arith.constant 4 : i32
      %add3A_682 = arith.addi %add3A_672, %add3A_681 : i32
      %lt3A_683 = arith.constant 125 : i32
      %lt3A_684 = arith.cmpi slt, %add3A_682, %lt3A_683 : i32
      %convert_element_type3A_685 = arith.extui %lt3A_684 : i1 to i32
      %cond3A_686 = arith.constant 0 : i32
      %cond3A_687 = arith.cmpi ne, %convert_element_type3A_685, %cond3A_686 : i32
      scf.if %cond3A_687 {
        %add3A_694 = arith.constant 4 : i32
        %add3A_695 = arith.addi %add3A_672, %add3A_694 : i32
        %mul3A_696 = arith.constant 80 : i32
        %mul3A_697 = arith.muli %add3A_695, %mul3A_696 : i32
        %add3A_698 = arith.constant 0 : i32
        %add3A_699 = arith.addi %mul3A_697, %add3A_698 : i32
        %multiple_of3A_700 = tpu.assume_multiple %add3A_699, 16 : i32
        %get3A_701 = arith.index_cast %multiple_of3A_700 : i32 to index
        %get3A_702 = tpu.vector_load %arg7[%get3A_701] {strides = array<i32>} : memref<10000xi32, #tpu.memory_space<vmem>>, vector<16xi32>,
        %get3A_703 = vector.shape_cast %get3A_702 : vector<16xi32> to vector<16xi32>
        %mul3A_704 = arith.constant 12 : i32
        %mul3A_705 = vector.broadcast %mul3A_704 : i32 to vector<16xi32>
        %mul3A_706 = arith.muli %get3A_703, %mul3A_705 : vector<16xi32>
        %get3A_707 = arith.index_cast %multiple_of3A_700 : i32 to index
        %get3A_708 = tpu.vector_load %arg8[%get3A_707] {strides = array<i32>} : memref<10000xi32, #tpu.memory_space<vmem>>, vector<16xi32>,
        %get3A_709 = vector.shape_cast %get3A_708 : vector<16xi32> to vector<16xi32>
        %mul3A_710 = arith.constant 2 : i32
        %mul3A_711 = vector.broadcast %mul3A_710 : i32 to vector<16xi32>
        %mul3A_712 = arith.muli %get3A_709, %mul3A_711 : vector<16xi32>
        %add3A_713 = arith.addi %mul3A_706, %mul3A_712 : vector<16xi32>
        %get3A_714 = arith.index_cast %multiple_of3A_700 : i32 to index
        %get3A_715 = tpu.vector_load %arg9[%get3A_714] {strides = array<i32>} : memref<10000xi32, #tpu.memory_space<vmem>>, vector<16xi32>,
        %get3A_716 = vector.shape_cast %get3A_715 : vector<16xi32> to vector<16xi32>
        %add3A_717 = arith.addi %add3A_713, %get3A_716 : vector<16xi32>
        %swap3A_718 = arith.index_cast %multiple_of3A_700 : i32 to index
        %swap3A_719 = tpu.vector_load %arg10[%swap3A_718] {strides = array<i32>} : memref<10000xi32, #tpu.memory_space<vmem>>, vector<16xi32>,
        %swap3A_720 = vector.shape_cast %swap3A_719 : vector<16xi32> to vector<16xi32>
        %swap3A_721 = vector.shape_cast %add3A_717 : vector<16xi32> to vector<16xi32>
        tpu.vector_store %arg10[%swap3A_718], %swap3A_721 {strides = array<i32>} : memref<10000xi32, #tpu.memory_space<vmem>>, vector<16xi32>,
        %mul3A_722 = arith.constant 80 : i32
        %mul3A_723 = arith.muli %add3A_695, %mul3A_722 : i32
        %add3A_724 = arith.constant 16 : i32
        %add3A_725 = arith.addi %mul3A_723, %add3A_724 : i32
        %multiple_of3A_726 = tpu.assume_multiple %add3A_725, 16 : i32
        %get3A_727 = arith.index_cast %multiple_of3A_726 : i32 to index
        %get3A_728 = tpu.vector_load %arg7[%get3A_727] {strides = array<i32>} : memref<10000xi32, #tpu.memory_space<vmem>>, vector<16xi32>,
        %get3A_729 = vector.shape_cast %get3A_728 : vector<16xi32> to vector<16xi32>
        %mul3A_730 = arith.constant 12 : i32
        %mul3A_731 = vector.broadcast %mul3A_730 : i32 to vector<16xi32>
        %mul3A_732 = arith.muli %get3A_729, %mul3A_731 : vector<16xi32>
        %get3A_733 = arith.index_cast %multiple_of3A_726 : i32 to index
        %get3A_734 = tpu.vector_load %arg8[%get3A_733] {strides = array<i32>} : memref<10000xi32, #tpu.memory_space<vmem>>, vector<16xi32>,
        %get3A_735 = vector.shape_cast %get3A_734 : vector<16xi32> to vector<16xi32>
        %mul3A_736 = arith.constant 2 : i32
        %mul3A_737 = vector.broadcast %mul3A_736 : i32 to vector<16xi32>
        %mul3A_738 = arith.muli %get3A_735, %mul3A_737 : vector<16xi32>
        %add3A_739 = arith.addi %mul3A_732, %mul3A_738 : vector<16xi32>
        %get3A_740 = arith.index_cast %multiple_of3A_726 : i32 to index
        %get3A_741 = tpu.vector_load %arg9[%get3A_740] {strides = array<i32>} : memref<10000xi32, #tpu.memory_space<vmem>>, vector<16xi32>,
        %get3A_742 = vector.shape_cast %get3A_741 : vector<16xi32> to vector<16xi32>
        %add3A_743 = arith.addi %add3A_739, %get3A_742 : vector<16xi32>
        %swap3A_744 = arith.index_cast %multiple_of3A_726 : i32 to index
        %swap3A_745 = tpu.vector_load %arg10[%swap3A_744] {strides = array<i32>} : memref<10000xi32, #tpu.memory_space<vmem>>, vector<16xi32>,
        %swap3A_746 = vector.shape_cast %swap3A_745 : vector<16xi32> to vector<16xi32>
        %swap3A_747 = vector.shape_cast %add3A_743 : vector<16xi32> to vector<16xi32>
        tpu.vector_store %arg10[%swap3A_744], %swap3A_747 {strides = array<i32>} : memref<10000xi32, #tpu.memory_space<vmem>>, vector<16xi32>,
        %mul3A_748 = arith.constant 80 : i32
        %mul3A_749 = arith.muli %add3A_695, %mul3A_748 : i32
        %add3A_750 = arith.constant 32 : i32
        %add3A_751 = arith.addi %mul3A_749, %add3A_750 : i32
        %multiple_of3A_752 = tpu.assume_multiple %add3A_751, 16 : i32
        %get3A_753 = arith.index_cast %multiple_of3A_752 : i32 to index
        %get3A_754 = tpu.vector_load %arg7[%get3A_753] {strides = array<i32>} : memref<10000xi32, #tpu.memory_space<vmem>>, vector<16xi32>,
        %get3A_755 = vector.shape_cast %get3A_754 : vector<16xi32> to vector<16xi32>
        %mul3A_756 = arith.constant 12 : i32
        %mul3A_757 = vector.broadcast %mul3A_756 : i32 to vector<16xi32>
        %mul3A_758 = arith.muli %get3A_755, %mul3A_757 : vector<16xi32>
        %get3A_759 = arith.index_cast %multiple_of3A_752 : i32 to index
        %get3A_760 = tpu.vector_load %arg8[%get3A_759] {strides = array<i32>} : memref<10000xi32, #tpu.memory_space<vmem>>, vector<16xi32>,
        %get3A_761 = vector.shape_cast %get3A_760 : vector<16xi32> to vector<16xi32>
        %mul3A_762 = arith.constant 2 : i32
        %mul3A_763 = vector.broadcast %mul3A_762 : i32 to vector<16xi32>
        %mul3A_764 = arith.muli %get3A_761, %mul3A_763 : vector<16xi32>
        %add3A_765 = arith.addi %mul3A_758, %mul3A_764 : vector<16xi32>
        %get3A_766 = arith.index_cast %multiple_of3A_752 : i32 to index
        %get3A_767 = tpu.vector_load %arg9[%get3A_766] {strides = array<i32>} : memref<10000xi32, #tpu.memory_space<vmem>>, vector<16xi32>,
        %get3A_768 = vector.shape_cast %get3A_767 : vector<16xi32> to vector<16xi32>
        %add3A_769 = arith.addi %add3A_765, %get3A_768 : vector<16xi32>
        %swap3A_770 = arith.index_cast %multiple_of3A_752 : i32 to index
        %swap3A_771 = tpu.vector_load %arg10[%swap3A_770] {strides = array<i32>} : memref<10000xi32, #tpu.memory_space<vmem>>, vector<16xi32>,
        %swap3A_772 = vector.shape_cast %swap3A_771 : vector<16xi32> to vector<16xi32>
        %swap3A_773 = vector.shape_cast %add3A_769 : vector<16xi32> to vector<16xi32>
        tpu.vector_store %arg10[%swap3A_770], %swap3A_773 {strides = array<i32>} : memref<10000xi32, #tpu.memory_space<vmem>>, vector<16xi32>,
        %mul3A_774 = arith.constant 80 : i32
        %mul3A_775 = arith.muli %add3A_695, %mul3A_774 : i32
        %add3A_776 = arith.constant 48 : i32
        %add3A_777 = arith.addi %mul3A_775, %add3A_776 : i32
        %multiple_of3A_778 = tpu.assume_multiple %add3A_777, 16 : i32
        %get3A_779 = arith.index_cast %multiple_of3A_778 : i32 to index
        %get3A_780 = tpu.vector_load %arg7[%get3A_779] {strides = array<i32>} : memref<10000xi32, #tpu.memory_space<vmem>>, vector<16xi32>,
        %get3A_781 = vector.shape_cast %get3A_780 : vector<16xi32> to vector<16xi32>
        %mul3A_782 = arith.constant 12 : i32
        %mul3A_783 = vector.broadcast %mul3A_782 : i32 to vector<16xi32>
        %mul3A_784 = arith.muli %get3A_781, %mul3A_783 : vector<16xi32>
        %get3A_785 = arith.index_cast %multiple_of3A_778 : i32 to index
        %get3A_786 = tpu.vector_load %arg8[%get3A_785] {strides = array<i32>} : memref<10000xi32, #tpu.memory_space<vmem>>, vector<16xi32>,
        %get3A_787 = vector.shape_cast %get3A_786 : vector<16xi32> to vector<16xi32>
        %mul3A_788 = arith.constant 2 : i32
        %mul3A_789 = vector.broadcast %mul3A_788 : i32 to vector<16xi32>
        %mul3A_790 = arith.muli %get3A_787, %mul3A_789 : vector<16xi32>
        %add3A_791 = arith.addi %mul3A_784, %mul3A_790 : vector<16xi32>
        %get3A_792 = arith.index_cast %multiple_of3A_778 : i32 to index
        %get3A_793 = tpu.vector_load %arg9[%get3A_792] {strides = array<i32>} : memref<10000xi32, #tpu.memory_space<vmem>>, vector<16xi32>,
        %get3A_794 = vector.shape_cast %get3A_793 : vector<16xi32> to vector<16xi32>
        %add3A_795 = arith.addi %add3A_791, %get3A_794 : vector<16xi32>
        %swap3A_796 = arith.index_cast %multiple_of3A_778 : i32 to index
        %swap3A_797 = tpu.vector_load %arg10[%swap3A_796] {strides = array<i32>} : memref<10000xi32, #tpu.memory_space<vmem>>, vector<16xi32>,
        %swap3A_798 = vector.shape_cast %swap3A_797 : vector<16xi32> to vector<16xi32>
        %swap3A_799 = vector.shape_cast %add3A_795 : vector<16xi32> to vector<16xi32>
        tpu.vector_store %arg10[%swap3A_796], %swap3A_799 {strides = array<i32>} : memref<10000xi32, #tpu.memory_space<vmem>>, vector<16xi32>,
        %mul3A_800 = arith.constant 80 : i32
        %mul3A_801 = arith.muli %add3A_695, %mul3A_800 : i32
        %add3A_802 = arith.constant 64 : i32
        %add3A_803 = arith.addi %mul3A_801, %add3A_802 : i32
        %multiple_of3A_804 = tpu.assume_multiple %add3A_803, 16 : i32
        %get3A_805 = arith.index_cast %multiple_of3A_804 : i32 to index
        %get3A_806 = tpu.vector_load %arg7[%get3A_805] {strides = array<i32>} : memref<10000xi32, #tpu.memory_space<vmem>>, vector<16xi32>,
        %get3A_807 = vector.shape_cast %get3A_806 : vector<16xi32> to vector<16xi32>
        %mul3A_808 = arith.constant 12 : i32
        %mul3A_809 = vector.broadcast %mul3A_808 : i32 to vector<16xi32>
        %mul3A_810 = arith.muli %get3A_807, %mul3A_809 : vector<16xi32>
        %get3A_811 = arith.index_cast %multiple_of3A_804 : i32 to index
        %get3A_812 = tpu.vector_load %arg8[%get3A_811] {strides = array<i32>} : memref<10000xi32, #tpu.memory_space<vmem>>, vector<16xi32>,
        %get3A_813 = vector.shape_cast %get3A_812 : vector<16xi32> to vector<16xi32>
        %mul3A_814 = arith.constant 2 : i32
        %mul3A_815 = vector.broadcast %mul3A_814 : i32 to vector<16xi32>
        %mul3A_816 = arith.muli %get3A_813, %mul3A_815 : vector<16xi32>
        %add3A_817 = arith.addi %mul3A_810, %mul3A_816 : vector<16xi32>
        %get3A_818 = arith.index_cast %multiple_of3A_804 : i32 to index
        %get3A_819 = tpu.vector_load %arg9[%get3A_818] {strides = array<i32>} : memref<10000xi32, #tpu.memory_space<vmem>>, vector<16xi32>,
        %get3A_820 = vector.shape_cast %get3A_819 : vector<16xi32> to vector<16xi32>
        %add3A_821 = arith.addi %add3A_817, %get3A_820 : vector<16xi32>
        %swap3A_822 = arith.index_cast %multiple_of3A_804 : i32 to index
        %swap3A_823 = tpu.vector_load %arg10[%swap3A_822] {strides = array<i32>} : memref<10000xi32, #tpu.memory_space<vmem>>, vector<16xi32>,
        %swap3A_824 = vector.shape_cast %swap3A_823 : vector<16xi32> to vector<16xi32>
        %swap3A_825 = vector.shape_cast %add3A_821 : vector<16xi32> to vector<16xi32>
        tpu.vector_store %arg10[%swap3A_822], %swap3A_825 {strides = array<i32>} : memref<10000xi32, #tpu.memory_space<vmem>>, vector<16xi32>,
        %add3A_826 = arith.constant 4 : i32
        %add3A_827 = arith.addi %add3A_672, %add3A_826 : i32
        %mul3A_828 = arith.constant 80 : i32
        %mul3A_829 = arith.muli %add3A_827, %mul3A_828 : i32
        %multiple_of3A_830 = tpu.assume_multiple %mul3A_829, 80 : i32
        %dma_start3A_831 = tpu.memref_slice %arg10[%multiple_of3A_830] : memref<10000xi32, #tpu.memory_space<vmem>> -> memref<80xi32, #tpu.memory_space<vmem>>
        %dma_start3A_832 = arith.constant 0 : i32
        %dma_start3A_833 = arith.constant 0 : i32
        %dma_start3A_834 = tpu.memref_slice %arg11[%dma_start3A_832, %dma_start3A_833] : memref<64x128xf32, #tpu.memory_space<vmem_shared>> -> memref<64x128xf32, #tpu.memory_space<vmem_shared>>
        tpu.enqueue_indirect_dma source(%dma_start3A_834 : memref<64x128xf32, #tpu.memory_space<vmem_shared>>) target(%arg15 : memref<80x128xf32, #tpu.memory_space<vmem>>) offsets(%dma_start3A_831 : memref<80xi32, #tpu.memory_space<vmem>>) semaphore(%arg23 : memref<!tpu.dma_semaphore, #tpu.memory_space<semaphore_mem>>)
      } else {
      }
      %lt3A_688 = arith.constant 125 : i32
      %lt3A_689 = arith.cmpi slt, %add3A_672, %lt3A_688 : i32
      %convert_element_type3A_690 = arith.extui %lt3A_689 : i1 to i32
      %cond3A_691 = arith.constant 0 : i32
      %cond3A_692 = arith.cmpi ne, %convert_element_type3A_690, %cond3A_691 : i32
      scf.if %cond3A_692 {
        %dma_wait3A_694 = arith.constant 0 : i32
        %dma_wait3A_695 = arith.constant 0 : i32
        %dma_wait3A_696 = tpu.memref_slice %arg6[%dma_wait3A_694, %dma_wait3A_695] : memref<320000x128xf32, #tpu.memory_space<hbm>> -> memref<80x128xf32, #tpu.memory_space<hbm>>
        %dma_wait3A_697 = arith.constant 0 : i32
        %dma_wait3A_698 = arith.constant 0 : i32
        %dma_wait3A_699 = tpu.memref_slice %arg6[%dma_wait3A_697, %dma_wait3A_698] : memref<320000x128xf32, #tpu.memory_space<hbm>> -> memref<80x128xf32, #tpu.memory_space<hbm>>
        tpu.wait_dma2 semaphore(%arg27 : memref<!tpu.dma_semaphore, #tpu.memory_space<semaphore_mem>>) src(%dma_wait3A_699 : memref<80x128xf32, #tpu.memory_space<hbm>>) dst(%arg19 : memref<80x128xf32, #tpu.memory_space<vmem>>)
        %mul3A_700 = arith.constant 80 : i32
        %mul3A_701 = arith.muli %add3A_672, %mul3A_700 : i32
        %multiple_of3A_702 = tpu.assume_multiple %mul3A_701, 80 : i32
        %add3A_703 = arith.addi %mul3A_2, %multiple_of3A_702 : i32
        %dma_start3A_704 = arith.constant 0 : i32
        %dma_start3A_705 = tpu.memref_slice %arg6[%add3A_703, %dma_start3A_704] : memref<320000x128xf32, #tpu.memory_space<hbm>> -> memref<80x128xf32, #tpu.memory_space<hbm>>
        %dma_start3A_706 = arith.constant 0 : i32
        %dma_start3A_707 = tpu.memref_slice %arg6[%add3A_703, %dma_start3A_706] : memref<320000x128xf32, #tpu.memory_space<hbm>> -> memref<80x128xf32, #tpu.memory_space<hbm>>
        tpu.enqueue_dma source(%arg19 : memref<80x128xf32, #tpu.memory_space<vmem>>) target(%dma_start3A_707 : memref<80x128xf32, #tpu.memory_space<hbm>>) target_semaphore(%arg35 : memref<!tpu.dma_semaphore, #tpu.memory_space<semaphore_mem>>)
      } else {
      }
      %scan3A_693 = arith.constant 0 : i32
      scf.yield %scan3A_693 : i32
    }
    %scan3A_501 = arith.constant 17 : i32
    return
  }
}

module attributes {stable_mosaic.version = 14 : i64} {
  func.func @_table_body(%arg0: memref<5x128xf32, #tpu.memory_space<vmem>>, %arg1: memref<6x128xf32, #tpu.memory_space<vmem>>, %arg2: memref<2x128xf32, #tpu.memory_space<vmem>>, %arg3: memref<64x128xf32, #tpu.memory_space<vmem>>) attributes {dimension_semantics = [], scalar_prefetch = 0 : i64, scratch_operands = 0 : i64, tpu.core_type = #tpu.core_type<tc>} {
    %broadcast_in_dim3A = arith.constant 0.000000e+00 : f32
    %broadcast_in_dim3A_0 = vector.broadcast %broadcast_in_dim3A : f32 to vector<64x128xf32>
    %swap3A = arith.constant 0 : index
    %swap3A_1 = arith.constant 0 : index
    %swap3A_2 = vector.load %arg3[%swap3A, %swap3A_1] : memref<64x128xf32, #tpu.memory_space<vmem>>, vector<64x128xf32>
    tpu.vector_store %arg3[%swap3A, %swap3A_1], %broadcast_in_dim3A_0 {strides = array<i32>} : memref<64x128xf32, #tpu.memory_space<vmem>>, vector<64x128xf32>,
    %get3A = arith.constant 0 : index
    %get3A_3 = arith.constant 0 : index
    %get3A_4 = vector.load %arg0[%get3A, %get3A_3] : memref<5x128xf32, #tpu.memory_space<vmem>>, vector<1x128xf32>
    %get3A_5 = arith.constant 0 : index
    %get3A_6 = arith.constant 0 : index
    %get3A_7 = vector.load %arg1[%get3A_5, %get3A_6] : memref<6x128xf32, #tpu.memory_space<vmem>>, vector<1x128xf32>
    %add3A = arith.addf %get3A_4, %get3A_7 : vector<1x128xf32>
    %get3A_8 = arith.constant 0 : index
    %get3A_9 = arith.constant 0 : index
    %get3A_10 = vector.load %arg2[%get3A_8, %get3A_9] : memref<2x128xf32, #tpu.memory_space<vmem>>, vector<1x128xf32>
    %add3A_11 = arith.addf %add3A, %get3A_10 : vector<1x128xf32>
    %swap3A_12 = arith.constant 0 : index
    %swap3A_13 = arith.constant 0 : index
    %swap3A_14 = vector.load %arg3[%swap3A_12, %swap3A_13] : memref<64x128xf32, #tpu.memory_space<vmem>>, vector<1x128xf32>
    tpu.vector_store %arg3[%swap3A_12, %swap3A_13], %add3A_11 {strides = array<i32>} : memref<64x128xf32, #tpu.memory_space<vmem>>, vector<1x128xf32>,
    %get3A_15 = arith.constant 0 : index
    %get3A_16 = arith.constant 0 : index
    %get3A_17 = vector.load %arg0[%get3A_15, %get3A_16] : memref<5x128xf32, #tpu.memory_space<vmem>>, vector<1x128xf32>
    %get3A_18 = arith.constant 0 : index
    %get3A_19 = arith.constant 0 : index
    %get3A_20 = vector.load %arg1[%get3A_18, %get3A_19] : memref<6x128xf32, #tpu.memory_space<vmem>>, vector<1x128xf32>
    %add3A_21 = arith.addf %get3A_17, %get3A_20 : vector<1x128xf32>
    %get3A_22 = arith.constant 1 : index
    %get3A_23 = arith.constant 0 : index
    %get3A_24 = vector.load %arg2[%get3A_22, %get3A_23] : memref<2x128xf32, #tpu.memory_space<vmem>>, vector<1x128xf32>
    %add3A_25 = arith.addf %add3A_21, %get3A_24 : vector<1x128xf32>
    %swap3A_26 = arith.constant 1 : index
    %swap3A_27 = arith.constant 0 : index
    %swap3A_28 = vector.load %arg3[%swap3A_26, %swap3A_27] : memref<64x128xf32, #tpu.memory_space<vmem>>, vector<1x128xf32>
    tpu.vector_store %arg3[%swap3A_26, %swap3A_27], %add3A_25 {strides = array<i32>} : memref<64x128xf32, #tpu.memory_space<vmem>>, vector<1x128xf32>,
    %get3A_29 = arith.constant 0 : index
    %get3A_30 = arith.constant 0 : index
    %get3A_31 = vector.load %arg0[%get3A_29, %get3A_30] : memref<5x128xf32, #tpu.memory_space<vmem>>, vector<1x128xf32>
    %get3A_32 = arith.constant 1 : index
    %get3A_33 = arith.constant 0 : index
    %get3A_34 = vector.load %arg1[%get3A_32, %get3A_33] : memref<6x128xf32, #tpu.memory_space<vmem>>, vector<1x128xf32>
    %add3A_35 = arith.addf %get3A_31, %get3A_34 : vector<1x128xf32>
    %get3A_36 = arith.constant 0 : index
    %get3A_37 = arith.constant 0 : index
    %get3A_38 = vector.load %arg2[%get3A_36, %get3A_37] : memref<2x128xf32, #tpu.memory_space<vmem>>, vector<1x128xf32>
    %add3A_39 = arith.addf %add3A_35, %get3A_38 : vector<1x128xf32>
    %swap3A_40 = arith.constant 2 : index
    %swap3A_41 = arith.constant 0 : index
    %swap3A_42 = vector.load %arg3[%swap3A_40, %swap3A_41] : memref<64x128xf32, #tpu.memory_space<vmem>>, vector<1x128xf32>
    tpu.vector_store %arg3[%swap3A_40, %swap3A_41], %add3A_39 {strides = array<i32>} : memref<64x128xf32, #tpu.memory_space<vmem>>, vector<1x128xf32>,
    %get3A_43 = arith.constant 0 : index
    %get3A_44 = arith.constant 0 : index
    %get3A_45 = vector.load %arg0[%get3A_43, %get3A_44] : memref<5x128xf32, #tpu.memory_space<vmem>>, vector<1x128xf32>
    %get3A_46 = arith.constant 1 : index
    %get3A_47 = arith.constant 0 : index
    %get3A_48 = vector.load %arg1[%get3A_46, %get3A_47] : memref<6x128xf32, #tpu.memory_space<vmem>>, vector<1x128xf32>
    %add3A_49 = arith.addf %get3A_45, %get3A_48 : vector<1x128xf32>
    %get3A_50 = arith.constant 1 : index
    %get3A_51 = arith.constant 0 : index
    %get3A_52 = vector.load %arg2[%get3A_50, %get3A_51] : memref<2x128xf32, #tpu.memory_space<vmem>>, vector<1x128xf32>
    %add3A_53 = arith.addf %add3A_49, %get3A_52 : vector<1x128xf32>
    %swap3A_54 = arith.constant 3 : index
    %swap3A_55 = arith.constant 0 : index
    %swap3A_56 = vector.load %arg3[%swap3A_54, %swap3A_55] : memref<64x128xf32, #tpu.memory_space<vmem>>, vector<1x128xf32>
    tpu.vector_store %arg3[%swap3A_54, %swap3A_55], %add3A_53 {strides = array<i32>} : memref<64x128xf32, #tpu.memory_space<vmem>>, vector<1x128xf32>,
    %get3A_57 = arith.constant 0 : index
    %get3A_58 = arith.constant 0 : index
    %get3A_59 = vector.load %arg0[%get3A_57, %get3A_58] : memref<5x128xf32, #tpu.memory_space<vmem>>, vector<1x128xf32>
    %get3A_60 = arith.constant 2 : index
    %get3A_61 = arith.constant 0 : index
    %get3A_62 = vector.load %arg1[%get3A_60, %get3A_61] : memref<6x128xf32, #tpu.memory_space<vmem>>, vector<1x128xf32>
    %add3A_63 = arith.addf %get3A_59, %get3A_62 : vector<1x128xf32>
    %get3A_64 = arith.constant 0 : index
    %get3A_65 = arith.constant 0 : index
    %get3A_66 = vector.load %arg2[%get3A_64, %get3A_65] : memref<2x128xf32, #tpu.memory_space<vmem>>, vector<1x128xf32>
    %add3A_67 = arith.addf %add3A_63, %get3A_66 : vector<1x128xf32>
    %swap3A_68 = arith.constant 4 : index
    %swap3A_69 = arith.constant 0 : index
    %swap3A_70 = vector.load %arg3[%swap3A_68, %swap3A_69] : memref<64x128xf32, #tpu.memory_space<vmem>>, vector<1x128xf32>
    tpu.vector_store %arg3[%swap3A_68, %swap3A_69], %add3A_67 {strides = array<i32>} : memref<64x128xf32, #tpu.memory_space<vmem>>, vector<1x128xf32>,
    %get3A_71 = arith.constant 0 : index
    %get3A_72 = arith.constant 0 : index
    %get3A_73 = vector.load %arg0[%get3A_71, %get3A_72] : memref<5x128xf32, #tpu.memory_space<vmem>>, vector<1x128xf32>
    %get3A_74 = arith.constant 2 : index
    %get3A_75 = arith.constant 0 : index
    %get3A_76 = vector.load %arg1[%get3A_74, %get3A_75] : memref<6x128xf32, #tpu.memory_space<vmem>>, vector<1x128xf32>
    %add3A_77 = arith.addf %get3A_73, %get3A_76 : vector<1x128xf32>
    %get3A_78 = arith.constant 1 : index
    %get3A_79 = arith.constant 0 : index
    %get3A_80 = vector.load %arg2[%get3A_78, %get3A_79] : memref<2x128xf32, #tpu.memory_space<vmem>>, vector<1x128xf32>
    %add3A_81 = arith.addf %add3A_77, %get3A_80 : vector<1x128xf32>
    %swap3A_82 = arith.constant 5 : index
    %swap3A_83 = arith.constant 0 : index
    %swap3A_84 = vector.load %arg3[%swap3A_82, %swap3A_83] : memref<64x128xf32, #tpu.memory_space<vmem>>, vector<1x128xf32>
    tpu.vector_store %arg3[%swap3A_82, %swap3A_83], %add3A_81 {strides = array<i32>} : memref<64x128xf32, #tpu.memory_space<vmem>>, vector<1x128xf32>,
    %get3A_85 = arith.constant 0 : index
    %get3A_86 = arith.constant 0 : index
    %get3A_87 = vector.load %arg0[%get3A_85, %get3A_86] : memref<5x128xf32, #tpu.memory_space<vmem>>, vector<1x128xf32>
    %get3A_88 = arith.constant 3 : index
    %get3A_89 = arith.constant 0 : index
    %get3A_90 = vector.load %arg1[%get3A_88, %get3A_89] : memref<6x128xf32, #tpu.memory_space<vmem>>, vector<1x128xf32>
    %add3A_91 = arith.addf %get3A_87, %get3A_90 : vector<1x128xf32>
    %get3A_92 = arith.constant 0 : index
    %get3A_93 = arith.constant 0 : index
    %get3A_94 = vector.load %arg2[%get3A_92, %get3A_93] : memref<2x128xf32, #tpu.memory_space<vmem>>, vector<1x128xf32>
    %add3A_95 = arith.addf %add3A_91, %get3A_94 : vector<1x128xf32>
    %swap3A_96 = arith.constant 6 : index
    %swap3A_97 = arith.constant 0 : index
    %swap3A_98 = vector.load %arg3[%swap3A_96, %swap3A_97] : memref<64x128xf32, #tpu.memory_space<vmem>>, vector<1x128xf32>
    tpu.vector_store %arg3[%swap3A_96, %swap3A_97], %add3A_95 {strides = array<i32>} : memref<64x128xf32, #tpu.memory_space<vmem>>, vector<1x128xf32>,
    %get3A_99 = arith.constant 0 : index
    %get3A_100 = arith.constant 0 : index
    %get3A_101 = vector.load %arg0[%get3A_99, %get3A_100] : memref<5x128xf32, #tpu.memory_space<vmem>>, vector<1x128xf32>
    %get3A_102 = arith.constant 3 : index
    %get3A_103 = arith.constant 0 : index
    %get3A_104 = vector.load %arg1[%get3A_102, %get3A_103] : memref<6x128xf32, #tpu.memory_space<vmem>>, vector<1x128xf32>
    %add3A_105 = arith.addf %get3A_101, %get3A_104 : vector<1x128xf32>
    %get3A_106 = arith.constant 1 : index
    %get3A_107 = arith.constant 0 : index
    %get3A_108 = vector.load %arg2[%get3A_106, %get3A_107] : memref<2x128xf32, #tpu.memory_space<vmem>>, vector<1x128xf32>
    %add3A_109 = arith.addf %add3A_105, %get3A_108 : vector<1x128xf32>
    %swap3A_110 = arith.constant 7 : index
    %swap3A_111 = arith.constant 0 : index
    %swap3A_112 = vector.load %arg3[%swap3A_110, %swap3A_111] : memref<64x128xf32, #tpu.memory_space<vmem>>, vector<1x128xf32>
    tpu.vector_store %arg3[%swap3A_110, %swap3A_111], %add3A_109 {strides = array<i32>} : memref<64x128xf32, #tpu.memory_space<vmem>>, vector<1x128xf32>,
    %get3A_113 = arith.constant 0 : index
    %get3A_114 = arith.constant 0 : index
    %get3A_115 = vector.load %arg0[%get3A_113, %get3A_114] : memref<5x128xf32, #tpu.memory_space<vmem>>, vector<1x128xf32>
    %get3A_116 = arith.constant 4 : index
    %get3A_117 = arith.constant 0 : index
    %get3A_118 = vector.load %arg1[%get3A_116, %get3A_117] : memref<6x128xf32, #tpu.memory_space<vmem>>, vector<1x128xf32>
    %add3A_119 = arith.addf %get3A_115, %get3A_118 : vector<1x128xf32>
    %get3A_120 = arith.constant 0 : index
    %get3A_121 = arith.constant 0 : index
    %get3A_122 = vector.load %arg2[%get3A_120, %get3A_121] : memref<2x128xf32, #tpu.memory_space<vmem>>, vector<1x128xf32>
    %add3A_123 = arith.addf %add3A_119, %get3A_122 : vector<1x128xf32>
    %swap3A_124 = arith.constant 8 : index
    %swap3A_125 = arith.constant 0 : index
    %swap3A_126 = vector.load %arg3[%swap3A_124, %swap3A_125] : memref<64x128xf32, #tpu.memory_space<vmem>>, vector<1x128xf32>
    tpu.vector_store %arg3[%swap3A_124, %swap3A_125], %add3A_123 {strides = array<i32>} : memref<64x128xf32, #tpu.memory_space<vmem>>, vector<1x128xf32>,
    %get3A_127 = arith.constant 0 : index
    %get3A_128 = arith.constant 0 : index
    %get3A_129 = vector.load %arg0[%get3A_127, %get3A_128] : memref<5x128xf32, #tpu.memory_space<vmem>>, vector<1x128xf32>
    %get3A_130 = arith.constant 4 : index
    %get3A_131 = arith.constant 0 : index
    %get3A_132 = vector.load %arg1[%get3A_130, %get3A_131] : memref<6x128xf32, #tpu.memory_space<vmem>>, vector<1x128xf32>
    %add3A_133 = arith.addf %get3A_129, %get3A_132 : vector<1x128xf32>
    %get3A_134 = arith.constant 1 : index
    %get3A_135 = arith.constant 0 : index
    %get3A_136 = vector.load %arg2[%get3A_134, %get3A_135] : memref<2x128xf32, #tpu.memory_space<vmem>>, vector<1x128xf32>
    %add3A_137 = arith.addf %add3A_133, %get3A_136 : vector<1x128xf32>
    %swap3A_138 = arith.constant 9 : index
    %swap3A_139 = arith.constant 0 : index
    %swap3A_140 = vector.load %arg3[%swap3A_138, %swap3A_139] : memref<64x128xf32, #tpu.memory_space<vmem>>, vector<1x128xf32>
    tpu.vector_store %arg3[%swap3A_138, %swap3A_139], %add3A_137 {strides = array<i32>} : memref<64x128xf32, #tpu.memory_space<vmem>>, vector<1x128xf32>,
    %get3A_141 = arith.constant 0 : index
    %get3A_142 = arith.constant 0 : index
    %get3A_143 = vector.load %arg0[%get3A_141, %get3A_142] : memref<5x128xf32, #tpu.memory_space<vmem>>, vector<1x128xf32>
    %get3A_144 = arith.constant 5 : index
    %get3A_145 = arith.constant 0 : index
    %get3A_146 = vector.load %arg1[%get3A_144, %get3A_145] : memref<6x128xf32, #tpu.memory_space<vmem>>, vector<1x128xf32>
    %add3A_147 = arith.addf %get3A_143, %get3A_146 : vector<1x128xf32>
    %get3A_148 = arith.constant 0 : index
    %get3A_149 = arith.constant 0 : index
    %get3A_150 = vector.load %arg2[%get3A_148, %get3A_149] : memref<2x128xf32, #tpu.memory_space<vmem>>, vector<1x128xf32>
    %add3A_151 = arith.addf %add3A_147, %get3A_150 : vector<1x128xf32>
    %swap3A_152 = arith.constant 10 : index
    %swap3A_153 = arith.constant 0 : index
    %swap3A_154 = vector.load %arg3[%swap3A_152, %swap3A_153] : memref<64x128xf32, #tpu.memory_space<vmem>>, vector<1x128xf32>
    tpu.vector_store %arg3[%swap3A_152, %swap3A_153], %add3A_151 {strides = array<i32>} : memref<64x128xf32, #tpu.memory_space<vmem>>, vector<1x128xf32>,
    %get3A_155 = arith.constant 0 : index
    %get3A_156 = arith.constant 0 : index
    %get3A_157 = vector.load %arg0[%get3A_155, %get3A_156] : memref<5x128xf32, #tpu.memory_space<vmem>>, vector<1x128xf32>
    %get3A_158 = arith.constant 5 : index
    %get3A_159 = arith.constant 0 : index
    %get3A_160 = vector.load %arg1[%get3A_158, %get3A_159] : memref<6x128xf32, #tpu.memory_space<vmem>>, vector<1x128xf32>
    %add3A_161 = arith.addf %get3A_157, %get3A_160 : vector<1x128xf32>
    %get3A_162 = arith.constant 1 : index
    %get3A_163 = arith.constant 0 : index
    %get3A_164 = vector.load %arg2[%get3A_162, %get3A_163] : memref<2x128xf32, #tpu.memory_space<vmem>>, vector<1x128xf32>
    %add3A_165 = arith.addf %add3A_161, %get3A_164 : vector<1x128xf32>
    %swap3A_166 = arith.constant 11 : index
    %swap3A_167 = arith.constant 0 : index
    %swap3A_168 = vector.load %arg3[%swap3A_166, %swap3A_167] : memref<64x128xf32, #tpu.memory_space<vmem>>, vector<1x128xf32>
    tpu.vector_store %arg3[%swap3A_166, %swap3A_167], %add3A_165 {strides = array<i32>} : memref<64x128xf32, #tpu.memory_space<vmem>>, vector<1x128xf32>,
    %get3A_169 = arith.constant 1 : index
    %get3A_170 = arith.constant 0 : index
    %get3A_171 = vector.load %arg0[%get3A_169, %get3A_170] : memref<5x128xf32, #tpu.memory_space<vmem>>, vector<1x128xf32>
    %get3A_172 = arith.constant 0 : index
    %get3A_173 = arith.constant 0 : index
    %get3A_174 = vector.load %arg1[%get3A_172, %get3A_173] : memref<6x128xf32, #tpu.memory_space<vmem>>, vector<1x128xf32>
    %add3A_175 = arith.addf %get3A_171, %get3A_174 : vector<1x128xf32>
    %get3A_176 = arith.constant 0 : index
    %get3A_177 = arith.constant 0 : index
    %get3A_178 = vector.load %arg2[%get3A_176, %get3A_177] : memref<2x128xf32, #tpu.memory_space<vmem>>, vector<1x128xf32>
    %add3A_179 = arith.addf %add3A_175, %get3A_178 : vector<1x128xf32>
    %swap3A_180 = arith.constant 12 : index
    %swap3A_181 = arith.constant 0 : index
    %swap3A_182 = vector.load %arg3[%swap3A_180, %swap3A_181] : memref<64x128xf32, #tpu.memory_space<vmem>>, vector<1x128xf32>
    tpu.vector_store %arg3[%swap3A_180, %swap3A_181], %add3A_179 {strides = array<i32>} : memref<64x128xf32, #tpu.memory_space<vmem>>, vector<1x128xf32>,
    %get3A_183 = arith.constant 1 : index
    %get3A_184 = arith.constant 0 : index
    %get3A_185 = vector.load %arg0[%get3A_183, %get3A_184] : memref<5x128xf32, #tpu.memory_space<vmem>>, vector<1x128xf32>
    %get3A_186 = arith.constant 0 : index
    %get3A_187 = arith.constant 0 : index
    %get3A_188 = vector.load %arg1[%get3A_186, %get3A_187] : memref<6x128xf32, #tpu.memory_space<vmem>>, vector<1x128xf32>
    %add3A_189 = arith.addf %get3A_185, %get3A_188 : vector<1x128xf32>
    %get3A_190 = arith.constant 1 : index
    %get3A_191 = arith.constant 0 : index
    %get3A_192 = vector.load %arg2[%get3A_190, %get3A_191] : memref<2x128xf32, #tpu.memory_space<vmem>>, vector<1x128xf32>
    %add3A_193 = arith.addf %add3A_189, %get3A_192 : vector<1x128xf32>
    %swap3A_194 = arith.constant 13 : index
    %swap3A_195 = arith.constant 0 : index
    %swap3A_196 = vector.load %arg3[%swap3A_194, %swap3A_195] : memref<64x128xf32, #tpu.memory_space<vmem>>, vector<1x128xf32>
    tpu.vector_store %arg3[%swap3A_194, %swap3A_195], %add3A_193 {strides = array<i32>} : memref<64x128xf32, #tpu.memory_space<vmem>>, vector<1x128xf32>,
    %get3A_197 = arith.constant 1 : index
    %get3A_198 = arith.constant 0 : index
    %get3A_199 = vector.load %arg0[%get3A_197, %get3A_198] : memref<5x128xf32, #tpu.memory_space<vmem>>, vector<1x128xf32>
    %get3A_200 = arith.constant 1 : index
    %get3A_201 = arith.constant 0 : index
    %get3A_202 = vector.load %arg1[%get3A_200, %get3A_201] : memref<6x128xf32, #tpu.memory_space<vmem>>, vector<1x128xf32>
    %add3A_203 = arith.addf %get3A_199, %get3A_202 : vector<1x128xf32>
    %get3A_204 = arith.constant 0 : index
    %get3A_205 = arith.constant 0 : index
    %get3A_206 = vector.load %arg2[%get3A_204, %get3A_205] : memref<2x128xf32, #tpu.memory_space<vmem>>, vector<1x128xf32>
    %add3A_207 = arith.addf %add3A_203, %get3A_206 : vector<1x128xf32>
    %swap3A_208 = arith.constant 14 : index
    %swap3A_209 = arith.constant 0 : index
    %swap3A_210 = vector.load %arg3[%swap3A_208, %swap3A_209] : memref<64x128xf32, #tpu.memory_space<vmem>>, vector<1x128xf32>
    tpu.vector_store %arg3[%swap3A_208, %swap3A_209], %add3A_207 {strides = array<i32>} : memref<64x128xf32, #tpu.memory_space<vmem>>, vector<1x128xf32>,
    %get3A_211 = arith.constant 1 : index
    %get3A_212 = arith.constant 0 : index
    %get3A_213 = vector.load %arg0[%get3A_211, %get3A_212] : memref<5x128xf32, #tpu.memory_space<vmem>>, vector<1x128xf32>
    %get3A_214 = arith.constant 1 : index
    %get3A_215 = arith.constant 0 : index
    %get3A_216 = vector.load %arg1[%get3A_214, %get3A_215] : memref<6x128xf32, #tpu.memory_space<vmem>>, vector<1x128xf32>
    %add3A_217 = arith.addf %get3A_213, %get3A_216 : vector<1x128xf32>
    %get3A_218 = arith.constant 1 : index
    %get3A_219 = arith.constant 0 : index
    %get3A_220 = vector.load %arg2[%get3A_218, %get3A_219] : memref<2x128xf32, #tpu.memory_space<vmem>>, vector<1x128xf32>
    %add3A_221 = arith.addf %add3A_217, %get3A_220 : vector<1x128xf32>
    %swap3A_222 = arith.constant 15 : index
    %swap3A_223 = arith.constant 0 : index
    %swap3A_224 = vector.load %arg3[%swap3A_222, %swap3A_223] : memref<64x128xf32, #tpu.memory_space<vmem>>, vector<1x128xf32>
    tpu.vector_store %arg3[%swap3A_222, %swap3A_223], %add3A_221 {strides = array<i32>} : memref<64x128xf32, #tpu.memory_space<vmem>>, vector<1x128xf32>,
    %get3A_225 = arith.constant 1 : index
    %get3A_226 = arith.constant 0 : index
    %get3A_227 = vector.load %arg0[%get3A_225, %get3A_226] : memref<5x128xf32, #tpu.memory_space<vmem>>, vector<1x128xf32>
    %get3A_228 = arith.constant 2 : index
    %get3A_229 = arith.constant 0 : index
    %get3A_230 = vector.load %arg1[%get3A_228, %get3A_229] : memref<6x128xf32, #tpu.memory_space<vmem>>, vector<1x128xf32>
    %add3A_231 = arith.addf %get3A_227, %get3A_230 : vector<1x128xf32>
    %get3A_232 = arith.constant 0 : index
    %get3A_233 = arith.constant 0 : index
    %get3A_234 = vector.load %arg2[%get3A_232, %get3A_233] : memref<2x128xf32, #tpu.memory_space<vmem>>, vector<1x128xf32>
    %add3A_235 = arith.addf %add3A_231, %get3A_234 : vector<1x128xf32>
    %swap3A_236 = arith.constant 16 : index
    %swap3A_237 = arith.constant 0 : index
    %swap3A_238 = vector.load %arg3[%swap3A_236, %swap3A_237] : memref<64x128xf32, #tpu.memory_space<vmem>>, vector<1x128xf32>
    tpu.vector_store %arg3[%swap3A_236, %swap3A_237], %add3A_235 {strides = array<i32>} : memref<64x128xf32, #tpu.memory_space<vmem>>, vector<1x128xf32>,
    %get3A_239 = arith.constant 1 : index
    %get3A_240 = arith.constant 0 : index
    %get3A_241 = vector.load %arg0[%get3A_239, %get3A_240] : memref<5x128xf32, #tpu.memory_space<vmem>>, vector<1x128xf32>
    %get3A_242 = arith.constant 2 : index
    %get3A_243 = arith.constant 0 : index
    %get3A_244 = vector.load %arg1[%get3A_242, %get3A_243] : memref<6x128xf32, #tpu.memory_space<vmem>>, vector<1x128xf32>
    %add3A_245 = arith.addf %get3A_241, %get3A_244 : vector<1x128xf32>
    %get3A_246 = arith.constant 1 : index
    %get3A_247 = arith.constant 0 : index
    %get3A_248 = vector.load %arg2[%get3A_246, %get3A_247] : memref<2x128xf32, #tpu.memory_space<vmem>>, vector<1x128xf32>
    %add3A_249 = arith.addf %add3A_245, %get3A_248 : vector<1x128xf32>
    %swap3A_250 = arith.constant 17 : index
    %swap3A_251 = arith.constant 0 : index
    %swap3A_252 = vector.load %arg3[%swap3A_250, %swap3A_251] : memref<64x128xf32, #tpu.memory_space<vmem>>, vector<1x128xf32>
    tpu.vector_store %arg3[%swap3A_250, %swap3A_251], %add3A_249 {strides = array<i32>} : memref<64x128xf32, #tpu.memory_space<vmem>>, vector<1x128xf32>,
    %get3A_253 = arith.constant 1 : index
    %get3A_254 = arith.constant 0 : index
    %get3A_255 = vector.load %arg0[%get3A_253, %get3A_254] : memref<5x128xf32, #tpu.memory_space<vmem>>, vector<1x128xf32>
    %get3A_256 = arith.constant 3 : index
    %get3A_257 = arith.constant 0 : index
    %get3A_258 = vector.load %arg1[%get3A_256, %get3A_257] : memref<6x128xf32, #tpu.memory_space<vmem>>, vector<1x128xf32>
    %add3A_259 = arith.addf %get3A_255, %get3A_258 : vector<1x128xf32>
    %get3A_260 = arith.constant 0 : index
    %get3A_261 = arith.constant 0 : index
    %get3A_262 = vector.load %arg2[%get3A_260, %get3A_261] : memref<2x128xf32, #tpu.memory_space<vmem>>, vector<1x128xf32>
    %add3A_263 = arith.addf %add3A_259, %get3A_262 : vector<1x128xf32>
    %swap3A_264 = arith.constant 18 : index
    %swap3A_265 = arith.constant 0 : index
    %swap3A_266 = vector.load %arg3[%swap3A_264, %swap3A_265] : memref<64x128xf32, #tpu.memory_space<vmem>>, vector<1x128xf32>
    tpu.vector_store %arg3[%swap3A_264, %swap3A_265], %add3A_263 {strides = array<i32>} : memref<64x128xf32, #tpu.memory_space<vmem>>, vector<1x128xf32>,
    %get3A_267 = arith.constant 1 : index
    %get3A_268 = arith.constant 0 : index
    %get3A_269 = vector.load %arg0[%get3A_267, %get3A_268] : memref<5x128xf32, #tpu.memory_space<vmem>>, vector<1x128xf32>
    %get3A_270 = arith.constant 3 : index
    %get3A_271 = arith.constant 0 : index
    %get3A_272 = vector.load %arg1[%get3A_270, %get3A_271] : memref<6x128xf32, #tpu.memory_space<vmem>>, vector<1x128xf32>
    %add3A_273 = arith.addf %get3A_269, %get3A_272 : vector<1x128xf32>
    %get3A_274 = arith.constant 1 : index
    %get3A_275 = arith.constant 0 : index
    %get3A_276 = vector.load %arg2[%get3A_274, %get3A_275] : memref<2x128xf32, #tpu.memory_space<vmem>>, vector<1x128xf32>
    %add3A_277 = arith.addf %add3A_273, %get3A_276 : vector<1x128xf32>
    %swap3A_278 = arith.constant 19 : index
    %swap3A_279 = arith.constant 0 : index
    %swap3A_280 = vector.load %arg3[%swap3A_278, %swap3A_279] : memref<64x128xf32, #tpu.memory_space<vmem>>, vector<1x128xf32>
    tpu.vector_store %arg3[%swap3A_278, %swap3A_279], %add3A_277 {strides = array<i32>} : memref<64x128xf32, #tpu.memory_space<vmem>>, vector<1x128xf32>,
    %get3A_281 = arith.constant 1 : index
    %get3A_282 = arith.constant 0 : index
    %get3A_283 = vector.load %arg0[%get3A_281, %get3A_282] : memref<5x128xf32, #tpu.memory_space<vmem>>, vector<1x128xf32>
    %get3A_284 = arith.constant 4 : index
    %get3A_285 = arith.constant 0 : index
    %get3A_286 = vector.load %arg1[%get3A_284, %get3A_285] : memref<6x128xf32, #tpu.memory_space<vmem>>, vector<1x128xf32>
    %add3A_287 = arith.addf %get3A_283, %get3A_286 : vector<1x128xf32>
    %get3A_288 = arith.constant 0 : index
    %get3A_289 = arith.constant 0 : index
    %get3A_290 = vector.load %arg2[%get3A_288, %get3A_289] : memref<2x128xf32, #tpu.memory_space<vmem>>, vector<1x128xf32>
    %add3A_291 = arith.addf %add3A_287, %get3A_290 : vector<1x128xf32>
    %swap3A_292 = arith.constant 20 : index
    %swap3A_293 = arith.constant 0 : index
    %swap3A_294 = vector.load %arg3[%swap3A_292, %swap3A_293] : memref<64x128xf32, #tpu.memory_space<vmem>>, vector<1x128xf32>
    tpu.vector_store %arg3[%swap3A_292, %swap3A_293], %add3A_291 {strides = array<i32>} : memref<64x128xf32, #tpu.memory_space<vmem>>, vector<1x128xf32>,
    %get3A_295 = arith.constant 1 : index
    %get3A_296 = arith.constant 0 : index
    %get3A_297 = vector.load %arg0[%get3A_295, %get3A_296] : memref<5x128xf32, #tpu.memory_space<vmem>>, vector<1x128xf32>
    %get3A_298 = arith.constant 4 : index
    %get3A_299 = arith.constant 0 : index
    %get3A_300 = vector.load %arg1[%get3A_298, %get3A_299] : memref<6x128xf32, #tpu.memory_space<vmem>>, vector<1x128xf32>
    %add3A_301 = arith.addf %get3A_297, %get3A_300 : vector<1x128xf32>
    %get3A_302 = arith.constant 1 : index
    %get3A_303 = arith.constant 0 : index
    %get3A_304 = vector.load %arg2[%get3A_302, %get3A_303] : memref<2x128xf32, #tpu.memory_space<vmem>>, vector<1x128xf32>
    %add3A_305 = arith.addf %add3A_301, %get3A_304 : vector<1x128xf32>
    %swap3A_306 = arith.constant 21 : index
    %swap3A_307 = arith.constant 0 : index
    %swap3A_308 = vector.load %arg3[%swap3A_306, %swap3A_307] : memref<64x128xf32, #tpu.memory_space<vmem>>, vector<1x128xf32>
    tpu.vector_store %arg3[%swap3A_306, %swap3A_307], %add3A_305 {strides = array<i32>} : memref<64x128xf32, #tpu.memory_space<vmem>>, vector<1x128xf32>,
    %get3A_309 = arith.constant 1 : index
    %get3A_310 = arith.constant 0 : index
    %get3A_311 = vector.load %arg0[%get3A_309, %get3A_310] : memref<5x128xf32, #tpu.memory_space<vmem>>, vector<1x128xf32>
    %get3A_312 = arith.constant 5 : index
    %get3A_313 = arith.constant 0 : index
    %get3A_314 = vector.load %arg1[%get3A_312, %get3A_313] : memref<6x128xf32, #tpu.memory_space<vmem>>, vector<1x128xf32>
    %add3A_315 = arith.addf %get3A_311, %get3A_314 : vector<1x128xf32>
    %get3A_316 = arith.constant 0 : index
    %get3A_317 = arith.constant 0 : index
    %get3A_318 = vector.load %arg2[%get3A_316, %get3A_317] : memref<2x128xf32, #tpu.memory_space<vmem>>, vector<1x128xf32>
    %add3A_319 = arith.addf %add3A_315, %get3A_318 : vector<1x128xf32>
    %swap3A_320 = arith.constant 22 : index
    %swap3A_321 = arith.constant 0 : index
    %swap3A_322 = vector.load %arg3[%swap3A_320, %swap3A_321] : memref<64x128xf32, #tpu.memory_space<vmem>>, vector<1x128xf32>
    tpu.vector_store %arg3[%swap3A_320, %swap3A_321], %add3A_319 {strides = array<i32>} : memref<64x128xf32, #tpu.memory_space<vmem>>, vector<1x128xf32>,
    %get3A_323 = arith.constant 1 : index
    %get3A_324 = arith.constant 0 : index
    %get3A_325 = vector.load %arg0[%get3A_323, %get3A_324] : memref<5x128xf32, #tpu.memory_space<vmem>>, vector<1x128xf32>
    %get3A_326 = arith.constant 5 : index
    %get3A_327 = arith.constant 0 : index
    %get3A_328 = vector.load %arg1[%get3A_326, %get3A_327] : memref<6x128xf32, #tpu.memory_space<vmem>>, vector<1x128xf32>
    %add3A_329 = arith.addf %get3A_325, %get3A_328 : vector<1x128xf32>
    %get3A_330 = arith.constant 1 : index
    %get3A_331 = arith.constant 0 : index
    %get3A_332 = vector.load %arg2[%get3A_330, %get3A_331] : memref<2x128xf32, #tpu.memory_space<vmem>>, vector<1x128xf32>
    %add3A_333 = arith.addf %add3A_329, %get3A_332 : vector<1x128xf32>
    %swap3A_334 = arith.constant 23 : index
    %swap3A_335 = arith.constant 0 : index
    %swap3A_336 = vector.load %arg3[%swap3A_334, %swap3A_335] : memref<64x128xf32, #tpu.memory_space<vmem>>, vector<1x128xf32>
    tpu.vector_store %arg3[%swap3A_334, %swap3A_335], %add3A_333 {strides = array<i32>} : memref<64x128xf32, #tpu.memory_space<vmem>>, vector<1x128xf32>,
    %get3A_337 = arith.constant 2 : index
    %get3A_338 = arith.constant 0 : index
    %get3A_339 = vector.load %arg0[%get3A_337, %get3A_338] : memref<5x128xf32, #tpu.memory_space<vmem>>, vector<1x128xf32>
    %get3A_340 = arith.constant 0 : index
    %get3A_341 = arith.constant 0 : index
    %get3A_342 = vector.load %arg1[%get3A_340, %get3A_341] : memref<6x128xf32, #tpu.memory_space<vmem>>, vector<1x128xf32>
    %add3A_343 = arith.addf %get3A_339, %get3A_342 : vector<1x128xf32>
    %get3A_344 = arith.constant 0 : index
    %get3A_345 = arith.constant 0 : index
    %get3A_346 = vector.load %arg2[%get3A_344, %get3A_345] : memref<2x128xf32, #tpu.memory_space<vmem>>, vector<1x128xf32>
    %add3A_347 = arith.addf %add3A_343, %get3A_346 : vector<1x128xf32>
    %swap3A_348 = arith.constant 24 : index
    %swap3A_349 = arith.constant 0 : index
    %swap3A_350 = vector.load %arg3[%swap3A_348, %swap3A_349] : memref<64x128xf32, #tpu.memory_space<vmem>>, vector<1x128xf32>
    tpu.vector_store %arg3[%swap3A_348, %swap3A_349], %add3A_347 {strides = array<i32>} : memref<64x128xf32, #tpu.memory_space<vmem>>, vector<1x128xf32>,
    %get3A_351 = arith.constant 2 : index
    %get3A_352 = arith.constant 0 : index
    %get3A_353 = vector.load %arg0[%get3A_351, %get3A_352] : memref<5x128xf32, #tpu.memory_space<vmem>>, vector<1x128xf32>
    %get3A_354 = arith.constant 0 : index
    %get3A_355 = arith.constant 0 : index
    %get3A_356 = vector.load %arg1[%get3A_354, %get3A_355] : memref<6x128xf32, #tpu.memory_space<vmem>>, vector<1x128xf32>
    %add3A_357 = arith.addf %get3A_353, %get3A_356 : vector<1x128xf32>
    %get3A_358 = arith.constant 1 : index
    %get3A_359 = arith.constant 0 : index
    %get3A_360 = vector.load %arg2[%get3A_358, %get3A_359] : memref<2x128xf32, #tpu.memory_space<vmem>>, vector<1x128xf32>
    %add3A_361 = arith.addf %add3A_357, %get3A_360 : vector<1x128xf32>
    %swap3A_362 = arith.constant 25 : index
    %swap3A_363 = arith.constant 0 : index
    %swap3A_364 = vector.load %arg3[%swap3A_362, %swap3A_363] : memref<64x128xf32, #tpu.memory_space<vmem>>, vector<1x128xf32>
    tpu.vector_store %arg3[%swap3A_362, %swap3A_363], %add3A_361 {strides = array<i32>} : memref<64x128xf32, #tpu.memory_space<vmem>>, vector<1x128xf32>,
    %get3A_365 = arith.constant 2 : index
    %get3A_366 = arith.constant 0 : index
    %get3A_367 = vector.load %arg0[%get3A_365, %get3A_366] : memref<5x128xf32, #tpu.memory_space<vmem>>, vector<1x128xf32>
    %get3A_368 = arith.constant 1 : index
    %get3A_369 = arith.constant 0 : index
    %get3A_370 = vector.load %arg1[%get3A_368, %get3A_369] : memref<6x128xf32, #tpu.memory_space<vmem>>, vector<1x128xf32>
    %add3A_371 = arith.addf %get3A_367, %get3A_370 : vector<1x128xf32>
    %get3A_372 = arith.constant 0 : index
    %get3A_373 = arith.constant 0 : index
    %get3A_374 = vector.load %arg2[%get3A_372, %get3A_373] : memref<2x128xf32, #tpu.memory_space<vmem>>, vector<1x128xf32>
    %add3A_375 = arith.addf %add3A_371, %get3A_374 : vector<1x128xf32>
    %swap3A_376 = arith.constant 26 : index
    %swap3A_377 = arith.constant 0 : index
    %swap3A_378 = vector.load %arg3[%swap3A_376, %swap3A_377] : memref<64x128xf32, #tpu.memory_space<vmem>>, vector<1x128xf32>
    tpu.vector_store %arg3[%swap3A_376, %swap3A_377], %add3A_375 {strides = array<i32>} : memref<64x128xf32, #tpu.memory_space<vmem>>, vector<1x128xf32>,
    %get3A_379 = arith.constant 2 : index
    %get3A_380 = arith.constant 0 : index
    %get3A_381 = vector.load %arg0[%get3A_379, %get3A_380] : memref<5x128xf32, #tpu.memory_space<vmem>>, vector<1x128xf32>
    %get3A_382 = arith.constant 1 : index
    %get3A_383 = arith.constant 0 : index
    %get3A_384 = vector.load %arg1[%get3A_382, %get3A_383] : memref<6x128xf32, #tpu.memory_space<vmem>>, vector<1x128xf32>
    %add3A_385 = arith.addf %get3A_381, %get3A_384 : vector<1x128xf32>
    %get3A_386 = arith.constant 1 : index
    %get3A_387 = arith.constant 0 : index
    %get3A_388 = vector.load %arg2[%get3A_386, %get3A_387] : memref<2x128xf32, #tpu.memory_space<vmem>>, vector<1x128xf32>
    %add3A_389 = arith.addf %add3A_385, %get3A_388 : vector<1x128xf32>
    %swap3A_390 = arith.constant 27 : index
    %swap3A_391 = arith.constant 0 : index
    %swap3A_392 = vector.load %arg3[%swap3A_390, %swap3A_391] : memref<64x128xf32, #tpu.memory_space<vmem>>, vector<1x128xf32>
    tpu.vector_store %arg3[%swap3A_390, %swap3A_391], %add3A_389 {strides = array<i32>} : memref<64x128xf32, #tpu.memory_space<vmem>>, vector<1x128xf32>,
    %get3A_393 = arith.constant 2 : index
    %get3A_394 = arith.constant 0 : index
    %get3A_395 = vector.load %arg0[%get3A_393, %get3A_394] : memref<5x128xf32, #tpu.memory_space<vmem>>, vector<1x128xf32>
    %get3A_396 = arith.constant 2 : index
    %get3A_397 = arith.constant 0 : index
    %get3A_398 = vector.load %arg1[%get3A_396, %get3A_397] : memref<6x128xf32, #tpu.memory_space<vmem>>, vector<1x128xf32>
    %add3A_399 = arith.addf %get3A_395, %get3A_398 : vector<1x128xf32>
    %get3A_400 = arith.constant 0 : index
    %get3A_401 = arith.constant 0 : index
    %get3A_402 = vector.load %arg2[%get3A_400, %get3A_401] : memref<2x128xf32, #tpu.memory_space<vmem>>, vector<1x128xf32>
    %add3A_403 = arith.addf %add3A_399, %get3A_402 : vector<1x128xf32>
    %swap3A_404 = arith.constant 28 : index
    %swap3A_405 = arith.constant 0 : index
    %swap3A_406 = vector.load %arg3[%swap3A_404, %swap3A_405] : memref<64x128xf32, #tpu.memory_space<vmem>>, vector<1x128xf32>
    tpu.vector_store %arg3[%swap3A_404, %swap3A_405], %add3A_403 {strides = array<i32>} : memref<64x128xf32, #tpu.memory_space<vmem>>, vector<1x128xf32>,
    %get3A_407 = arith.constant 2 : index
    %get3A_408 = arith.constant 0 : index
    %get3A_409 = vector.load %arg0[%get3A_407, %get3A_408] : memref<5x128xf32, #tpu.memory_space<vmem>>, vector<1x128xf32>
    %get3A_410 = arith.constant 2 : index
    %get3A_411 = arith.constant 0 : index
    %get3A_412 = vector.load %arg1[%get3A_410, %get3A_411] : memref<6x128xf32, #tpu.memory_space<vmem>>, vector<1x128xf32>
    %add3A_413 = arith.addf %get3A_409, %get3A_412 : vector<1x128xf32>
    %get3A_414 = arith.constant 1 : index
    %get3A_415 = arith.constant 0 : index
    %get3A_416 = vector.load %arg2[%get3A_414, %get3A_415] : memref<2x128xf32, #tpu.memory_space<vmem>>, vector<1x128xf32>
    %add3A_417 = arith.addf %add3A_413, %get3A_416 : vector<1x128xf32>
    %swap3A_418 = arith.constant 29 : index
    %swap3A_419 = arith.constant 0 : index
    %swap3A_420 = vector.load %arg3[%swap3A_418, %swap3A_419] : memref<64x128xf32, #tpu.memory_space<vmem>>, vector<1x128xf32>
    tpu.vector_store %arg3[%swap3A_418, %swap3A_419], %add3A_417 {strides = array<i32>} : memref<64x128xf32, #tpu.memory_space<vmem>>, vector<1x128xf32>,
    %get3A_421 = arith.constant 2 : index
    %get3A_422 = arith.constant 0 : index
    %get3A_423 = vector.load %arg0[%get3A_421, %get3A_422] : memref<5x128xf32, #tpu.memory_space<vmem>>, vector<1x128xf32>
    %get3A_424 = arith.constant 3 : index
    %get3A_425 = arith.constant 0 : index
    %get3A_426 = vector.load %arg1[%get3A_424, %get3A_425] : memref<6x128xf32, #tpu.memory_space<vmem>>, vector<1x128xf32>
    %add3A_427 = arith.addf %get3A_423, %get3A_426 : vector<1x128xf32>
    %get3A_428 = arith.constant 0 : index
    %get3A_429 = arith.constant 0 : index
    %get3A_430 = vector.load %arg2[%get3A_428, %get3A_429] : memref<2x128xf32, #tpu.memory_space<vmem>>, vector<1x128xf32>
    %add3A_431 = arith.addf %add3A_427, %get3A_430 : vector<1x128xf32>
    %swap3A_432 = arith.constant 30 : index
    %swap3A_433 = arith.constant 0 : index
    %swap3A_434 = vector.load %arg3[%swap3A_432, %swap3A_433] : memref<64x128xf32, #tpu.memory_space<vmem>>, vector<1x128xf32>
    tpu.vector_store %arg3[%swap3A_432, %swap3A_433], %add3A_431 {strides = array<i32>} : memref<64x128xf32, #tpu.memory_space<vmem>>, vector<1x128xf32>,
    %get3A_435 = arith.constant 2 : index
    %get3A_436 = arith.constant 0 : index
    %get3A_437 = vector.load %arg0[%get3A_435, %get3A_436] : memref<5x128xf32, #tpu.memory_space<vmem>>, vector<1x128xf32>
    %get3A_438 = arith.constant 3 : index
    %get3A_439 = arith.constant 0 : index
    %get3A_440 = vector.load %arg1[%get3A_438, %get3A_439] : memref<6x128xf32, #tpu.memory_space<vmem>>, vector<1x128xf32>
    %add3A_441 = arith.addf %get3A_437, %get3A_440 : vector<1x128xf32>
    %get3A_442 = arith.constant 1 : index
    %get3A_443 = arith.constant 0 : index
    %get3A_444 = vector.load %arg2[%get3A_442, %get3A_443] : memref<2x128xf32, #tpu.memory_space<vmem>>, vector<1x128xf32>
    %add3A_445 = arith.addf %add3A_441, %get3A_444 : vector<1x128xf32>
    %swap3A_446 = arith.constant 31 : index
    %swap3A_447 = arith.constant 0 : index
    %swap3A_448 = vector.load %arg3[%swap3A_446, %swap3A_447] : memref<64x128xf32, #tpu.memory_space<vmem>>, vector<1x128xf32>
    tpu.vector_store %arg3[%swap3A_446, %swap3A_447], %add3A_445 {strides = array<i32>} : memref<64x128xf32, #tpu.memory_space<vmem>>, vector<1x128xf32>,
    %get3A_449 = arith.constant 2 : index
    %get3A_450 = arith.constant 0 : index
    %get3A_451 = vector.load %arg0[%get3A_449, %get3A_450] : memref<5x128xf32, #tpu.memory_space<vmem>>, vector<1x128xf32>
    %get3A_452 = arith.constant 4 : index
    %get3A_453 = arith.constant 0 : index
    %get3A_454 = vector.load %arg1[%get3A_452, %get3A_453] : memref<6x128xf32, #tpu.memory_space<vmem>>, vector<1x128xf32>
    %add3A_455 = arith.addf %get3A_451, %get3A_454 : vector<1x128xf32>
    %get3A_456 = arith.constant 0 : index
    %get3A_457 = arith.constant 0 : index
    %get3A_458 = vector.load %arg2[%get3A_456, %get3A_457] : memref<2x128xf32, #tpu.memory_space<vmem>>, vector<1x128xf32>
    %add3A_459 = arith.addf %add3A_455, %get3A_458 : vector<1x128xf32>
    %swap3A_460 = arith.constant 32 : index
    %swap3A_461 = arith.constant 0 : index
    %swap3A_462 = vector.load %arg3[%swap3A_460, %swap3A_461] : memref<64x128xf32, #tpu.memory_space<vmem>>, vector<1x128xf32>
    tpu.vector_store %arg3[%swap3A_460, %swap3A_461], %add3A_459 {strides = array<i32>} : memref<64x128xf32, #tpu.memory_space<vmem>>, vector<1x128xf32>,
    %get3A_463 = arith.constant 2 : index
    %get3A_464 = arith.constant 0 : index
    %get3A_465 = vector.load %arg0[%get3A_463, %get3A_464] : memref<5x128xf32, #tpu.memory_space<vmem>>, vector<1x128xf32>
    %get3A_466 = arith.constant 4 : index
    %get3A_467 = arith.constant 0 : index
    %get3A_468 = vector.load %arg1[%get3A_466, %get3A_467] : memref<6x128xf32, #tpu.memory_space<vmem>>, vector<1x128xf32>
    %add3A_469 = arith.addf %get3A_465, %get3A_468 : vector<1x128xf32>
    %get3A_470 = arith.constant 1 : index
    %get3A_471 = arith.constant 0 : index
    %get3A_472 = vector.load %arg2[%get3A_470, %get3A_471] : memref<2x128xf32, #tpu.memory_space<vmem>>, vector<1x128xf32>
    %add3A_473 = arith.addf %add3A_469, %get3A_472 : vector<1x128xf32>
    %swap3A_474 = arith.constant 33 : index
    %swap3A_475 = arith.constant 0 : index
    %swap3A_476 = vector.load %arg3[%swap3A_474, %swap3A_475] : memref<64x128xf32, #tpu.memory_space<vmem>>, vector<1x128xf32>
    tpu.vector_store %arg3[%swap3A_474, %swap3A_475], %add3A_473 {strides = array<i32>} : memref<64x128xf32, #tpu.memory_space<vmem>>, vector<1x128xf32>,
    %get3A_477 = arith.constant 2 : index
    %get3A_478 = arith.constant 0 : index
    %get3A_479 = vector.load %arg0[%get3A_477, %get3A_478] : memref<5x128xf32, #tpu.memory_space<vmem>>, vector<1x128xf32>
    %get3A_480 = arith.constant 5 : index
    %get3A_481 = arith.constant 0 : index
    %get3A_482 = vector.load %arg1[%get3A_480, %get3A_481] : memref<6x128xf32, #tpu.memory_space<vmem>>, vector<1x128xf32>
    %add3A_483 = arith.addf %get3A_479, %get3A_482 : vector<1x128xf32>
    %get3A_484 = arith.constant 0 : index
    %get3A_485 = arith.constant 0 : index
    %get3A_486 = vector.load %arg2[%get3A_484, %get3A_485] : memref<2x128xf32, #tpu.memory_space<vmem>>, vector<1x128xf32>
    %add3A_487 = arith.addf %add3A_483, %get3A_486 : vector<1x128xf32>
    %swap3A_488 = arith.constant 34 : index
    %swap3A_489 = arith.constant 0 : index
    %swap3A_490 = vector.load %arg3[%swap3A_488, %swap3A_489] : memref<64x128xf32, #tpu.memory_space<vmem>>, vector<1x128xf32>
    tpu.vector_store %arg3[%swap3A_488, %swap3A_489], %add3A_487 {strides = array<i32>} : memref<64x128xf32, #tpu.memory_space<vmem>>, vector<1x128xf32>,
    %get3A_491 = arith.constant 2 : index
    %get3A_492 = arith.constant 0 : index
    %get3A_493 = vector.load %arg0[%get3A_491, %get3A_492] : memref<5x128xf32, #tpu.memory_space<vmem>>, vector<1x128xf32>
    %get3A_494 = arith.constant 5 : index
    %get3A_495 = arith.constant 0 : index
    %get3A_496 = vector.load %arg1[%get3A_494, %get3A_495] : memref<6x128xf32, #tpu.memory_space<vmem>>, vector<1x128xf32>
    %add3A_497 = arith.addf %get3A_493, %get3A_496 : vector<1x128xf32>
    %get3A_498 = arith.constant 1 : index
    %get3A_499 = arith.constant 0 : index
    %get3A_500 = vector.load %arg2[%get3A_498, %get3A_499] : memref<2x128xf32, #tpu.memory_space<vmem>>, vector<1x128xf32>
    %add3A_501 = arith.addf %add3A_497, %get3A_500 : vector<1x128xf32>
    %swap3A_502 = arith.constant 35 : index
    %swap3A_503 = arith.constant 0 : index
    %swap3A_504 = vector.load %arg3[%swap3A_502, %swap3A_503] : memref<64x128xf32, #tpu.memory_space<vmem>>, vector<1x128xf32>
    tpu.vector_store %arg3[%swap3A_502, %swap3A_503], %add3A_501 {strides = array<i32>} : memref<64x128xf32, #tpu.memory_space<vmem>>, vector<1x128xf32>,
    %get3A_505 = arith.constant 3 : index
    %get3A_506 = arith.constant 0 : index
    %get3A_507 = vector.load %arg0[%get3A_505, %get3A_506] : memref<5x128xf32, #tpu.memory_space<vmem>>, vector<1x128xf32>
    %get3A_508 = arith.constant 0 : index
    %get3A_509 = arith.constant 0 : index
    %get3A_510 = vector.load %arg1[%get3A_508, %get3A_509] : memref<6x128xf32, #tpu.memory_space<vmem>>, vector<1x128xf32>
    %add3A_511 = arith.addf %get3A_507, %get3A_510 : vector<1x128xf32>
    %get3A_512 = arith.constant 0 : index
    %get3A_513 = arith.constant 0 : index
    %get3A_514 = vector.load %arg2[%get3A_512, %get3A_513] : memref<2x128xf32, #tpu.memory_space<vmem>>, vector<1x128xf32>
    %add3A_515 = arith.addf %add3A_511, %get3A_514 : vector<1x128xf32>
    %swap3A_516 = arith.constant 36 : index
    %swap3A_517 = arith.constant 0 : index
    %swap3A_518 = vector.load %arg3[%swap3A_516, %swap3A_517] : memref<64x128xf32, #tpu.memory_space<vmem>>, vector<1x128xf32>
    tpu.vector_store %arg3[%swap3A_516, %swap3A_517], %add3A_515 {strides = array<i32>} : memref<64x128xf32, #tpu.memory_space<vmem>>, vector<1x128xf32>,
    %get3A_519 = arith.constant 3 : index
    %get3A_520 = arith.constant 0 : index
    %get3A_521 = vector.load %arg0[%get3A_519, %get3A_520] : memref<5x128xf32, #tpu.memory_space<vmem>>, vector<1x128xf32>
    %get3A_522 = arith.constant 0 : index
    %get3A_523 = arith.constant 0 : index
    %get3A_524 = vector.load %arg1[%get3A_522, %get3A_523] : memref<6x128xf32, #tpu.memory_space<vmem>>, vector<1x128xf32>
    %add3A_525 = arith.addf %get3A_521, %get3A_524 : vector<1x128xf32>
    %get3A_526 = arith.constant 1 : index
    %get3A_527 = arith.constant 0 : index
    %get3A_528 = vector.load %arg2[%get3A_526, %get3A_527] : memref<2x128xf32, #tpu.memory_space<vmem>>, vector<1x128xf32>
    %add3A_529 = arith.addf %add3A_525, %get3A_528 : vector<1x128xf32>
    %swap3A_530 = arith.constant 37 : index
    %swap3A_531 = arith.constant 0 : index
    %swap3A_532 = vector.load %arg3[%swap3A_530, %swap3A_531] : memref<64x128xf32, #tpu.memory_space<vmem>>, vector<1x128xf32>
    tpu.vector_store %arg3[%swap3A_530, %swap3A_531], %add3A_529 {strides = array<i32>} : memref<64x128xf32, #tpu.memory_space<vmem>>, vector<1x128xf32>,
    %get3A_533 = arith.constant 3 : index
    %get3A_534 = arith.constant 0 : index
    %get3A_535 = vector.load %arg0[%get3A_533, %get3A_534] : memref<5x128xf32, #tpu.memory_space<vmem>>, vector<1x128xf32>
    %get3A_536 = arith.constant 1 : index
    %get3A_537 = arith.constant 0 : index
    %get3A_538 = vector.load %arg1[%get3A_536, %get3A_537] : memref<6x128xf32, #tpu.memory_space<vmem>>, vector<1x128xf32>
    %add3A_539 = arith.addf %get3A_535, %get3A_538 : vector<1x128xf32>
    %get3A_540 = arith.constant 0 : index
    %get3A_541 = arith.constant 0 : index
    %get3A_542 = vector.load %arg2[%get3A_540, %get3A_541] : memref<2x128xf32, #tpu.memory_space<vmem>>, vector<1x128xf32>
    %add3A_543 = arith.addf %add3A_539, %get3A_542 : vector<1x128xf32>
    %swap3A_544 = arith.constant 38 : index
    %swap3A_545 = arith.constant 0 : index
    %swap3A_546 = vector.load %arg3[%swap3A_544, %swap3A_545] : memref<64x128xf32, #tpu.memory_space<vmem>>, vector<1x128xf32>
    tpu.vector_store %arg3[%swap3A_544, %swap3A_545], %add3A_543 {strides = array<i32>} : memref<64x128xf32, #tpu.memory_space<vmem>>, vector<1x128xf32>,
    %get3A_547 = arith.constant 3 : index
    %get3A_548 = arith.constant 0 : index
    %get3A_549 = vector.load %arg0[%get3A_547, %get3A_548] : memref<5x128xf32, #tpu.memory_space<vmem>>, vector<1x128xf32>
    %get3A_550 = arith.constant 1 : index
    %get3A_551 = arith.constant 0 : index
    %get3A_552 = vector.load %arg1[%get3A_550, %get3A_551] : memref<6x128xf32, #tpu.memory_space<vmem>>, vector<1x128xf32>
    %add3A_553 = arith.addf %get3A_549, %get3A_552 : vector<1x128xf32>
    %get3A_554 = arith.constant 1 : index
    %get3A_555 = arith.constant 0 : index
    %get3A_556 = vector.load %arg2[%get3A_554, %get3A_555] : memref<2x128xf32, #tpu.memory_space<vmem>>, vector<1x128xf32>
    %add3A_557 = arith.addf %add3A_553, %get3A_556 : vector<1x128xf32>
    %swap3A_558 = arith.constant 39 : index
    %swap3A_559 = arith.constant 0 : index
    %swap3A_560 = vector.load %arg3[%swap3A_558, %swap3A_559] : memref<64x128xf32, #tpu.memory_space<vmem>>, vector<1x128xf32>
    tpu.vector_store %arg3[%swap3A_558, %swap3A_559], %add3A_557 {strides = array<i32>} : memref<64x128xf32, #tpu.memory_space<vmem>>, vector<1x128xf32>,
    %get3A_561 = arith.constant 3 : index
    %get3A_562 = arith.constant 0 : index
    %get3A_563 = vector.load %arg0[%get3A_561, %get3A_562] : memref<5x128xf32, #tpu.memory_space<vmem>>, vector<1x128xf32>
    %get3A_564 = arith.constant 2 : index
    %get3A_565 = arith.constant 0 : index
    %get3A_566 = vector.load %arg1[%get3A_564, %get3A_565] : memref<6x128xf32, #tpu.memory_space<vmem>>, vector<1x128xf32>
    %add3A_567 = arith.addf %get3A_563, %get3A_566 : vector<1x128xf32>
    %get3A_568 = arith.constant 0 : index
    %get3A_569 = arith.constant 0 : index
    %get3A_570 = vector.load %arg2[%get3A_568, %get3A_569] : memref<2x128xf32, #tpu.memory_space<vmem>>, vector<1x128xf32>
    %add3A_571 = arith.addf %add3A_567, %get3A_570 : vector<1x128xf32>
    %swap3A_572 = arith.constant 40 : index
    %swap3A_573 = arith.constant 0 : index
    %swap3A_574 = vector.load %arg3[%swap3A_572, %swap3A_573] : memref<64x128xf32, #tpu.memory_space<vmem>>, vector<1x128xf32>
    tpu.vector_store %arg3[%swap3A_572, %swap3A_573], %add3A_571 {strides = array<i32>} : memref<64x128xf32, #tpu.memory_space<vmem>>, vector<1x128xf32>,
    %get3A_575 = arith.constant 3 : index
    %get3A_576 = arith.constant 0 : index
    %get3A_577 = vector.load %arg0[%get3A_575, %get3A_576] : memref<5x128xf32, #tpu.memory_space<vmem>>, vector<1x128xf32>
    %get3A_578 = arith.constant 2 : index
    %get3A_579 = arith.constant 0 : index
    %get3A_580 = vector.load %arg1[%get3A_578, %get3A_579] : memref<6x128xf32, #tpu.memory_space<vmem>>, vector<1x128xf32>
    %add3A_581 = arith.addf %get3A_577, %get3A_580 : vector<1x128xf32>
    %get3A_582 = arith.constant 1 : index
    %get3A_583 = arith.constant 0 : index
    %get3A_584 = vector.load %arg2[%get3A_582, %get3A_583] : memref<2x128xf32, #tpu.memory_space<vmem>>, vector<1x128xf32>
    %add3A_585 = arith.addf %add3A_581, %get3A_584 : vector<1x128xf32>
    %swap3A_586 = arith.constant 41 : index
    %swap3A_587 = arith.constant 0 : index
    %swap3A_588 = vector.load %arg3[%swap3A_586, %swap3A_587] : memref<64x128xf32, #tpu.memory_space<vmem>>, vector<1x128xf32>
    tpu.vector_store %arg3[%swap3A_586, %swap3A_587], %add3A_585 {strides = array<i32>} : memref<64x128xf32, #tpu.memory_space<vmem>>, vector<1x128xf32>,
    %get3A_589 = arith.constant 3 : index
    %get3A_590 = arith.constant 0 : index
    %get3A_591 = vector.load %arg0[%get3A_589, %get3A_590] : memref<5x128xf32, #tpu.memory_space<vmem>>, vector<1x128xf32>
    %get3A_592 = arith.constant 3 : index
    %get3A_593 = arith.constant 0 : index
    %get3A_594 = vector.load %arg1[%get3A_592, %get3A_593] : memref<6x128xf32, #tpu.memory_space<vmem>>, vector<1x128xf32>
    %add3A_595 = arith.addf %get3A_591, %get3A_594 : vector<1x128xf32>
    %get3A_596 = arith.constant 0 : index
    %get3A_597 = arith.constant 0 : index
    %get3A_598 = vector.load %arg2[%get3A_596, %get3A_597] : memref<2x128xf32, #tpu.memory_space<vmem>>, vector<1x128xf32>
    %add3A_599 = arith.addf %add3A_595, %get3A_598 : vector<1x128xf32>
    %swap3A_600 = arith.constant 42 : index
    %swap3A_601 = arith.constant 0 : index
    %swap3A_602 = vector.load %arg3[%swap3A_600, %swap3A_601] : memref<64x128xf32, #tpu.memory_space<vmem>>, vector<1x128xf32>
    tpu.vector_store %arg3[%swap3A_600, %swap3A_601], %add3A_599 {strides = array<i32>} : memref<64x128xf32, #tpu.memory_space<vmem>>, vector<1x128xf32>,
    %get3A_603 = arith.constant 3 : index
    %get3A_604 = arith.constant 0 : index
    %get3A_605 = vector.load %arg0[%get3A_603, %get3A_604] : memref<5x128xf32, #tpu.memory_space<vmem>>, vector<1x128xf32>
    %get3A_606 = arith.constant 3 : index
    %get3A_607 = arith.constant 0 : index
    %get3A_608 = vector.load %arg1[%get3A_606, %get3A_607] : memref<6x128xf32, #tpu.memory_space<vmem>>, vector<1x128xf32>
    %add3A_609 = arith.addf %get3A_605, %get3A_608 : vector<1x128xf32>
    %get3A_610 = arith.constant 1 : index
    %get3A_611 = arith.constant 0 : index
    %get3A_612 = vector.load %arg2[%get3A_610, %get3A_611] : memref<2x128xf32, #tpu.memory_space<vmem>>, vector<1x128xf32>
    %add3A_613 = arith.addf %add3A_609, %get3A_612 : vector<1x128xf32>
    %swap3A_614 = arith.constant 43 : index
    %swap3A_615 = arith.constant 0 : index
    %swap3A_616 = vector.load %arg3[%swap3A_614, %swap3A_615] : memref<64x128xf32, #tpu.memory_space<vmem>>, vector<1x128xf32>
    tpu.vector_store %arg3[%swap3A_614, %swap3A_615], %add3A_613 {strides = array<i32>} : memref<64x128xf32, #tpu.memory_space<vmem>>, vector<1x128xf32>,
    %get3A_617 = arith.constant 3 : index
    %get3A_618 = arith.constant 0 : index
    %get3A_619 = vector.load %arg0[%get3A_617, %get3A_618] : memref<5x128xf32, #tpu.memory_space<vmem>>, vector<1x128xf32>
    %get3A_620 = arith.constant 4 : index
    %get3A_621 = arith.constant 0 : index
    %get3A_622 = vector.load %arg1[%get3A_620, %get3A_621] : memref<6x128xf32, #tpu.memory_space<vmem>>, vector<1x128xf32>
    %add3A_623 = arith.addf %get3A_619, %get3A_622 : vector<1x128xf32>
    %get3A_624 = arith.constant 0 : index
    %get3A_625 = arith.constant 0 : index
    %get3A_626 = vector.load %arg2[%get3A_624, %get3A_625] : memref<2x128xf32, #tpu.memory_space<vmem>>, vector<1x128xf32>
    %add3A_627 = arith.addf %add3A_623, %get3A_626 : vector<1x128xf32>
    %swap3A_628 = arith.constant 44 : index
    %swap3A_629 = arith.constant 0 : index
    %swap3A_630 = vector.load %arg3[%swap3A_628, %swap3A_629] : memref<64x128xf32, #tpu.memory_space<vmem>>, vector<1x128xf32>
    tpu.vector_store %arg3[%swap3A_628, %swap3A_629], %add3A_627 {strides = array<i32>} : memref<64x128xf32, #tpu.memory_space<vmem>>, vector<1x128xf32>,
    %get3A_631 = arith.constant 3 : index
    %get3A_632 = arith.constant 0 : index
    %get3A_633 = vector.load %arg0[%get3A_631, %get3A_632] : memref<5x128xf32, #tpu.memory_space<vmem>>, vector<1x128xf32>
    %get3A_634 = arith.constant 4 : index
    %get3A_635 = arith.constant 0 : index
    %get3A_636 = vector.load %arg1[%get3A_634, %get3A_635] : memref<6x128xf32, #tpu.memory_space<vmem>>, vector<1x128xf32>
    %add3A_637 = arith.addf %get3A_633, %get3A_636 : vector<1x128xf32>
    %get3A_638 = arith.constant 1 : index
    %get3A_639 = arith.constant 0 : index
    %get3A_640 = vector.load %arg2[%get3A_638, %get3A_639] : memref<2x128xf32, #tpu.memory_space<vmem>>, vector<1x128xf32>
    %add3A_641 = arith.addf %add3A_637, %get3A_640 : vector<1x128xf32>
    %swap3A_642 = arith.constant 45 : index
    %swap3A_643 = arith.constant 0 : index
    %swap3A_644 = vector.load %arg3[%swap3A_642, %swap3A_643] : memref<64x128xf32, #tpu.memory_space<vmem>>, vector<1x128xf32>
    tpu.vector_store %arg3[%swap3A_642, %swap3A_643], %add3A_641 {strides = array<i32>} : memref<64x128xf32, #tpu.memory_space<vmem>>, vector<1x128xf32>,
    %get3A_645 = arith.constant 3 : index
    %get3A_646 = arith.constant 0 : index
    %get3A_647 = vector.load %arg0[%get3A_645, %get3A_646] : memref<5x128xf32, #tpu.memory_space<vmem>>, vector<1x128xf32>
    %get3A_648 = arith.constant 5 : index
    %get3A_649 = arith.constant 0 : index
    %get3A_650 = vector.load %arg1[%get3A_648, %get3A_649] : memref<6x128xf32, #tpu.memory_space<vmem>>, vector<1x128xf32>
    %add3A_651 = arith.addf %get3A_647, %get3A_650 : vector<1x128xf32>
    %get3A_652 = arith.constant 0 : index
    %get3A_653 = arith.constant 0 : index
    %get3A_654 = vector.load %arg2[%get3A_652, %get3A_653] : memref<2x128xf32, #tpu.memory_space<vmem>>, vector<1x128xf32>
    %add3A_655 = arith.addf %add3A_651, %get3A_654 : vector<1x128xf32>
    %swap3A_656 = arith.constant 46 : index
    %swap3A_657 = arith.constant 0 : index
    %swap3A_658 = vector.load %arg3[%swap3A_656, %swap3A_657] : memref<64x128xf32, #tpu.memory_space<vmem>>, vector<1x128xf32>
    tpu.vector_store %arg3[%swap3A_656, %swap3A_657], %add3A_655 {strides = array<i32>} : memref<64x128xf32, #tpu.memory_space<vmem>>, vector<1x128xf32>,
    %get3A_659 = arith.constant 3 : index
    %get3A_660 = arith.constant 0 : index
    %get3A_661 = vector.load %arg0[%get3A_659, %get3A_660] : memref<5x128xf32, #tpu.memory_space<vmem>>, vector<1x128xf32>
    %get3A_662 = arith.constant 5 : index
    %get3A_663 = arith.constant 0 : index
    %get3A_664 = vector.load %arg1[%get3A_662, %get3A_663] : memref<6x128xf32, #tpu.memory_space<vmem>>, vector<1x128xf32>
    %add3A_665 = arith.addf %get3A_661, %get3A_664 : vector<1x128xf32>
    %get3A_666 = arith.constant 1 : index
    %get3A_667 = arith.constant 0 : index
    %get3A_668 = vector.load %arg2[%get3A_666, %get3A_667] : memref<2x128xf32, #tpu.memory_space<vmem>>, vector<1x128xf32>
    %add3A_669 = arith.addf %add3A_665, %get3A_668 : vector<1x128xf32>
    %swap3A_670 = arith.constant 47 : index
    %swap3A_671 = arith.constant 0 : index
    %swap3A_672 = vector.load %arg3[%swap3A_670, %swap3A_671] : memref<64x128xf32, #tpu.memory_space<vmem>>, vector<1x128xf32>
    tpu.vector_store %arg3[%swap3A_670, %swap3A_671], %add3A_669 {strides = array<i32>} : memref<64x128xf32, #tpu.memory_space<vmem>>, vector<1x128xf32>,
    %get3A_673 = arith.constant 4 : index
    %get3A_674 = arith.constant 0 : index
    %get3A_675 = vector.load %arg0[%get3A_673, %get3A_674] : memref<5x128xf32, #tpu.memory_space<vmem>>, vector<1x128xf32>
    %get3A_676 = arith.constant 0 : index
    %get3A_677 = arith.constant 0 : index
    %get3A_678 = vector.load %arg1[%get3A_676, %get3A_677] : memref<6x128xf32, #tpu.memory_space<vmem>>, vector<1x128xf32>
    %add3A_679 = arith.addf %get3A_675, %get3A_678 : vector<1x128xf32>
    %get3A_680 = arith.constant 0 : index
    %get3A_681 = arith.constant 0 : index
    %get3A_682 = vector.load %arg2[%get3A_680, %get3A_681] : memref<2x128xf32, #tpu.memory_space<vmem>>, vector<1x128xf32>
    %add3A_683 = arith.addf %add3A_679, %get3A_682 : vector<1x128xf32>
    %swap3A_684 = arith.constant 48 : index
    %swap3A_685 = arith.constant 0 : index
    %swap3A_686 = vector.load %arg3[%swap3A_684, %swap3A_685] : memref<64x128xf32, #tpu.memory_space<vmem>>, vector<1x128xf32>
    tpu.vector_store %arg3[%swap3A_684, %swap3A_685], %add3A_683 {strides = array<i32>} : memref<64x128xf32, #tpu.memory_space<vmem>>, vector<1x128xf32>,
    %get3A_687 = arith.constant 4 : index
    %get3A_688 = arith.constant 0 : index
    %get3A_689 = vector.load %arg0[%get3A_687, %get3A_688] : memref<5x128xf32, #tpu.memory_space<vmem>>, vector<1x128xf32>
    %get3A_690 = arith.constant 0 : index
    %get3A_691 = arith.constant 0 : index
    %get3A_692 = vector.load %arg1[%get3A_690, %get3A_691] : memref<6x128xf32, #tpu.memory_space<vmem>>, vector<1x128xf32>
    %add3A_693 = arith.addf %get3A_689, %get3A_692 : vector<1x128xf32>
    %get3A_694 = arith.constant 1 : index
    %get3A_695 = arith.constant 0 : index
    %get3A_696 = vector.load %arg2[%get3A_694, %get3A_695] : memref<2x128xf32, #tpu.memory_space<vmem>>, vector<1x128xf32>
    %add3A_697 = arith.addf %add3A_693, %get3A_696 : vector<1x128xf32>
    %swap3A_698 = arith.constant 49 : index
    %swap3A_699 = arith.constant 0 : index
    %swap3A_700 = vector.load %arg3[%swap3A_698, %swap3A_699] : memref<64x128xf32, #tpu.memory_space<vmem>>, vector<1x128xf32>
    tpu.vector_store %arg3[%swap3A_698, %swap3A_699], %add3A_697 {strides = array<i32>} : memref<64x128xf32, #tpu.memory_space<vmem>>, vector<1x128xf32>,
    %get3A_701 = arith.constant 4 : index
    %get3A_702 = arith.constant 0 : index
    %get3A_703 = vector.load %arg0[%get3A_701, %get3A_702] : memref<5x128xf32, #tpu.memory_space<vmem>>, vector<1x128xf32>
    %get3A_704 = arith.constant 1 : index
    %get3A_705 = arith.constant 0 : index
    %get3A_706 = vector.load %arg1[%get3A_704, %get3A_705] : memref<6x128xf32, #tpu.memory_space<vmem>>, vector<1x128xf32>
    %add3A_707 = arith.addf %get3A_703, %get3A_706 : vector<1x128xf32>
    %get3A_708 = arith.constant 0 : index
    %get3A_709 = arith.constant 0 : index
    %get3A_710 = vector.load %arg2[%get3A_708, %get3A_709] : memref<2x128xf32, #tpu.memory_space<vmem>>, vector<1x128xf32>
    %add3A_711 = arith.addf %add3A_707, %get3A_710 : vector<1x128xf32>
    %swap3A_712 = arith.constant 50 : index
    %swap3A_713 = arith.constant 0 : index
    %swap3A_714 = vector.load %arg3[%swap3A_712, %swap3A_713] : memref<64x128xf32, #tpu.memory_space<vmem>>, vector<1x128xf32>
    tpu.vector_store %arg3[%swap3A_712, %swap3A_713], %add3A_711 {strides = array<i32>} : memref<64x128xf32, #tpu.memory_space<vmem>>, vector<1x128xf32>,
    %get3A_715 = arith.constant 4 : index
    %get3A_716 = arith.constant 0 : index
    %get3A_717 = vector.load %arg0[%get3A_715, %get3A_716] : memref<5x128xf32, #tpu.memory_space<vmem>>, vector<1x128xf32>
    %get3A_718 = arith.constant 1 : index
    %get3A_719 = arith.constant 0 : index
    %get3A_720 = vector.load %arg1[%get3A_718, %get3A_719] : memref<6x128xf32, #tpu.memory_space<vmem>>, vector<1x128xf32>
    %add3A_721 = arith.addf %get3A_717, %get3A_720 : vector<1x128xf32>
    %get3A_722 = arith.constant 1 : index
    %get3A_723 = arith.constant 0 : index
    %get3A_724 = vector.load %arg2[%get3A_722, %get3A_723] : memref<2x128xf32, #tpu.memory_space<vmem>>, vector<1x128xf32>
    %add3A_725 = arith.addf %add3A_721, %get3A_724 : vector<1x128xf32>
    %swap3A_726 = arith.constant 51 : index
    %swap3A_727 = arith.constant 0 : index
    %swap3A_728 = vector.load %arg3[%swap3A_726, %swap3A_727] : memref<64x128xf32, #tpu.memory_space<vmem>>, vector<1x128xf32>
    tpu.vector_store %arg3[%swap3A_726, %swap3A_727], %add3A_725 {strides = array<i32>} : memref<64x128xf32, #tpu.memory_space<vmem>>, vector<1x128xf32>,
    %get3A_729 = arith.constant 4 : index
    %get3A_730 = arith.constant 0 : index
    %get3A_731 = vector.load %arg0[%get3A_729, %get3A_730] : memref<5x128xf32, #tpu.memory_space<vmem>>, vector<1x128xf32>
    %get3A_732 = arith.constant 2 : index
    %get3A_733 = arith.constant 0 : index
    %get3A_734 = vector.load %arg1[%get3A_732, %get3A_733] : memref<6x128xf32, #tpu.memory_space<vmem>>, vector<1x128xf32>
    %add3A_735 = arith.addf %get3A_731, %get3A_734 : vector<1x128xf32>
    %get3A_736 = arith.constant 0 : index
    %get3A_737 = arith.constant 0 : index
    %get3A_738 = vector.load %arg2[%get3A_736, %get3A_737] : memref<2x128xf32, #tpu.memory_space<vmem>>, vector<1x128xf32>
    %add3A_739 = arith.addf %add3A_735, %get3A_738 : vector<1x128xf32>
    %swap3A_740 = arith.constant 52 : index
    %swap3A_741 = arith.constant 0 : index
    %swap3A_742 = vector.load %arg3[%swap3A_740, %swap3A_741] : memref<64x128xf32, #tpu.memory_space<vmem>>, vector<1x128xf32>
    tpu.vector_store %arg3[%swap3A_740, %swap3A_741], %add3A_739 {strides = array<i32>} : memref<64x128xf32, #tpu.memory_space<vmem>>, vector<1x128xf32>,
    %get3A_743 = arith.constant 4 : index
    %get3A_744 = arith.constant 0 : index
    %get3A_745 = vector.load %arg0[%get3A_743, %get3A_744] : memref<5x128xf32, #tpu.memory_space<vmem>>, vector<1x128xf32>
    %get3A_746 = arith.constant 2 : index
    %get3A_747 = arith.constant 0 : index
    %get3A_748 = vector.load %arg1[%get3A_746, %get3A_747] : memref<6x128xf32, #tpu.memory_space<vmem>>, vector<1x128xf32>
    %add3A_749 = arith.addf %get3A_745, %get3A_748 : vector<1x128xf32>
    %get3A_750 = arith.constant 1 : index
    %get3A_751 = arith.constant 0 : index
    %get3A_752 = vector.load %arg2[%get3A_750, %get3A_751] : memref<2x128xf32, #tpu.memory_space<vmem>>, vector<1x128xf32>
    %add3A_753 = arith.addf %add3A_749, %get3A_752 : vector<1x128xf32>
    %swap3A_754 = arith.constant 53 : index
    %swap3A_755 = arith.constant 0 : index
    %swap3A_756 = vector.load %arg3[%swap3A_754, %swap3A_755] : memref<64x128xf32, #tpu.memory_space<vmem>>, vector<1x128xf32>
    tpu.vector_store %arg3[%swap3A_754, %swap3A_755], %add3A_753 {strides = array<i32>} : memref<64x128xf32, #tpu.memory_space<vmem>>, vector<1x128xf32>,
    %get3A_757 = arith.constant 4 : index
    %get3A_758 = arith.constant 0 : index
    %get3A_759 = vector.load %arg0[%get3A_757, %get3A_758] : memref<5x128xf32, #tpu.memory_space<vmem>>, vector<1x128xf32>
    %get3A_760 = arith.constant 3 : index
    %get3A_761 = arith.constant 0 : index
    %get3A_762 = vector.load %arg1[%get3A_760, %get3A_761] : memref<6x128xf32, #tpu.memory_space<vmem>>, vector<1x128xf32>
    %add3A_763 = arith.addf %get3A_759, %get3A_762 : vector<1x128xf32>
    %get3A_764 = arith.constant 0 : index
    %get3A_765 = arith.constant 0 : index
    %get3A_766 = vector.load %arg2[%get3A_764, %get3A_765] : memref<2x128xf32, #tpu.memory_space<vmem>>, vector<1x128xf32>
    %add3A_767 = arith.addf %add3A_763, %get3A_766 : vector<1x128xf32>
    %swap3A_768 = arith.constant 54 : index
    %swap3A_769 = arith.constant 0 : index
    %swap3A_770 = vector.load %arg3[%swap3A_768, %swap3A_769] : memref<64x128xf32, #tpu.memory_space<vmem>>, vector<1x128xf32>
    tpu.vector_store %arg3[%swap3A_768, %swap3A_769], %add3A_767 {strides = array<i32>} : memref<64x128xf32, #tpu.memory_space<vmem>>, vector<1x128xf32>,
    %get3A_771 = arith.constant 4 : index
    %get3A_772 = arith.constant 0 : index
    %get3A_773 = vector.load %arg0[%get3A_771, %get3A_772] : memref<5x128xf32, #tpu.memory_space<vmem>>, vector<1x128xf32>
    %get3A_774 = arith.constant 3 : index
    %get3A_775 = arith.constant 0 : index
    %get3A_776 = vector.load %arg1[%get3A_774, %get3A_775] : memref<6x128xf32, #tpu.memory_space<vmem>>, vector<1x128xf32>
    %add3A_777 = arith.addf %get3A_773, %get3A_776 : vector<1x128xf32>
    %get3A_778 = arith.constant 1 : index
    %get3A_779 = arith.constant 0 : index
    %get3A_780 = vector.load %arg2[%get3A_778, %get3A_779] : memref<2x128xf32, #tpu.memory_space<vmem>>, vector<1x128xf32>
    %add3A_781 = arith.addf %add3A_777, %get3A_780 : vector<1x128xf32>
    %swap3A_782 = arith.constant 55 : index
    %swap3A_783 = arith.constant 0 : index
    %swap3A_784 = vector.load %arg3[%swap3A_782, %swap3A_783] : memref<64x128xf32, #tpu.memory_space<vmem>>, vector<1x128xf32>
    tpu.vector_store %arg3[%swap3A_782, %swap3A_783], %add3A_781 {strides = array<i32>} : memref<64x128xf32, #tpu.memory_space<vmem>>, vector<1x128xf32>,
    %get3A_785 = arith.constant 4 : index
    %get3A_786 = arith.constant 0 : index
    %get3A_787 = vector.load %arg0[%get3A_785, %get3A_786] : memref<5x128xf32, #tpu.memory_space<vmem>>, vector<1x128xf32>
    %get3A_788 = arith.constant 4 : index
    %get3A_789 = arith.constant 0 : index
    %get3A_790 = vector.load %arg1[%get3A_788, %get3A_789] : memref<6x128xf32, #tpu.memory_space<vmem>>, vector<1x128xf32>
    %add3A_791 = arith.addf %get3A_787, %get3A_790 : vector<1x128xf32>
    %get3A_792 = arith.constant 0 : index
    %get3A_793 = arith.constant 0 : index
    %get3A_794 = vector.load %arg2[%get3A_792, %get3A_793] : memref<2x128xf32, #tpu.memory_space<vmem>>, vector<1x128xf32>
    %add3A_795 = arith.addf %add3A_791, %get3A_794 : vector<1x128xf32>
    %swap3A_796 = arith.constant 56 : index
    %swap3A_797 = arith.constant 0 : index
    %swap3A_798 = vector.load %arg3[%swap3A_796, %swap3A_797] : memref<64x128xf32, #tpu.memory_space<vmem>>, vector<1x128xf32>
    tpu.vector_store %arg3[%swap3A_796, %swap3A_797], %add3A_795 {strides = array<i32>} : memref<64x128xf32, #tpu.memory_space<vmem>>, vector<1x128xf32>,
    %get3A_799 = arith.constant 4 : index
    %get3A_800 = arith.constant 0 : index
    %get3A_801 = vector.load %arg0[%get3A_799, %get3A_800] : memref<5x128xf32, #tpu.memory_space<vmem>>, vector<1x128xf32>
    %get3A_802 = arith.constant 4 : index
    %get3A_803 = arith.constant 0 : index
    %get3A_804 = vector.load %arg1[%get3A_802, %get3A_803] : memref<6x128xf32, #tpu.memory_space<vmem>>, vector<1x128xf32>
    %add3A_805 = arith.addf %get3A_801, %get3A_804 : vector<1x128xf32>
    %get3A_806 = arith.constant 1 : index
    %get3A_807 = arith.constant 0 : index
    %get3A_808 = vector.load %arg2[%get3A_806, %get3A_807] : memref<2x128xf32, #tpu.memory_space<vmem>>, vector<1x128xf32>
    %add3A_809 = arith.addf %add3A_805, %get3A_808 : vector<1x128xf32>
    %swap3A_810 = arith.constant 57 : index
    %swap3A_811 = arith.constant 0 : index
    %swap3A_812 = vector.load %arg3[%swap3A_810, %swap3A_811] : memref<64x128xf32, #tpu.memory_space<vmem>>, vector<1x128xf32>
    tpu.vector_store %arg3[%swap3A_810, %swap3A_811], %add3A_809 {strides = array<i32>} : memref<64x128xf32, #tpu.memory_space<vmem>>, vector<1x128xf32>,
    %get3A_813 = arith.constant 4 : index
    %get3A_814 = arith.constant 0 : index
    %get3A_815 = vector.load %arg0[%get3A_813, %get3A_814] : memref<5x128xf32, #tpu.memory_space<vmem>>, vector<1x128xf32>
    %get3A_816 = arith.constant 5 : index
    %get3A_817 = arith.constant 0 : index
    %get3A_818 = vector.load %arg1[%get3A_816, %get3A_817] : memref<6x128xf32, #tpu.memory_space<vmem>>, vector<1x128xf32>
    %add3A_819 = arith.addf %get3A_815, %get3A_818 : vector<1x128xf32>
    %get3A_820 = arith.constant 0 : index
    %get3A_821 = arith.constant 0 : index
    %get3A_822 = vector.load %arg2[%get3A_820, %get3A_821] : memref<2x128xf32, #tpu.memory_space<vmem>>, vector<1x128xf32>
    %add3A_823 = arith.addf %add3A_819, %get3A_822 : vector<1x128xf32>
    %swap3A_824 = arith.constant 58 : index
    %swap3A_825 = arith.constant 0 : index
    %swap3A_826 = vector.load %arg3[%swap3A_824, %swap3A_825] : memref<64x128xf32, #tpu.memory_space<vmem>>, vector<1x128xf32>
    tpu.vector_store %arg3[%swap3A_824, %swap3A_825], %add3A_823 {strides = array<i32>} : memref<64x128xf32, #tpu.memory_space<vmem>>, vector<1x128xf32>,
    %get3A_827 = arith.constant 4 : index
    %get3A_828 = arith.constant 0 : index
    %get3A_829 = vector.load %arg0[%get3A_827, %get3A_828] : memref<5x128xf32, #tpu.memory_space<vmem>>, vector<1x128xf32>
    %get3A_830 = arith.constant 5 : index
    %get3A_831 = arith.constant 0 : index
    %get3A_832 = vector.load %arg1[%get3A_830, %get3A_831] : memref<6x128xf32, #tpu.memory_space<vmem>>, vector<1x128xf32>
    %add3A_833 = arith.addf %get3A_829, %get3A_832 : vector<1x128xf32>
    %get3A_834 = arith.constant 1 : index
    %get3A_835 = arith.constant 0 : index
    %get3A_836 = vector.load %arg2[%get3A_834, %get3A_835] : memref<2x128xf32, #tpu.memory_space<vmem>>, vector<1x128xf32>
    %add3A_837 = arith.addf %add3A_833, %get3A_836 : vector<1x128xf32>
    %swap3A_838 = arith.constant 59 : index
    %swap3A_839 = arith.constant 0 : index
    %swap3A_840 = vector.load %arg3[%swap3A_838, %swap3A_839] : memref<64x128xf32, #tpu.memory_space<vmem>>, vector<1x128xf32>
    tpu.vector_store %arg3[%swap3A_838, %swap3A_839], %add3A_837 {strides = array<i32>} : memref<64x128xf32, #tpu.memory_space<vmem>>, vector<1x128xf32>,
    return
  }
}

</mosaic_0001>

<sc_bundles>
// kernel: kernel.4.cloned.1.call-start
scs
__scs_entry_jumppad:
0x0: {  	(pc) =	sbr.rel $0x88, $3  }
0x1: {  	(tag) =	ssettag $0x0;
	lr =	simm.s32 $0x1  }
0x2: {  	[smem:$0x3F9D] =	sst lr;
	_ =	strace $0xD0000000  }
0x3: {  	_ = 	snop  }
0x4: {  	_ = 	snop  }
0x5: {  	_ = 	snop  }
0x6: {  	_ = 	snop  }
0x7: {  	_ = 	snop  }
__scs_overlays_trampoline_lowered:
0x8: {  	[smem:$0x3FAC] =	sst s0  }
0x9: {  	[smem:$0x3FAD] =	sst s1  }
0xa: {  	[smem:$0x3FAE] =	sst s2  }
0xb: {  	[smem:$0x3FAF] =	sst s3  }
0xc: {  	[smem:$0x3FB0] =	sst s4  }
0xd: {  	[smem:$0x3FB1] =	sst s5  }
0xe: {  	[smem:$0x3FB2] =	sst s6  }
0xf: {  	[smem:$0x3FB3] =	sst s7  }
0x10: {  	[smem:$0x3FB4] =	sst s8  }
0x11: {  	[smem:$0x3FB5] =	sst s9;
	s0 =	simm.s32 @!p0 $0x0  }
0x12: {  	s1 =	sld [smem:$0x3F9B];
	s0 =	simm.s32 @p0 $0x1  }
0x13: {  	[smem:$0x3FB6] =	sst s0;
	s0 =	simm.s32 @!p1 $0x0  }
0x14: {  	s2 =	sld [smem:$0x3F9A];
	s0 =	simm.s32 @p1 $0x1  }
0x15: {  	[smem:$0x3FB7] =	sst s0;
	s0 =	simm.s32 @!p2 $0x0  }
0x16: {  	s3 =	sld [smem:$0x3FDB];
	s0 =	simm.s32 @p2 $0x1  }
0x17: {  	s4 =	simm.s32 $0x1BF5;
	[smem:$0x3FB9] =	sst s0  }
0x18: {  	s0 =	sld [smem:$0x3F9C];
	_ =	swait.ge [sflag:s4], $0x0  }
0x19: {  	s7 =	sld [smem:$0x3F9D]  }
0x1a: {  	s8 =	sadd.s32 $0xFFFFE003, lr  }
0x1b: {  	s9 =	sadd.s32 $0xFFFFFEF7, lr;
	s5 =	simm.s32 $0xFFFFFFFF;
	p2 =	slt.u32 s8, $0xFFFFF086  }
0x1c: {  	p1 =	slt.u32 s9, $0xF7A;
	s5 =	simm.s32 @!p2 $0x0  }
0x1d: {  	s5 =	simm.s32 @p1 $0x1;
	p0 =	seq.s32 s7, s2  }
0x1e: {  	s7 =	smul.u32 @!p0 $0xF7A, s2;
	p2 =	seq.s32 @!p0 s5, $0x0  }
0x1f: {  	s9 =	smul.u32 $0xF7A, s1;
	s8 =	simm.s32 @!p0 $0x1BF5;
	p2 =	por !p2, p0  }
0x20: {  	[sflag:s8] =	ssyncset.s32 @!p0 $0xFFFFF086;
	s6 =	sadd.s32 @!p0 s3, s7;
	s7 =	simm.s32 @!p0 $0x108  }
0x21: {  	s3 =	sadd.s32 s3, s9;
	s6 =	sadd.s32 @!p0 $0x88, s6;
	s7 =	simm.s32 @p2 $0x1082  }
0x22: {  	[simem:s7], [sflag:s8] =	dma.local @!p0 [hbm:s6], $0xF7A  }
0x23: {  	s9 =	sor.u32 $0xD0000000, s2;
	s6 =	simm.s32 $0x108;
	_ =	swait.ge @!p0 [sflag:s8], $0x0  }
0x24: {  	s3 =	sadd.s32 $0x88, s3;
	s6 =	simm.s32 @!p1 $0x1082;
	[sflag:s4] =	ssyncset.s32 $0xFFFFF086  }
0x25: {  	[simem:s6], [sflag:s4] =	dma.local [hbm:s3], $0xF7A  }
0x26: {  	[smem:$0x3F9D] =	sst s1;
	(tag) =	ssettag s2;
	_ =	strace s9  }
0x27: {  	s1 =	sld [smem:$0x3FAD]  }
0x28: {  	s2 =	sld [smem:$0x3FAE]  }
0x29: {  	s4 =	sld [smem:$0x3FB0]  }
0x2a: {  	p0 =	seq.s32 s5, $0x0;
	s5 =	sld [smem:$0x3FB1]  }
0x2b: {  	s6 =	sld [smem:$0x3FB2]  }
0x2c: {  	s7 =	sld [smem:$0x3FB3]  }
0x2d: {  	s3 =	simm.s32 $0x108;
	s8 =	sld [smem:$0x3FB4]  }
0x2e: {  	s3 =	simm.s32 @!p0 $0x1082;
	s9 =	sld [smem:$0x3FB5]  }
0x2f: {  	lr =	sadd.s32 s0, s3;
	s0 =	sld [smem:$0x3FAC]  }
0x30: {  	s3 =	sld [smem:$0x3FAF]  }
0x31: {  	[smem:$0x3FB8] =	sst s10  }
0x32: {  	s10 =	sld [smem:$0x3FB6];
	_ =	sdelay $0x3  }
0x33: {  	p0 =	seq.s32 s10, $0x1;
	s10 =	sld [smem:$0x3FB8];
	_ =	sdelay $0x3  }
0x34: {  	[smem:$0x3FB8] =	sst s10  }
0x35: {  	s10 =	sld [smem:$0x3FB7];
	_ =	sdelay $0x3  }
0x36: {  	p1 =	seq.s32 s10, $0x1;
	s10 =	sld [smem:$0x3FB8];
	_ =	sdelay $0x3  }
0x37: {  	[smem:$0x3FB8] =	sst s10  }
0x38: {  	s10 =	sld [smem:$0x3FB9]  }
0x39: {  	_ = 	snop;
	(pc) =	sbr.ind lr, $3  }
0x3a: {  	_ = 	snop  }
0x3b: {  	_ = 	snop  }
0x3c: {  	p2 =	seq.s32 s10, $0x1;
	s10 =	sld [smem:$0x3FB8]  }
0x3d: {  	_ =	shalt  }
0x3e: {  	_ =	shalt  }
0x3f: {  	_ =	shalt  }
0x40: {  	_ =	shalt  }
0x41: {  	_ =	shalt  }
0x42: {  	_ =	shalt  }
0x43: {  	_ =	shalt  }
0x44: {  	_ =	shalt  }
0x45: {  	_ =	shalt  }
0x46: {  	_ =	shalt  }
0x47: {  	_ =	shalt  }
0x48: {  	_ =	shalt  }
0x49: {  	_ =	shalt  }
0x4a: {  	_ =	shalt  }
0x4b: {  	_ =	shalt  }
0x4c: {  	_ =	shalt  }
0x4d: {  	_ =	shalt  }
0x4e: {  	_ =	shalt  }
0x4f: {  	_ =	shalt  }
0x50: {  	_ =	shalt  }
0x51: {  	_ =	shalt  }
0x52: {  	_ =	shalt  }
0x53: {  	_ =	shalt  }
0x54: {  	_ =	shalt  }
0x55: {  	_ =	shalt  }
0x56: {  	_ =	shalt  }
0x57: {  	_ =	shalt  }
0x58: {  	_ =	shalt  }
0x59: {  	_ =	shalt  }
0x5a: {  	_ =	shalt  }
0x5b: {  	_ =	shalt  }
0x5c: {  	_ =	shalt  }
0x5d: {  	_ =	shalt  }
0x5e: {  	_ =	shalt  }
0x5f: {  	_ =	shalt  }
0x60: {  	_ =	shalt  }
0x61: {  	_ =	shalt  }
0x62: {  	_ =	shalt  }
0x63: {  	_ =	shalt  }
0x64: {  	_ =	shalt  }
0x65: {  	_ =	shalt  }
0x66: {  	_ =	shalt  }
0x67: {  	_ =	shalt  }
0x68: {  	_ =	shalt  }
0x69: {  	_ =	shalt  }
0x6a: {  	_ =	shalt  }
0x6b: {  	_ =	shalt  }
0x6c: {  	_ =	shalt  }
0x6d: {  	_ =	shalt  }
0x6e: {  	_ =	shalt  }
0x6f: {  	_ =	shalt  }
0x70: {  	_ =	shalt  }
0x71: {  	_ =	shalt  }
0x72: {  	_ =	shalt  }
0x73: {  	_ =	shalt  }
0x74: {  	_ =	shalt  }
0x75: {  	_ =	shalt  }
0x76: {  	_ =	shalt  }
0x77: {  	_ =	shalt  }
0x78: {  	_ =	shalt  }
0x79: {  	_ =	shalt  }
0x7a: {  	_ =	shalt  }
0x7b: {  	_ =	shalt  }
0x7c: {  	_ =	shalt  }
0x7d: {  	_ =	shalt  }
0x7e: {  	_ =	shalt  }
0x7f: {  	_ =	shalt  }
0x80: {  	_ =	shalt  }
0x81: {  	_ =	shalt  }
0x82: {  	_ =	shalt  }
0x83: {  	_ =	shalt  }
0x84: {  	_ =	shalt  }
0x85: {  	_ =	shalt  }
0x86: {  	_ =	shalt  }
0x87: {  	_ =	shalt  }
.Lfunc_end0:
.L_simem_size_0:
called_computation_lowered:
.L_overlay_start_0:
0x88: {  	s2 =	sld [smem:$0x3FD9]  }
0x89: {  	s3 =	sld [smem:$0x3FFE];
	_ =	sdelay $0x1  }
0x8a: {  	s1 =	srdreg.scid  }
0x8b: {  	s0 =	sand.u32 $0x1, s1  }
0x8c: {  	s17 =	sshll.u32 s0, $0xA;
	s2 =	sadd.s32 s3, s2  }
0x8d: {  	s2 =	sadd.s32 s2, s17  }
0x8e: {  	[smem:$0x3FC4] =	sst s2  }
0x8f: {  	_ = 	snop  }
0x90: {  	s2 =	sld [smem:$0x3FD0];
	(tm) =	ssettm $0x1  }
0x91: {  	s18 =	sld [smem:$0x3FFB];
	_ =	sdelay $0x3  }
0x92: {  	_ =	strace s18  }
0x93: {  	s3 =	sld [smem:$0x3FFC];
	_ =	sdelay $0x3  }
0x94: {  	_ =	strace s3  }
0x95: {  	s3 =	sld [smem:$0x3FFD];
	_ =	sdelay $0x3  }
0x96: {  	_ =	strace s3  }
0x97: {  	_ =	strace $0x8FFFFFFF  }
0x98: {  	s19 =	sld [smem:$0x3FDB];
	_ =	sdelay $0x1  }
0x99: {  	s4 =	simm.s32 $_scs_section_size  }
0x9a: {  	s5 =	simm.s32 $_size__tile_overlayer_lowered;
	s6 =	simm.s32 $_tile_overlayer_lowered  }
0x9b: {  	s22 =	simm.s32 $0x1BFF;
	s21 =	sshll.u32 s6, $0x1;
	s3 =	sadd.s32 s4, s19  }
0x9c: {  	s7 =	simm.s32 $0x0;
	s20 =	sshll.u32 s5, $0x1;
	s5 =	sadd.s32 s21, s3  }
0x9d: {  	[timem:s7], [sflag:s22] =	dma.local [hbm:s5], s20  }
0x9e: {  	_ =	swait.ge [sflag:s22], s20  }
0x9f: {  	s4 =	ssub.s32 $0x0, s20;
	[sflag:s22] =	ssyncset.done $0x0  }
0xa0: {  	[sflag:s22] =	ssyncadd.s32 s4;
	_ =	sdelay $0x1  }
0xa1: {  	s23 =	simm.s32 $0x1B8B  }
0xa2: {  	_ =	swait.ge [sflag:s23], $0x1  }
0xa3: {  	[sflag:s23] =	ssyncset.done $0x0  }
0xa4: {  	s25 =	simm.s32 $0x1B8E;
	s24 =	sld [smem:$0x3FFE];
	[sflag:s23] =	ssyncadd.s32 $0xFFFFFFFF  }
0xa5: {  	s26 =	simm.s32 $execute0_lowered;
	[smem:$0x3FD2] =	sst s25  }
0xa6: {  	s5 =	sshll.u32 s26, $0x1;
	_ =	strace $0x80000046;
	[dreg:$0x1] =	wrdreg $0xFFFFFFFF  }
0xa7: {  	s28 =	simm.s32 $_size_execute0_lowered;
	s3 =	sadd.s32 s3, s5;
	[dreg:$0x0] =	wrdreg $0x0  }
0xa8: {  	s5 =	sshll.u32 s28, $0x1;
	[dreg:$0x2] =	wrdreg s3  }
0xa9: {  	[dreg:$0x3] =	wrdreg s5  }
0xaa: {  	[dreg:$0x4] =	wrdreg $0xC0  }
0xab: {  	_ =	task [dreg:s7], $0x5FFFF  }
0xac: {  	[dreg:$0x1] =	wrdreg $0xFFFFFFFF  }
0xad: {  	[dreg:$0x0] =	wrdreg $0x60  }
0xae: {  	[dreg:$0x2] =	wrdreg s24  }
0xaf: {  	[dreg:$0x3] =	wrdreg s2  }
0xb0: {  	[dreg:$0x4] =	wrdreg $0x9E000  }
0xb1: {  	[dreg:$0x5] =	wrdreg $0x9  }
0xb2: {  	_ =	task.clear_ibuf [dreg:s7], $0x6FFFF;
	_ =	strace $0x90000046  }
0xb3: {  	s29 =	simm.s32 $0x9;
	_ =	strace $0x80000048  }
0xb4: {  	_ =	swait.ge [sflag:s29], $0x1  }
0xb5: {  	[sflag:s29] =	ssyncadd.s32 $0xFFFFFFFF  }
0xb6: {  	_ =	strace $0x90000048  }
0xb7: {  	_ =	sfence  }
0xb8: {  	s30 =	sld [smem:$0x0];
	_ =	sdelay $0x2  }
0xb9: {  	s31 =	sshll.u32 s1, $0xD;
	s1 =	sshrl.u32 s1, $0x2  }
0xba: {  	s3 =	sand.u32 $0x4000, s31;
	s1 =	sadd.s32 s1, s30  }
0xbb: {  	s0 =	sor.u32 s3, s0;
	s1 =	sshll.u32 s1, $0x11  }
0xbc: {  	s0 =	sor.u32 s1, s0  }
0xbd: {  	s0 =	sadd.s32 $0x8F2B, s0  }
0xbe: {  	[sflag:s0] =	ssyncadd.remote.s32 $0x1  }
0xbf: {  	_ =	sfence.sel $0xFFFF  }
0xc0: {  	[dreg:$0x0] =	wrdreg $0xFFFFFFFF;
	(pc) =	sbr.abs _section_cstart, $3  }
0xc1: {  	[dreg:$0x1] =	wrdreg $0xFFFFFFFF  }
0xc2: {  	_ =	task.clear_ibuf [dreg:s7], $0x2FFFF;
	_ =	strace $0x9FFFFFFF  }
0xc3: {  	(tm) =	ssettm $0x7FFFFFFF  }
tec
execute0_lowered:
.L_overlay_start_1:
0x0: {  	(tag) =	ssettag $0x1  }
0x1: {  	s1 =	rddreg [dreg:$0x0]  }
0x2: {  	s0 =	rddreg [dreg:$0x1];
	s3 =	srdreg.scid  }
0x3: {  	s9 =	stileid.u32;
	s2 =	rddreg [dreg:$0x2]  }
0x4: {  	s14 =	simm.s32 $0x1;
	s15 =	simm.s32 $0x2;
	s16 =	simm.s32 $0x3  }
0x5: {  	s17 =	simm.s32 $0x50;
	s19 =	simm.s32 $0xA000;
	s25 =	simm.s32 $0x11800  }
0x6: {  	s26 =	simm.s32 $0x0;
	s8 =	sand.u32 $0x1, s3;
	s4 =	sshll.u32 s9, $0x1  }
0x7: {  	s3 =	simm.s32 $0x0;
	s31 =	smul.u32 $0x4E200, s9;
	s4 =	sor.u32 s8, s4  }
0x8: {  	s5 =	sadd.s32 $0x1DA00, s1;
	p0 =	sne.s32 s9, $0x0;
	s4 =	smul.u32 $0x2710, s4  }
.Ltmp0:
0x9: {  	[smem:$0x7FF] =	sst s3;
	s7 =	ssub.s32 $0x2, s8;
	(pc) =	sbr.rel .LBB2_1-.Ltmp0, $4  }
0xa: {  	s11 =	smul.u32 $0x27100, s8;
	s10 =	sshrl.u32 s7, $0x1;
	s6 =	sshrl.u32 s4, $0x3  }
0xb: {  	_ =	strace $0x80000047;
	s10 =	ssub.s32 s7, s10;
	s6 =	sadd.s32 s1, s6  }
0xc: {  	s9 =	smax.u32 s10, $0x1;
	s1 =	sadd.s32 s31, s0;
	s7 =	sadd.s32 $0x13C00, s6  }
0xd: {  	s8 =	sadd.s32 $0x9E00, s6;
	s10 =	sadd.s32 s11, s1;
	s11 =	sshrl.u32 @!p0 s2, $0x3  }
.LBB2_6:
0xe: {  	s26 =	sadd.s32 $0x1, s26  }
0xf: {  	p1 =	sne.s32 s26, s9  }
.Ltmp1:
0x10: {  	_ = 	snop;
	(pc) =	sbr.rel @!p1 .LBB2_7-.Ltmp1, $1  }
0x11: {  	_ =	sdelay $0x3  }
.LBB2_1:
0x12: {  	s1 =	simm.s32 @!p0 $0x1C11  }
0x13: {  	[spmem:s11], [sflag:s1] =	dma.local @!p0 [hbm:s5], $0x400  }
0x14: {  	s1 =	simm.s32 @!p0 $0x11  }
0x15: {  	_ =	swait.ge @!p0 [sflag:s1], $0x400  }
0x16: {  	[sflag:s1] =	ssyncset.done @!p0 $0x0  }
0x17: {  	[sflag:s1] =	ssyncadd.s32 @!p0 $0xFFFFFC00  }
0x18: {  	[tilespmem:s3], [sflag:$0x1] =	stream.linear.gather [hbm4b:s7+s3], $0x2710, $0x38;
	[tilespmem:$0x1E000] =	vst v63  }
0x19: {  	s13 =	simm.s32 $0x2780  }
0x1a: {  	[tilespmem:s13], [sflag:$0x2] =	stream.linear.gather [hbm4b:s8+s3], $0x2710, $0x38;
	[tilespmem:$0x1E000] =	vst v63  }
0x1b: {  	s18 =	simm.s32 $0x4F00  }
0x1c: {  	[tilespmem:s18], [sflag:$0x3] =	stream.linear.gather [hbm4b:s6+s3], $0x2710, $0x38;
	[tilespmem:$0x1E000] =	vst v63  }
0x1d: {  	_ =	swait.ge [sflag:s14], $0x2710  }
0x1e: {  	[sflag:s14] =	ssyncset.done $0x0  }
0x1f: {  	[sflag:s14] =	ssyncadd.s32 $0xFFFFD8F0  }
0x20: {  	_ =	swait.ge [sflag:s15], $0x2710  }
0x21: {  	[sflag:s15] =	ssyncset.done $0x0  }
0x22: {  	[sflag:s15] =	ssyncadd.s32 $0xFFFFD8F0  }
0x23: {  	_ =	swait.ge [sflag:s16], $0x2710  }
0x24: {  	[sflag:s16] =	ssyncset.done $0x0  }
0x25: {  	[sflag:s16] =	ssyncadd.s32 $0xFFFFD8F0  }
0x26: {  	[bflag:$0x0] =	sbarrier.arrive $0xFFFF  }
0x27: {  	v0 =	vld [tilespmem:$0x0]  }
0x28: {  	v1 =	vld [tilespmem:$0x2780]  }
0x29: {  	v2 =	vld [tilespmem:$0x4F00]  }
0x2a: {  	v3 =	vld [tilespmem:$0x10]  }
0x2b: {  	v4 =	vld [tilespmem:$0x2790]  }
0x2c: {  	v5 =	vld [tilespmem:$0x4F10]  }
0x2d: {  	v6 =	vld [tilespmem:$0x20]  }
0x2e: {  	v7 =	vld [tilespmem:$0x27A0]  }
0x2f: {  	v9 =	vld [tilespmem:$0x30]  }
0x30: {  	v10 =	vld [tilespmem:$0x27B0]  }
0x31: {  	v11 =	vld [tilespmem:$0x40]  }
0x32: {  	v12 =	vld [tilespmem:$0x27C0]  }
0x33: {  	v18 =	vld [tilespmem:$0x4F30];
	v0 =	vmul.u32 $0xC, v0;
	v1 =	vshll.u32 v1, $0x1  }
0x34: {  	v20 =	vld [tilespmem:$0x4F40];
	v3 =	vmul.u32 $0xC, v3;
	v17 =	vshll.u32 v4, $0x1;
	v19 =	vmul.u32 $0xC, v6  }
0x35: {  	v8 =	vld [tilespmem:$0x4F20];
	v22 =	vmul.u32 $0xC, v9;
	v24 =	vshll.u32 v10, $0x1;
	v0 =	vadd.s32 v0, v1  }
0x36: {  	v25 =	vmul.u32 $0xC, v11;
	v1 =	vadd.s32 v3, v17;
	v0 =	vadd.s32 v2, v0  }
0x37: {  	v27 =	vshll.u32 v12, $0x1;
	v26 =	vadd.s32 v22, v24;
	v1 =	vadd.s32 v5, v1;
	[tilespmem:$0x7680] =	vst v0  }
0x38: {  	v21 =	vshll.u32 v7, $0x1;
	v29 =	vadd.s32 v25, v27;
	v28 =	vadd.s32 v18, v26;
	[tilespmem:$0x7690] =	vst v1  }
0x39: {  	v23 =	vadd.s32 v19, v21;
	v30 =	vadd.s32 v20, v29;
	[tilespmem:$0x76B0] =	vst v28  }
0x3a: {  	v0 =	vadd.s32 v8, v23;
	[tilespmem:$0x76C0] =	vst v30  }
0x3b: {  	s20 =	simm.s32 $0x7680;
	[tilespmem:$0x76A0] =	vst v0  }
0x3c: {  	[tilespmem:s19], [sflag:$0x1] =	stream.indirect.gather [spmem:s2], $0x80, s20, s17, $0xb8;
	[tilespmem:$0x1E000] =	vst v63  }
0x3d: {  	v31 =	vld [tilespmem:$0x50]  }
0x3e: {  	v32 =	vld [tilespmem:$0x27D0]  }
0x3f: {  	v33 =	vld [tilespmem:$0x4F50]  }
0x40: {  	v34 =	vld [tilespmem:$0x60]  }
0x41: {  	v35 =	vld [tilespmem:$0x27E0]  }
0x42: {  	v36 =	vld [tilespmem:$0x4F60]  }
0x43: {  	v37 =	vld [tilespmem:$0x70]  }
0x44: {  	v38 =	vld [tilespmem:$0x27F0]  }
0x45: {  	v40 =	vld [tilespmem:$0x80]  }
0x46: {  	v41 =	vld [tilespmem:$0x2800]  }
0x47: {  	v42 =	vld [tilespmem:$0x90]  }
0x48: {  	v43 =	vld [tilespmem:$0x2810]  }
0x49: {  	v45 =	vld [tilespmem:$0x4F80];
	v0 =	vmul.u32 $0xC, v31;
	v1 =	vshll.u32 v32, $0x1  }
0x4a: {  	v47 =	vld [tilespmem:$0x4F90];
	v3 =	vmul.u32 $0xC, v34;
	v44 =	vshll.u32 v35, $0x1;
	v46 =	vmul.u32 $0xC, v37  }
0x4b: {  	v39 =	vld [tilespmem:$0x4F70];
	v49 =	vmul.u32 $0xC, v40;
	v51 =	vshll.u32 v41, $0x1;
	v0 =	vadd.s32 v0, v1  }
0x4c: {  	v52 =	vmul.u32 $0xC, v42;
	v1 =	vadd.s32 v3, v44;
	v0 =	vadd.s32 v33, v0  }
0x4d: {  	v54 =	vshll.u32 v43, $0x1;
	v53 =	vadd.s32 v49, v51;
	v1 =	vadd.s32 v36, v1;
	[tilespmem:$0x76D0] =	vst v0  }
0x4e: {  	v48 =	vshll.u32 v38, $0x1;
	v56 =	vadd.s32 v52, v54;
	v55 =	vadd.s32 v45, v53;
	[tilespmem:$0x76E0] =	vst v1  }
0x4f: {  	v50 =	vadd.s32 v46, v48;
	v57 =	vadd.s32 v47, v56;
	[tilespmem:$0x7700] =	vst v55  }
0x50: {  	v0 =	vadd.s32 v39, v50;
	[tilespmem:$0x7710] =	vst v57  }
0x51: {  	s21 =	simm.s32 $0x76D0;
	s12 =	simm.s32 $0xC800;
	[tilespmem:$0x76F0] =	vst v0  }
0x52: {  	[tilespmem:s12], [sflag:$0x2] =	stream.indirect.gather [spmem:s2], $0x80, s21, s17, $0xb8;
	[tilespmem:$0x1E000] =	vst v63  }
0x53: {  	v58 =	vld [tilespmem:$0xA0]  }
0x54: {  	v59 =	vld [tilespmem:$0x2820]  }
0x55: {  	v60 =	vld [tilespmem:$0x4FA0]  }
0x56: {  	v61 =	vld [tilespmem:$0xB0]  }
0x57: {  	v62 =	vld [tilespmem:$0x2830]  }
0x58: {  	v63 =	vld [tilespmem:$0x4FB0]  }
0x59: {  	v16 =	vld [tilespmem:$0xC0]  }
0x5a: {  	v17 =	vld [tilespmem:$0x2840]  }
0x5b: {  	v19 =	vld [tilespmem:$0xD0]  }
0x5c: {  	v20 =	vld [tilespmem:$0x2850]  }
0x5d: {  	v21 =	vld [tilespmem:$0xE0]  }
0x5e: {  	v22 =	vld [tilespmem:$0x2860]  }
0x5f: {  	v24 =	vld [tilespmem:$0x4FD0];
	v0 =	vmul.u32 $0xC, v58;
	v1 =	vshll.u32 v59, $0x1  }
0x60: {  	v26 =	vld [tilespmem:$0x4FE0];
	v3 =	vmul.u32 $0xC, v61;
	v23 =	vshll.u32 v62, $0x1;
	v25 =	vmul.u32 $0xC, v16  }
0x61: {  	v18 =	vld [tilespmem:$0x4FC0];
	v28 =	vmul.u32 $0xC, v19;
	v30 =	vshll.u32 v20, $0x1;
	v0 =	vadd.s32 v0, v1  }
0x62: {  	v31 =	vmul.u32 $0xC, v21;
	v1 =	vadd.s32 v3, v23;
	v0 =	vadd.s32 v60, v0  }
0x63: {  	v33 =	vshll.u32 v22, $0x1;
	v32 =	vadd.s32 v28, v30;
	v1 =	vadd.s32 v63, v1;
	[tilespmem:$0x7720] =	vst v0  }
0x64: {  	v27 =	vshll.u32 v17, $0x1;
	v35 =	vadd.s32 v31, v33;
	v34 =	vadd.s32 v24, v32;
	[tilespmem:$0x7730] =	vst v1  }
0x65: {  	v29 =	vadd.s32 v25, v27;
	v36 =	vadd.s32 v26, v35;
	[tilespmem:$0x7750] =	vst v34  }
0x66: {  	v0 =	vadd.s32 v18, v29;
	[tilespmem:$0x7760] =	vst v36  }
0x67: {  	s22 =	simm.s32 $0x7720;
	s23 =	simm.s32 $0xF000;
	[tilespmem:$0x7740] =	vst v0  }
0x68: {  	[tilespmem:s23], [sflag:$0x3] =	stream.indirect.gather [spmem:s2], $0x80, s22, s17, $0xb8;
	[tilespmem:$0x1E000] =	vst v63  }
0x69: {  	v37 =	vld [tilespmem:$0xF0]  }
0x6a: {  	v38 =	vld [tilespmem:$0x2870]  }
0x6b: {  	v39 =	vld [tilespmem:$0x4FF0]  }
0x6c: {  	v40 =	vld [tilespmem:$0x100]  }
0x6d: {  	v41 =	vld [tilespmem:$0x2880]  }
0x6e: {  	v42 =	vld [tilespmem:$0x5000]  }
0x6f: {  	v43 =	vld [tilespmem:$0x110]  }
0x70: {  	v44 =	vld [tilespmem:$0x2890]  }
0x71: {  	v46 =	vld [tilespmem:$0x120]  }
0x72: {  	v47 =	vld [tilespmem:$0x28A0]  }
0x73: {  	v48 =	vld [tilespmem:$0x130]  }
0x74: {  	v49 =	vld [tilespmem:$0x28B0]  }
0x75: {  	v51 =	vld [tilespmem:$0x5020];
	v0 =	vmul.u32 $0xC, v37;
	v1 =	vshll.u32 v38, $0x1  }
0x76: {  	v53 =	vld [tilespmem:$0x5030];
	v3 =	vmul.u32 $0xC, v40;
	v50 =	vshll.u32 v41, $0x1;
	v52 =	vmul.u32 $0xC, v43  }
0x77: {  	v45 =	vld [tilespmem:$0x5010];
	v55 =	vmul.u32 $0xC, v46;
	v57 =	vshll.u32 v47, $0x1;
	v0 =	vadd.s32 v0, v1  }
0x78: {  	v58 =	vmul.u32 $0xC, v48;
	v1 =	vadd.s32 v3, v50;
	v0 =	vadd.s32 v39, v0  }
0x79: {  	v60 =	vshll.u32 v49, $0x1;
	v59 =	vadd.s32 v55, v57;
	v1 =	vadd.s32 v42, v1;
	[tilespmem:$0x7770] =	vst v0  }
.Ltmp2:
0x7a: {  	v54 =	vshll.u32 v44, $0x1;
	v62 =	vadd.s32 v58, v60;
	v61 =	vadd.s32 v51, v59;
	[tilespmem:$0x7780] =	vst v1;
	(pc) =	sbr.rel .LBB2_2-.Ltmp2, $4  }
0x7b: {  	v56 =	vadd.s32 v52, v54;
	v63 =	vadd.s32 v53, v62;
	[tilespmem:$0x77A0] =	vst v61  }
0x7c: {  	s24 =	simm.s32 $0x7770;
	s28 =	simm.s32 $0x7;
	s29 =	simm.s32 $0x340;
	v0 =	vadd.s32 v45, v56;
	[tilespmem:$0x77B0] =	vst v63  }
0x7d: {  	s30 =	smov.u32 s10;
	s31 =	simm.s32 $0x0;
	s1 =	simm.s32 $0x0;
	[tilespmem:$0x7790] =	vst v0  }
0x7e: {  	[tilespmem:s25], [sflag:$0x4] =	stream.indirect.gather [spmem:s2], $0x80, s24, s17, $0xb8;
	[tilespmem:$0x1E000] =	vst v63  }
.LBB2_4:
0x7f: {  	_ =	swait.ge [sflag:s14], $0x2800;
	s13 =	sadd.s32 $0xFFFFFFFA, s28;
	p2 =	seq.s32 s31, $0x0  }
0x80: {  	[sflag:s14] =	ssyncset.done $0x0;
	p3 =	sgt.u32 @!p2 s13, $0x80  }
0x81: {  	[sflag:s14] =	ssyncadd.s32 $0xFFFFD800;
	p4 =	por p3, p2  }
0x82: {  	[hbm4b:s30+s3] =	stream.linear.scatter [tilespmem:s19], [sflag:$0x9], $0x2800, $0x38;
	[tilespmem:$0x1E000] =	vst v63  }
0x83: {  	s21 =	simm.s32 @!p4 $0xE  }
0x84: {  	s12 =	sadd.s32 $0xFFFFFFFE, s28;
	_ =	swait.ge @!p4 [sflag:s21], $0x2800  }
0x85: {  	p3 =	sgt.u32 s12, $0x7C;
	[sflag:s21] =	ssyncset.done @!p4 $0x0  }
0x86: {  	[sflag:s21] =	ssyncadd.s32 @!p4 $0xFFFFD800;
	s21 =	sshra.s32 @!p3 s31, $0x2  }
0x87: {  	v0 =	vld @!p3 [tilespmem:s21+$0x190]  }
0x88: {  	v1 =	vld @!p3 [tilespmem:s21+$0x2910]  }
0x89: {  	v2 =	vld @!p3 [tilespmem:s21+$0x1A0]  }
0x8a: {  	v3 =	vld @!p3 [tilespmem:s21+$0x2920]  }
0x8b: {  	v4 =	vld @!p3 [tilespmem:s21+$0x5090]  }
0x8c: {  	v5 =	vld @!p3 [tilespmem:s21+$0x50A0]  }
0x8d: {  	v0 =	vmul.u32 @!p3 $0xC, v0  }
0x8e: {  	v1 =	vshll.u32 @!p3 v1, $0x1;
	v2 =	vmul.u32 @!p3 $0xC, v2  }
0x8f: {  	v0 =	vadd.s32 @!p3 v0, v1;
	v1 =	vshll.u32 @!p3 v3, $0x1  }
0x90: {  	v0 =	vadd.s32 @!p3 v4, v0;
	v1 =	vadd.s32 @!p3 v2, v1  }
0x91: {  	s22 =	sadd.s32 @!p3 $0xFFFFFE50, s29;
	[tilespmem:s21+$0x7810] =	vst @!p3 v0;
	v0 =	vadd.s32 @!p3 v5, v1  }
0x92: {  	s23 =	sor.u32 @!p3 $0x30, s22;
	[tilespmem:s21+$0x7820] =	vst @!p3 v0  }
0x93: {  	v0 =	vld @!p3 [tilespmem:s23+$0x0]  }
0x94: {  	v1 =	vld @!p3 [tilespmem:s23+$0x2780];
	_ =	sdelay $0x1  }
0x95: {  	v2 =	vld @!p3 [tilespmem:s23+$0x4F00];
	_ =	sdelay $0x1  }
0x96: {  	v0 =	vmul.u32 @!p3 $0xC, v0  }
0x97: {  	v1 =	vshll.u32 @!p3 v1, $0x1  }
0x98: {  	v0 =	vadd.s32 @!p3 v0, v1  }
0x99: {  	v0 =	vadd.s32 @!p3 v2, v0  }
0x9a: {  	[tilespmem:s23+$0x7680] =	vst @!p3 v0  }
0x9b: {  	v0 =	vld @!p3 [tilespmem:s21+$0x1C0]  }
0x9c: {  	v1 =	vld @!p3 [tilespmem:s21+$0x2940];
	_ =	sdelay $0x1  }
0x9d: {  	v2 =	vld @!p3 [tilespmem:s21+$0x50C0];
	_ =	sdelay $0x1  }
0x9e: {  	v0 =	vmul.u32 @!p3 $0xC, v0  }
0x9f: {  	v1 =	vshll.u32 @!p3 v1, $0x1  }
0xa0: {  	v0 =	vadd.s32 @!p3 v0, v1  }
0xa1: {  	v0 =	vadd.s32 @!p3 v2, v0  }
0xa2: {  	s22 =	sor.u32 @!p3 $0x50, s22;
	[tilespmem:s21+$0x7840] =	vst @!p3 v0  }
0xa3: {  	v0 =	vld @!p3 [tilespmem:s22+$0x0]  }
0xa4: {  	v1 =	vld @!p3 [tilespmem:s22+$0x2780];
	_ =	sdelay $0x1  }
0xa5: {  	v2 =	vld @!p3 [tilespmem:s22+$0x4F00];
	_ =	sdelay $0x1  }
0xa6: {  	v0 =	vmul.u32 @!p3 $0xC, v0  }
0xa7: {  	v1 =	vshll.u32 @!p3 v1, $0x1  }
0xa8: {  	v0 =	vadd.s32 @!p3 v0, v1  }
0xa9: {  	v0 =	vadd.s32 @!p3 v2, v0  }
0xaa: {  	s23 =	simm.s32 @!p3 $0x16800;
	s21 =	sadd.s32 @!p3 $0x7810, s21;
	[tilespmem:s22+$0x7680] =	vst @!p3 v0;
	s22 =	simm.s32 @!p3 $0x50  }
0xab: {  	[tilespmem:s23], [sflag:$0x6] =	stream.indirect.gather @!p3 [spmem:s2], $0x80, s21, s22, $0xb8;
	[tilespmem:$0x1E000] =	vst v63  }
0xac: {  	p3 =	sgt.u32 s13, $0x7C  }
0xad: {  	s13 =	simm.s32 @!p3 $0x2  }
0xae: {  	s24 =	sadd.s32 $0xFFFFFFF7, s28;
	_ =	swait.ge @!p3 [sflag:s13], $0x2800  }
0xaf: {  	p4 =	sgt.u32 s24, $0x7C;
	s21 =	simm.s32 @!p3 $0x0;
	[sflag:s13] =	ssyncset.done @!p3 $0x0  }
0xb0: {  	s22 =	simm.s32 @!p3 $0xC800;
	[sflag:s13] =	ssyncadd.s32 @!p3 $0xFFFFD800;
	s13 =	sadd.s32 @!p3 $0x500, s30  }
0xb1: {  	[hbm4b:s13+s21] =	stream.linear.scatter @!p3 [tilespmem:s22], [sflag:$0xA], $0x2800, $0x38;
	[tilespmem:$0x1E000] =	vst v63  }
0xb2: {  	s21 =	simm.s32 @!p4 $0xF  }
0xb3: {  	s13 =	sadd.s32 $0xFFFFFFFF, s28;
	_ =	swait.ge @!p4 [sflag:s21], $0x2800  }
0xb4: {  	p3 =	sgt.u32 s13, $0x7C;
	[sflag:s21] =	ssyncset.done @!p4 $0x0  }
0xb5: {  	[sflag:s21] =	ssyncadd.s32 @!p4 $0xFFFFD800;
	s21 =	sshra.s32 @!p3 s31, $0x2  }
0xb6: {  	v0 =	vld @!p3 [tilespmem:s21+$0x1E0]  }
0xb7: {  	v1 =	vld @!p3 [tilespmem:s21+$0x2960];
	_ =	sdelay $0x1  }
0xb8: {  	v2 =	vld @!p3 [tilespmem:s21+$0x50E0];
	_ =	sdelay $0x1  }
0xb9: {  	v0 =	vmul.u32 @!p3 $0xC, v0  }
0xba: {  	v1 =	vshll.u32 @!p3 v1, $0x1  }
0xbb: {  	v0 =	vadd.s32 @!p3 v0, v1  }
0xbc: {  	s22 =	sadd.s32 @!p3 $0xFFFFFEA0, s29;
	v0 =	vadd.s32 @!p3 v2, v0  }
0xbd: {  	s22 =	sor.u32 @!p3 $0x70, s22;
	[tilespmem:s21+$0x7860] =	vst @!p3 v0  }
0xbe: {  	v0 =	vld @!p3 [tilespmem:s22+$0x0]  }
0xbf: {  	v1 =	vld @!p3 [tilespmem:s22+$0x2780];
	_ =	sdelay $0x1  }
0xc0: {  	v2 =	vld @!p3 [tilespmem:s22+$0x4F00];
	_ =	sdelay $0x1  }
0xc1: {  	v0 =	vmul.u32 @!p3 $0xC, v0  }
0xc2: {  	v1 =	vshll.u32 @!p3 v1, $0x1  }
0xc3: {  	v0 =	vadd.s32 @!p3 v0, v1  }
0xc4: {  	v0 =	vadd.s32 @!p3 v2, v0  }
0xc5: {  	[tilespmem:s22+$0x7680] =	vst @!p3 v0  }
0xc6: {  	v0 =	vld @!p3 [tilespmem:s21+$0x200]  }
0xc7: {  	v1 =	vld @!p3 [tilespmem:s21+$0x2980]  }
0xc8: {  	v2 =	vld @!p3 [tilespmem:s21+$0x5100]  }
0xc9: {  	v3 =	vld @!p3 [tilespmem:s21+$0x210]  }
0xca: {  	v4 =	vld @!p3 [tilespmem:s21+$0x2990]  }
0xcb: {  	v5 =	vld @!p3 [tilespmem:s21+$0x220]  }
0xcc: {  	v6 =	vld @!p3 [tilespmem:s21+$0x29A0]  }
0xcd: {  	v7 =	vld @!p3 [tilespmem:s21+$0x5110]  }
0xce: {  	v8 =	vld @!p3 [tilespmem:s21+$0x5120];
	v0 =	vmul.u32 @!p3 $0xC, v0  }
0xcf: {  	v1 =	vshll.u32 @!p3 v1, $0x1;
	v3 =	vmul.u32 @!p3 $0xC, v3  }
0xd0: {  	v0 =	vadd.s32 @!p3 v0, v1;
	v1 =	vshll.u32 @!p3 v4, $0x1;
	v4 =	vmul.u32 @!p3 $0xC, v5  }
0xd1: {  	v0 =	vadd.s32 @!p3 v2, v0;
	v1 =	vadd.s32 @!p3 v3, v1;
	v2 =	vshll.u32 @!p3 v6, $0x1  }
0xd2: {  	[tilespmem:s21+$0x7880] =	vst @!p3 v0;
	v0 =	vadd.s32 @!p3 v7, v1;
	v1 =	vadd.s32 @!p3 v4, v2  }
0xd3: {  	s24 =	simm.s32 @!p3 $0x19000;
	[tilespmem:s21+$0x7890] =	vst @!p3 v0;
	v0 =	vadd.s32 @!p3 v8, v1  }
0xd4: {  	s23 =	sadd.s32 @!p3 $0x7860, s21;
	s22 =	sadd.s32 $0xFFFFFFFB, s28;
	[tilespmem:s21+$0x78A0] =	vst @!p3 v0;
	s21 =	simm.s32 @!p3 $0x50  }
0xd5: {  	[tilespmem:s24], [sflag:$0x7] =	stream.indirect.gather @!p3 [spmem:s2], $0x80, s23, s21, $0xb8;
	[tilespmem:$0x1E000] =	vst v63  }
0xd6: {  	p3 =	sgt.u32 s22, $0x7C  }
0xd7: {  	s21 =	simm.s32 @!p3 $0x3  }
0xd8: {  	_ =	swait.ge @!p3 [sflag:s21], $0x2800  }
0xd9: {  	s22 =	simm.s32 @!p3 $0x0;
	[sflag:s21] =	ssyncset.done @!p3 $0x0  }
0xda: {  	s23 =	simm.s32 @!p3 $0xF000;
	[sflag:s21] =	ssyncadd.s32 @!p3 $0xFFFFD800;
	s21 =	sadd.s32 @!p3 $0xA00, s30  }
0xdb: {  	[hbm4b:s21+s22] =	stream.linear.scatter @!p3 [tilespmem:s23], [sflag:$0xB], $0x2800, $0x38;
	[tilespmem:$0x1E000] =	vst v63  }
0xdc: {  	s21 =	sadd.s32 $0xFFFFFFFC, s28  }
0xdd: {  	p3 =	sgt.u32 @!p2 s21, $0x80  }
0xde: {  	p3 =	por p3, p2  }
0xdf: {  	s22 =	simm.s32 @!p3 $0x10  }
0xe0: {  	_ =	swait.ge @!p3 [sflag:s22], $0x2800  }
0xe1: {  	p2 =	sgt.u32 s28, $0x7C;
	[sflag:s22] =	ssyncset.done @!p3 $0x0  }
0xe2: {  	[sflag:s22] =	ssyncadd.s32 @!p3 $0xFFFFD800;
	s22 =	sshra.s32 @!p2 s31, $0x2  }
0xe3: {  	v0 =	vld @!p2 [tilespmem:s22+$0x230]  }
0xe4: {  	v1 =	vld @!p2 [tilespmem:s22+$0x29B0]  }
0xe5: {  	v2 =	vld @!p2 [tilespmem:s22+$0x5130]  }
0xe6: {  	v3 =	vld @!p2 [tilespmem:s22+$0x240]  }
0xe7: {  	v4 =	vld @!p2 [tilespmem:s22+$0x29C0]  }
0xe8: {  	v5 =	vld @!p2 [tilespmem:s22+$0x5140]  }
0xe9: {  	v6 =	vld @!p2 [tilespmem:s22+$0x250]  }
0xea: {  	v7 =	vld @!p2 [tilespmem:s22+$0x29D0]  }
0xeb: {  	v8 =	vld @!p2 [tilespmem:s22+$0x260]  }
0xec: {  	v9 =	vld @!p2 [tilespmem:s22+$0x29E0];
	v0 =	vmul.u32 @!p2 $0xC, v0  }
0xed: {  	v10 =	vld @!p2 [tilespmem:s22+$0x5150];
	v1 =	vshll.u32 @!p2 v1, $0x1  }
0xee: {  	v0 =	vadd.s32 @!p2 v0, v1;
	v1 =	vmul.u32 @!p2 $0xC, v3;
	v3 =	vld @!p2 [tilespmem:s22+$0x5160]  }
0xef: {  	v0 =	vadd.s32 @!p2 v2, v0;
	v2 =	vshll.u32 @!p2 v4, $0x1;
	v4 =	vmul.u32 @!p2 $0xC, v6  }
0xf0: {  	v6 =	vmul.u32 @!p2 $0xC, v8;
	v1 =	vadd.s32 @!p2 v1, v2;
	v2 =	vshll.u32 @!p2 v7, $0x1  }
0xf1: {  	[tilespmem:s22+$0x78B0] =	vst @!p2 v0;
	v0 =	vadd.s32 @!p2 v5, v1;
	v1 =	vadd.s32 @!p2 v4, v2;
	v2 =	vshll.u32 @!p2 v9, $0x1  }
0xf2: {  	[tilespmem:s22+$0x78C0] =	vst @!p2 v0;
	v0 =	vadd.s32 @!p2 v10, v1;
	v1 =	vadd.s32 @!p2 v6, v2  }
0xf3: {  	s23 =	sadd.s32 @!p2 $0xFFFFFEF0, s29;
	[tilespmem:s22+$0x78D0] =	vst @!p2 v0;
	v0 =	vadd.s32 @!p2 v3, v1  }
0xf4: {  	s23 =	sor.u32 @!p2 $0x70, s23;
	[tilespmem:s22+$0x78E0] =	vst @!p2 v0  }
0xf5: {  	v0 =	vld @!p2 [tilespmem:s23+$0x0]  }
0xf6: {  	v1 =	vld @!p2 [tilespmem:s23+$0x2780];
	_ =	sdelay $0x1  }
0xf7: {  	v2 =	vld @!p2 [tilespmem:s23+$0x4F00];
	_ =	sdelay $0x1  }
0xf8: {  	v0 =	vmul.u32 @!p2 $0xC, v0  }
0xf9: {  	v1 =	vshll.u32 @!p2 v1, $0x1  }
0xfa: {  	v0 =	vadd.s32 @!p2 v0, v1  }
0xfb: {  	v0 =	vadd.s32 @!p2 v2, v0  }
0xfc: {  	s24 =	simm.s32 @!p2 $0x1B800;
	s22 =	sadd.s32 @!p2 $0x78B0, s22;
	[tilespmem:s23+$0x7680] =	vst @!p2 v0;
	s23 =	simm.s32 @!p2 $0x50  }
0xfd: {  	[tilespmem:s24], [sflag:$0x8] =	stream.indirect.gather @!p2 [spmem:s2], $0x80, s22, s23, $0xb8;
	[tilespmem:$0x1E000] =	vst v63  }
0xfe: {  	p2 =	sgt.u32 s21, $0x7C  }
0xff: {  	s21 =	simm.s32 @!p2 $0x4  }
0x100: {  	_ =	swait.ge @!p2 [sflag:s21], $0x2800  }
0x101: {  	p5 =	slt.u32 s12, $0x7D;
	s22 =	simm.s32 @!p2 $0x0;
	[sflag:s21] =	ssyncset.done @!p2 $0x0  }
0x102: {  	s23 =	simm.s32 @!p2 $0x11800;
	[sflag:s21] =	ssyncadd.s32 @!p2 $0xFFFFD800;
	s21 =	sadd.s32 @!p2 $0xF00, s30  }
0x103: {  	[hbm4b:s21+s22] =	stream.linear.scatter @!p2 [tilespmem:s23], [sflag:$0xC], $0x2800, $0x38;
	[tilespmem:$0x1E000] =	vst v63  }
0x104: {  	p4 =	slt.u32 s13, $0x7D;
	p2 =	slt.u32 s28, $0x7D;
	s21 =	smov.u32 s28  }
.LBB2_5:
0x105: {  	p6 =	sgt.u32 s20, $0x80  }
0x106: {  	s20 =	simm.s32 @!p6 $0x9  }
0x107: {  	_ =	swait.ge @!p6 [sflag:s20], $0x2800  }
0x108: {  	p3 =	sgt.u32 s1, $0xE;
	[sflag:s20] =	ssyncset.done @!p6 $0x0  }
0x109: {  	[sflag:s20] =	ssyncadd.s32 @!p6 $0xFFFFD800;
	s20 =	sshra.s32 @!p3 s31, $0x2  }
0x10a: {  	v0 =	vld @!p3 [tilespmem:s20+$0x280]  }
0x10b: {  	v1 =	vld @!p3 [tilespmem:s20+$0x2A00]  }
0x10c: {  	v2 =	vld @!p3 [tilespmem:s20+$0x5180]  }
0x10d: {  	v3 =	vld @!p3 [tilespmem:s20+$0x290]  }
0x10e: {  	v4 =	vld @!p3 [tilespmem:s20+$0x2A10]  }
0x10f: {  	v5 =	vld @!p3 [tilespmem:s20+$0x5190]  }
0x110: {  	v6 =	vld @!p3 [tilespmem:s20+$0x2A0]  }
0x111: {  	v7 =	vld @!p3 [tilespmem:s20+$0x2A20]  }
0x112: {  	v8 =	vld @!p3 [tilespmem:s20+$0x51A0]  }
0x113: {  	v9 =	vld @!p3 [tilespmem:s20+$0x2B0]  }
0x114: {  	v10 =	vld @!p3 [tilespmem:s20+$0x2A30]  }
0x115: {  	v11 =	vld @!p3 [tilespmem:s20+$0x2C0];
	v0 =	vmul.u32 @!p3 $0xC, v0  }
0x116: {  	v12 =	vld @!p3 [tilespmem:s20+$0x2A40];
	v1 =	vshll.u32 @!p3 v1, $0x1;
	v3 =	vmul.u32 @!p3 $0xC, v3  }
0x117: {  	v0 =	vadd.s32 @!p3 v0, v1;
	v1 =	vshll.u32 @!p3 v4, $0x1;
	v4 =	vld @!p3 [tilespmem:s20+$0x51B0]  }
0x118: {  	v0 =	vadd.s32 @!p3 v2, v0;
	v1 =	vadd.s32 @!p3 v3, v1;
	v2 =	vmul.u32 @!p3 $0xC, v6;
	v3 =	vld @!p3 [tilespmem:s20+$0x51C0]  }
0x119: {  	v6 =	vmul.u32 @!p3 $0xC, v9;
	v1 =	vadd.s32 @!p3 v5, v1;
	v5 =	vshll.u32 @!p3 v7, $0x1  }
0x11a: {  	[tilespmem:s20+$0x7900] =	vst @!p3 v0;
	v0 =	vadd.s32 @!p3 v2, v5;
	v2 =	vshll.u32 @!p3 v10, $0x1;
	v5 =	vmul.u32 @!p3 $0xC, v11  }
0x11b: {  	[tilespmem:s20+$0x7910] =	vst @!p3 v1;
	v0 =	vadd.s32 @!p3 v8, v0;
	v1 =	vadd.s32 @!p3 v6, v2;
	v2 =	vshll.u32 @!p3 v12, $0x1  }
0x11c: {  	[tilespmem:s20+$0x7920] =	vst @!p3 v0;
	v0 =	vadd.s32 @!p3 v4, v1;
	v1 =	vadd.s32 @!p3 v5, v2  }
0x11d: {  	[tilespmem:s20+$0x7930] =	vst @!p3 v0;
	v0 =	vadd.s32 @!p3 v3, v1  }
0x11e: {  	s22 =	simm.s32 @!p3 $0x50;
	s24 =	simm.s32 @!p3 $0xA000;
	s23 =	sadd.s32 @!p3 $0x7900, s20;
	[tilespmem:s20+$0x7940] =	vst @!p3 v0  }
0x11f: {  	[tilespmem:s24], [sflag:$0x1] =	stream.indirect.gather @!p3 [spmem:s2], $0x80, s23, s22, $0xb8;
	[tilespmem:$0x1E000] =	vst v63  }
0x120: {  	s23 =	simm.s32 @!p1 $0x5  }
0x121: {  	_ =	swait.ge @!p1 [sflag:s23], $0x2800  }
0x122: {  	[sflag:s23] =	ssyncset.done @!p1 $0x0  }
0x123: {  	s24 =	simm.s32 @!p1 $0x0;
	[sflag:s23] =	ssyncadd.s32 @!p1 $0xFFFFD800;
	s23 =	sadd.s32 @!p1 $0x1400, s30  }
0x124: {  	[hbm4b:s23+s24] =	stream.linear.scatter @!p1 [tilespmem:s18], [sflag:$0xD], $0x2800, $0x38;
	[tilespmem:$0x1E000] =	vst v63  }
0x125: {  	p1 =	sgt.u32 s12, $0x80  }
0x126: {  	s18 =	simm.s32 @!p1 $0xA  }
0x127: {  	_ =	swait.ge @!p1 [sflag:s18], $0x2800  }
0x128: {  	[sflag:s18] =	ssyncset.done @!p1 $0x0  }
0x129: {  	[sflag:s18] =	ssyncadd.s32 @!p1 $0xFFFFD800  }
0x12a: {  	v0 =	vld @!p3 [tilespmem:s20+$0x2D0]  }
0x12b: {  	v1 =	vld @!p3 [tilespmem:s20+$0x2A50]  }
0x12c: {  	v2 =	vld @!p3 [tilespmem:s20+$0x2E0]  }
0x12d: {  	v3 =	vld @!p3 [tilespmem:s20+$0x2A60]  }
0x12e: {  	v4 =	vld @!p3 [tilespmem:s20+$0x51D0]  }
0x12f: {  	v5 =	vld @!p3 [tilespmem:s20+$0x51E0]  }
0x130: {  	v0 =	vmul.u32 @!p3 $0xC, v0  }
0x131: {  	v1 =	vshll.u32 @!p3 v1, $0x1;
	v2 =	vmul.u32 @!p3 $0xC, v2  }
0x132: {  	v0 =	vadd.s32 @!p3 v0, v1;
	v1 =	vshll.u32 @!p3 v3, $0x1  }
0x133: {  	v0 =	vadd.s32 @!p3 v4, v0;
	v1 =	vadd.s32 @!p3 v2, v1  }
0x134: {  	s18 =	sadd.s32 @!p3 $0xFFFFFF90, s29;
	[tilespmem:s20+$0x7950] =	vst @!p3 v0;
	v0 =	vadd.s32 @!p3 v5, v1  }
0x135: {  	s18 =	sor.u32 @!p3 $0x70, s18;
	[tilespmem:s20+$0x7960] =	vst @!p3 v0  }
0x136: {  	v0 =	vld @!p3 [tilespmem:s18+$0x0]  }
0x137: {  	v1 =	vld @!p3 [tilespmem:s18+$0x2780];
	_ =	sdelay $0x1  }
0x138: {  	v2 =	vld @!p3 [tilespmem:s18+$0x4F00];
	_ =	sdelay $0x1  }
0x139: {  	v0 =	vmul.u32 @!p3 $0xC, v0  }
0x13a: {  	v1 =	vshll.u32 @!p3 v1, $0x1  }
0x13b: {  	v0 =	vadd.s32 @!p3 v0, v1  }
0x13c: {  	v0 =	vadd.s32 @!p3 v2, v0  }
0x13d: {  	[tilespmem:s18+$0x7680] =	vst @!p3 v0  }
0x13e: {  	v0 =	vld @!p3 [tilespmem:s20+$0x300]  }
0x13f: {  	v1 =	vld @!p3 [tilespmem:s20+$0x2A80]  }
0x140: {  	v2 =	vld @!p3 [tilespmem:s20+$0x310]  }
0x141: {  	v3 =	vld @!p3 [tilespmem:s20+$0x2A90]  }
0x142: {  	v4 =	vld @!p3 [tilespmem:s20+$0x5200]  }
0x143: {  	v5 =	vld @!p3 [tilespmem:s20+$0x5210]  }
0x144: {  	v0 =	vmul.u32 @!p3 $0xC, v0  }
0x145: {  	v1 =	vshll.u32 @!p3 v1, $0x1;
	v2 =	vmul.u32 @!p3 $0xC, v2  }
0x146: {  	v0 =	vadd.s32 @!p3 v0, v1;
	v1 =	vshll.u32 @!p3 v3, $0x1  }
0x147: {  	v0 =	vadd.s32 @!p3 v4, v0;
	v1 =	vadd.s32 @!p3 v2, v1  }
0x148: {  	[tilespmem:s20+$0x7980] =	vst @!p3 v0;
	v0 =	vadd.s32 @!p3 v5, v1  }
0x149: {  	s23 =	simm.s32 @!p3 $0xC800;
	s12 =	smul.u32 @p5 $0x50, s12;
	s18 =	sadd.s32 @!p3 $0x7950, s20;
	[tilespmem:s20+$0x7990] =	vst @!p3 v0  }
0x14a: {  	[tilespmem:s23], [sflag:$0x2] =	stream.indirect.gather @!p3 [spmem:s2], $0x80, s18, s22, $0xb8;
	[tilespmem:$0x1E000] =	vst v63  }
0x14b: {  	s12 =	sadd.s32 @p5 s4, s12;
	s18 =	simm.s32 @p5 $0x6  }
0x14c: {  	s12 =	sshll.u32 @p5 s12, $0x4;
	_ =	swait.ge @p5 [sflag:s18], $0x2800  }
0x14d: {  	s12 =	sadd.s32 @p5 s0, s12;
	p1 =	sgt.u32 s13, $0x80;
	[sflag:s18] =	ssyncset.done @p5 $0x0  }
0x14e: {  	s23 =	simm.s32 @p5 $0x16800;
	[sflag:s18] =	ssyncadd.s32 @p5 $0xFFFFD800;
	s18 =	simm.s32 @p5 $0x0  }
0x14f: {  	[hbm4b:s12+s18] =	stream.linear.scatter @p5 [tilespmem:s23], [sflag:$0xE], $0x2800, $0x38;
	[tilespmem:$0x1E000] =	vst v63  }
0x150: {  	s12 =	simm.s32 @!p1 $0xB  }
0x151: {  	_ =	swait.ge @!p1 [sflag:s12], $0x2800  }
0x152: {  	[sflag:s12] =	ssyncset.done @!p1 $0x0  }
0x153: {  	[sflag:s12] =	ssyncadd.s32 @!p1 $0xFFFFD800  }
0x154: {  	v0 =	vld @!p3 [tilespmem:s20+$0x320]  }
0x155: {  	v1 =	vld @!p3 [tilespmem:s20+$0x2AA0];
	_ =	sdelay $0x1  }
0x156: {  	v2 =	vld @!p3 [tilespmem:s20+$0x5220];
	_ =	sdelay $0x1  }
0x157: {  	v0 =	vmul.u32 @!p3 $0xC, v0  }
0x158: {  	v1 =	vshll.u32 @!p3 v1, $0x1  }
0x159: {  	v0 =	vadd.s32 @!p3 v0, v1  }
0x15a: {  	s12 =	sadd.s32 @!p3 $0xFFFFFFE0, s29;
	v0 =	vadd.s32 @!p3 v2, v0  }
0x15b: {  	s18 =	sor.u32 @!p3 $0x30, s12;
	[tilespmem:s20+$0x79A0] =	vst @!p3 v0  }
0x15c: {  	v0 =	vld @!p3 [tilespmem:s18+$0x0]  }
0x15d: {  	v1 =	vld @!p3 [tilespmem:s18+$0x2780];
	_ =	sdelay $0x1  }
0x15e: {  	v2 =	vld @!p3 [tilespmem:s18+$0x4F00];
	_ =	sdelay $0x1  }
0x15f: {  	v0 =	vmul.u32 @!p3 $0xC, v0  }
0x160: {  	v1 =	vshll.u32 @!p3 v1, $0x1  }
0x161: {  	v0 =	vadd.s32 @!p3 v0, v1  }
0x162: {  	v0 =	vadd.s32 @!p3 v2, v0  }
0x163: {  	[tilespmem:s18+$0x7680] =	vst @!p3 v0  }
0x164: {  	v0 =	vld @!p3 [tilespmem:s20+$0x340]  }
0x165: {  	v1 =	vld @!p3 [tilespmem:s20+$0x2AC0];
	_ =	sdelay $0x1  }
0x166: {  	v2 =	vld @!p3 [tilespmem:s20+$0x5240];
	_ =	sdelay $0x1  }
0x167: {  	v0 =	vmul.u32 @!p3 $0xC, v0  }
0x168: {  	v1 =	vshll.u32 @!p3 v1, $0x1  }
0x169: {  	v0 =	vadd.s32 @!p3 v0, v1  }
0x16a: {  	v0 =	vadd.s32 @!p3 v2, v0  }
0x16b: {  	s18 =	sor.u32 @!p3 $0x50, s29;
	[tilespmem:s20+$0x79C0] =	vst @!p3 v0  }
0x16c: {  	v0 =	vld @!p3 [tilespmem:s18+$0x0]  }
0x16d: {  	v1 =	vld @!p3 [tilespmem:s18+$0x2780];
	_ =	sdelay $0x1  }
0x16e: {  	v2 =	vld @!p3 [tilespmem:s18+$0x4F00];
	_ =	sdelay $0x1  }
0x16f: {  	v0 =	vmul.u32 @!p3 $0xC, v0  }
0x170: {  	v1 =	vshll.u32 @!p3 v1, $0x1  }
0x171: {  	v0 =	vadd.s32 @!p3 v0, v1  }
0x172: {  	v0 =	vadd.s32 @!p3 v2, v0  }
0x173: {  	s12 =	sor.u32 @!p3 $0x60, s12;
	[tilespmem:s18+$0x7680] =	vst @!p3 v0  }
0x174: {  	v0 =	vld @!p3 [tilespmem:s12+$0x0]  }
0x175: {  	v1 =	vld @!p3 [tilespmem:s12+$0x2780];
	_ =	sdelay $0x1  }
0x176: {  	v2 =	vld @!p3 [tilespmem:s12+$0x4F00];
	_ =	sdelay $0x1  }
0x177: {  	v0 =	vmul.u32 @!p3 $0xC, v0  }
0x178: {  	v1 =	vshll.u32 @!p3 v1, $0x1  }
0x179: {  	v0 =	vadd.s32 @!p3 v0, v1  }
0x17a: {  	v0 =	vadd.s32 @!p3 v2, v0  }
0x17b: {  	s18 =	sadd.s32 @!p3 $0x79A0, s20;
	[tilespmem:s12+$0x7680] =	vst @!p3 v0;
	s12 =	simm.s32 @!p3 $0xF000  }
0x17c: {  	[tilespmem:s12], [sflag:$0x3] =	stream.indirect.gather @!p3 [spmem:s2], $0x80, s18, s22, $0xb8;
	[tilespmem:$0x1E000] =	vst v63  }
0x17d: {  	s13 =	smul.u32 @p4 $0x50, s13;
	s12 =	simm.s32 @p4 $0x7  }
0x17e: {  	_ =	swait.ge @p4 [sflag:s12], $0x2800  }
0x17f: {  	s13 =	sadd.s32 @p4 s4, s13;
	[sflag:s12] =	ssyncset.done @p4 $0x0  }
0x180: {  	p1 =	sgt.u32 s21, $0x80;
	[sflag:s12] =	ssyncadd.s32 @p4 $0xFFFFD800;
	s12 =	sshll.u32 @p4 s13, $0x4  }
0x181: {  	s18 =	simm.s32 @p4 $0x19000;
	s13 =	simm.s32 @p4 $0x0;
	s12 =	sadd.s32 @p4 s0, s12  }
0x182: {  	[hbm4b:s12+s13] =	stream.linear.scatter @p4 [tilespmem:s18], [sflag:$0xF], $0x2800, $0x38;
	[tilespmem:$0x1E000] =	vst v63  }
0x183: {  	s12 =	simm.s32 @!p1 $0xC  }
0x184: {  	_ =	swait.ge @!p1 [sflag:s12], $0x2800  }
0x185: {  	[sflag:s12] =	ssyncset.done @!p1 $0x0  }
0x186: {  	[sflag:s12] =	ssyncadd.s32 @!p1 $0xFFFFD800  }
0x187: {  	v0 =	vld @!p3 [tilespmem:s20+$0x370]  }
0x188: {  	v1 =	vld @!p3 [tilespmem:s20+$0x2AF0]  }
0x189: {  	v2 =	vld @!p3 [tilespmem:s20+$0x5270]  }
0x18a: {  	v3 =	vld @!p3 [tilespmem:s20+$0x380]  }
0x18b: {  	v4 =	vld @!p3 [tilespmem:s20+$0x2B00]  }
0x18c: {  	v5 =	vld @!p3 [tilespmem:s20+$0x5280]  }
0x18d: {  	v6 =	vld @!p3 [tilespmem:s20+$0x390]  }
0x18e: {  	v7 =	vld @!p3 [tilespmem:s20+$0x2B10]  }
0x18f: {  	v8 =	vld @!p3 [tilespmem:s20+$0x5290]  }
0x190: {  	v9 =	vld @!p3 [tilespmem:s20+$0x3A0]  }
0x191: {  	v10 =	vld @!p3 [tilespmem:s20+$0x2B20]  }
0x192: {  	v11 =	vld @!p3 [tilespmem:s20+$0x3B0];
	v0 =	vmul.u32 @!p3 $0xC, v0  }
0x193: {  	v12 =	vld @!p3 [tilespmem:s20+$0x2B30];
	v1 =	vshll.u32 @!p3 v1, $0x1;
	v3 =	vmul.u32 @!p3 $0xC, v3  }
0x194: {  	v0 =	vadd.s32 @!p3 v0, v1;
	v1 =	vshll.u32 @!p3 v4, $0x1;
	v4 =	vld @!p3 [tilespmem:s20+$0x52A0]  }
0x195: {  	v0 =	vadd.s32 @!p3 v2, v0;
	v1 =	vadd.s32 @!p3 v3, v1;
	v2 =	vmul.u32 @!p3 $0xC, v6;
	v3 =	vld @!p3 [tilespmem:s20+$0x52B0]  }
0x196: {  	v6 =	vmul.u32 @!p3 $0xC, v9;
	v1 =	vadd.s32 @!p3 v5, v1;
	v5 =	vshll.u32 @!p3 v7, $0x1  }
0x197: {  	[tilespmem:s20+$0x79F0] =	vst @!p3 v0;
	v0 =	vadd.s32 @!p3 v2, v5;
	v2 =	vshll.u32 @!p3 v10, $0x1;
	v5 =	vmul.u32 @!p3 $0xC, v11  }
0x198: {  	[tilespmem:s20+$0x7A00] =	vst @!p3 v1;
	v0 =	vadd.s32 @!p3 v8, v0;
	v1 =	vadd.s32 @!p3 v6, v2;
	v2 =	vshll.u32 @!p3 v12, $0x1  }
0x199: {  	[tilespmem:s20+$0x7A10] =	vst @!p3 v0;
	v0 =	vadd.s32 @!p3 v4, v1;
	v1 =	vadd.s32 @!p3 v5, v2  }
0x19a: {  	s1 =	sadd.s32 $0x1, s1;
	[tilespmem:s20+$0x7A20] =	vst @!p3 v0;
	v0 =	vadd.s32 @!p3 v3, v1  }
0x19b: {  	s31 =	sadd.s32 $0xA00, s31;
	s13 =	simm.s32 @!p3 $0x11800;
	s12 =	sadd.s32 @!p3 $0x79F0, s20;
	[tilespmem:s20+$0x7A30] =	vst @!p3 v0  }
0x19c: {  	[tilespmem:s13], [sflag:$0x4] =	stream.indirect.gather @!p3 [spmem:s2], $0x80, s12, s22, $0xb8;
	[tilespmem:$0x1E000] =	vst v63  }
0x19d: {  	p1 =	sne.s32 s31, $0xAA00;
	s12 =	simm.s32 @p2 $0x8;
	s13 =	smul.u32 @p2 $0x50, s21  }
.Ltmp3:
0x19e: {  	s28 =	sadd.s32 $0x8, s28;
	_ =	swait.ge @p2 [sflag:s12], $0x2800;
	(pc) =	sbr.rel @!p1 .LBB2_6-.Ltmp3, $4  }
0x19f: {  	s30 =	sadd.s32 $0x2800, s30;
	[sflag:s12] =	ssyncset.done @p2 $0x0;
	s13 =	sadd.s32 @p2 s4, s13  }
0x1a0: {  	s29 =	sadd.s32 $0x280, s29;
	[sflag:s12] =	ssyncadd.s32 @p2 $0xFFFFD800;
	s12 =	sshll.u32 @p2 s13, $0x4  }
0x1a1: {  	s18 =	simm.s32 @p2 $0x1B800;
	s13 =	simm.s32 @p2 $0x0;
	s12 =	sadd.s32 @p2 s0, s12  }
0x1a2: {  	[hbm4b:s12+s13] =	stream.linear.scatter @p2 [tilespmem:s18], [sflag:$0x10], $0x2800, $0x38;
	[tilespmem:$0x1E000] =	vst v63  }
.LBB2_2:
0x1a3: {  	s12 =	sadd.s32 $0xFFFFFFF5, s28  }
0x1a4: {  	p2 =	sgt.u32 s12, $0x7C  }
0x1a5: {  	s12 =	simm.s32 @!p2 $0xD  }
0x1a6: {  	s20 =	sadd.s32 $0xFFFFFFFD, s28;
	_ =	swait.ge @!p2 [sflag:s12], $0x2800  }
0x1a7: {  	p1 =	sgt.u32 s20, $0x7C;
	[sflag:s12] =	ssyncset.done @!p2 $0x0  }
0x1a8: {  	[sflag:s12] =	ssyncadd.s32 @!p2 $0xFFFFD800;
	s12 =	sshra.s32 @!p1 s31, $0x2  }
0x1a9: {  	v0 =	vld @!p1 [tilespmem:s12+$0x140]  }
0x1aa: {  	v1 =	vld @!p1 [tilespmem:s12+$0x28C0];
	_ =	sdelay $0x1  }
0x1ab: {  	v2 =	vld @!p1 [tilespmem:s12+$0x5040];
	_ =	sdelay $0x1  }
0x1ac: {  	v0 =	vmul.u32 @!p1 $0xC, v0  }
0x1ad: {  	v1 =	vshll.u32 @!p1 v1, $0x1  }
0x1ae: {  	v0 =	vadd.s32 @!p1 v0, v1  }
0x1af: {  	s13 =	sadd.s32 @!p1 $0xFFFFFE00, s29;
	v0 =	vadd.s32 @!p1 v2, v0  }
0x1b0: {  	s18 =	sor.u32 @!p1 $0x50, s13;
	[tilespmem:s12+$0x77C0] =	vst @!p1 v0  }
0x1b1: {  	v0 =	vld @!p1 [tilespmem:s18+$0x0]  }
0x1b2: {  	v1 =	vld @!p1 [tilespmem:s18+$0x2780];
	_ =	sdelay $0x1  }
0x1b3: {  	v2 =	vld @!p1 [tilespmem:s18+$0x4F00];
	_ =	sdelay $0x1  }
0x1b4: {  	v0 =	vmul.u32 @!p1 $0xC, v0  }
0x1b5: {  	v1 =	vshll.u32 @!p1 v1, $0x1  }
0x1b6: {  	v0 =	vadd.s32 @!p1 v0, v1  }
0x1b7: {  	v0 =	vadd.s32 @!p1 v2, v0  }
0x1b8: {  	[tilespmem:s18+$0x7680] =	vst @!p1 v0;
	s18 =	sor.u32 @!p1 $0x60, s13  }
0x1b9: {  	v0 =	vld @!p1 [tilespmem:s18+$0x0]  }
0x1ba: {  	v1 =	vld @!p1 [tilespmem:s18+$0x2780];
	_ =	sdelay $0x1  }
0x1bb: {  	v2 =	vld @!p1 [tilespmem:s18+$0x4F00];
	_ =	sdelay $0x1  }
0x1bc: {  	v0 =	vmul.u32 @!p1 $0xC, v0  }
0x1bd: {  	v1 =	vshll.u32 @!p1 v1, $0x1  }
0x1be: {  	v0 =	vadd.s32 @!p1 v0, v1  }
0x1bf: {  	v0 =	vadd.s32 @!p1 v2, v0  }
0x1c0: {  	s13 =	sor.u32 @!p1 $0x70, s13;
	[tilespmem:s18+$0x7680] =	vst @!p1 v0  }
0x1c1: {  	v0 =	vld @!p1 [tilespmem:s13+$0x0]  }
0x1c2: {  	v1 =	vld @!p1 [tilespmem:s13+$0x2780];
	_ =	sdelay $0x1  }
0x1c3: {  	v2 =	vld @!p1 [tilespmem:s13+$0x4F00];
	_ =	sdelay $0x1  }
0x1c4: {  	v0 =	vmul.u32 @!p1 $0xC, v0  }
0x1c5: {  	v1 =	vshll.u32 @!p1 v1, $0x1  }
0x1c6: {  	v0 =	vadd.s32 @!p1 v0, v1  }
0x1c7: {  	v0 =	vadd.s32 @!p1 v2, v0  }
0x1c8: {  	[tilespmem:s13+$0x7680] =	vst @!p1 v0  }
0x1c9: {  	v0 =	vld @!p1 [tilespmem:s12+$0x180]  }
0x1ca: {  	v1 =	vld @!p1 [tilespmem:s12+$0x2900];
	_ =	sdelay $0x1  }
0x1cb: {  	v2 =	vld @!p1 [tilespmem:s12+$0x5080];
	_ =	sdelay $0x1  }
0x1cc: {  	p2 =	seq.s32 s31, $0xA000;
	v0 =	vmul.u32 @!p1 $0xC, v0  }
.Ltmp4:
0x1cd: {  	v1 =	vshll.u32 @!p1 v1, $0x1;
	(pc) =	sbr.rel @!p2 .LBB2_4-.Ltmp4, $4  }
0x1ce: {  	v0 =	vadd.s32 @!p1 v0, v1  }
0x1cf: {  	v0 =	vadd.s32 @!p1 v2, v0  }
0x1d0: {  	s18 =	simm.s32 @!p1 $0x14000;
	s13 =	sadd.s32 @!p1 $0x77C0, s12;
	[tilespmem:s12+$0x7800] =	vst @!p1 v0;
	s12 =	simm.s32 @!p1 $0x50  }
0x1d1: {  	[tilespmem:s18], [sflag:$0x5] =	stream.indirect.gather @!p1 [spmem:s2], $0x80, s13, s12, $0xb8;
	[tilespmem:$0x1E000] =	vst v63  }
.Ltmp5:
0x1d2: {  	(pc) =	sbr.rel .LBB2_5-.Ltmp5, $3  }
0x1d3: {  	_ =	sdelay $0x1  }
0x1d4: {  	s21 =	simm.s32 $0x87;
	s12 =	simm.s32 $0x85;
	s13 =	simm.s32 $0x86  }
0x1d5: {  	p4 =	por $0x0, $0x0;
	p5 =	por $0x0, $0x0;
	p2 =	por $0x0, $0x0  }
.LBB2_7:
0x1d6: {  	_ =	sfence.sel $0x180000  }
0x1d7: {  	[bflag:$0x0] =	sbarrier.arrive $0xFFFF  }
0x1d8: {  	_ =	strace $0x90000047  }
0x1d9: {  	[bflag:$0x2] =	sbarrier.arrive $0xFFFF  }
0x1da: {  	s0 =	rddreg [dreg:$0x3]  }
0x1db: {  	s0 =	sadd.s32 @!p0 $0x100000, s0  }
0x1dc: {  	[sflag:s0] =	ssyncadd.tile.s32 @!p0 $0x1;
	_ =	shalt  }
.Lfunc_end2:
_tile_overlayer_lowered:
.L_overlay_start_2:
0x1dd: {  	(tag) =	ssettag $0x2  }
0x1de: {  	s0 =	rddreg [dreg:$0x0];
	s2 =	stileid.u32  }
0x1df: {  	s1 =	rddreg [dreg:$0x1];
	p0 =	sne.s32 s2, $0x0  }
0x1e0: {  	s3 =	rddreg [dreg:$0x2];
	[bflag:$0x3] =	sbarrier.arrive $0xFFFF;
	s2 =	simm.s32 @!p0 $0x1C11  }
0x1e1: {  	[timem:s3], [sflag:s2] =	dma.local @!p0 [hbm:s0], s1  }
0x1e2: {  	s0 =	simm.s32 @!p0 $0x11  }
0x1e3: {  	_ =	swait.ge @!p0 [sflag:s0], s1  }
0x1e4: {  	s1 =	ssub.s32 @!p0 $0x0, s1;
	[sflag:s0] =	ssyncset.done @!p0 $0x0  }
0x1e5: {  	[sflag:s0] =	ssyncadd.s32 @!p0 s1  }
0x1e6: {  	[bflag:$0x3] =	sbarrier.arrive $0xFFFF  }
0x1e7: {  	_ =	shalt  }

</sc_bundles>
